<compile_context>
chip_gen: v7x
topology: tpu7x:2x2x1
jax: 0.10.2.dev20260603
libtpu: 0.0.44.dev20260713+nightly
codegen_flags: <defaults>
</compile_context>

<pallas_src>
import jax
import jax.numpy as jnp
from jax import lax
from jax.experimental import pallas as pl
from jax.experimental.pallas import tpu as pltpu, tpu_sc as plsc

NCB = 8
V = 100000
D = 64
N = 1024 * 50
NW = 32
POS_W = N // NW
CHUNK = 64
NCHUNK = POS_W // CHUNK
NPAIR = (NCHUNK - 1) // 2


def _body(idx_hbm, w_hbm, out_hbm, idx_buf, rows_buf, ob, gsem0, gsem1,
          osem0, osem1):
    nc = 2
    wid = lax.axis_index("s") * nc + lax.axis_index("c")
    out_base = wid * POS_W

    pltpu.sync_copy(idx_hbm.at[wid], idx_buf)

    gsems = (gsem0, gsem1)
    osems = (osem0, osem1)

    def issue(k, b):
        for c in range(NCB):
            pltpu.async_copy(
                w_hbm.at[c].at[idx_buf.at[c, k]], rows_buf.at[b, c], gsems[b]
            )

    def drain_gathers(b):
        for c in range(NCB):
            pltpu.make_async_copy(
                w_hbm.at[c].at[idx_buf.at[c, 0]], rows_buf.at[b, c], gsems[b]
            ).wait()

    def accumulate(b):
        def pos_body(p, _):
            for j in range(D // 16):
                sl = pl.ds(j * 16, 16)
                acc = rows_buf[b, 0, p, sl]
                for c in range(1, NCB):
                    acc = acc + rows_buf[b, c, p, sl]
                ob[b, p, sl] = acc
            return 0

        lax.fori_loop(0, CHUNK, pos_body, 0)

    def flush(k, b):
        pltpu.async_copy(
            ob.at[b], out_hbm.at[pl.ds(out_base + k * CHUNK, CHUNK)], osems[b]
        )

    def drain_flush(b):
        pltpu.make_async_copy(
            out_hbm.at[pl.ds(0, CHUNK)], ob.at[b], osems[b]
        ).wait()

    issue(0, 0)

    def pair_body(i, _):
        k = 2 * i
        issue(k + 1, 1)
        drain_gathers(0)

        @pl.when(i > 0)
        def _():
            drain_flush(0)

        accumulate(0)
        flush(k, 0)
        issue(k + 2, 0)
        drain_gathers(1)

        @pl.when(i > 0)
        def _():
            drain_flush(1)

        accumulate(1)
        flush(k + 1, 1)
        return 0

    lax.fori_loop(0, NPAIR, pair_body, 0)

    drain_gathers(0)
    drain_flush(0)
    accumulate(0)
    flush(NCHUNK - 1, 0)
    drain_flush(1)
    drain_flush(0)


def _run(idx4, weight):
    f = pl.kernel(
        _body,
        out_type=jax.ShapeDtypeStruct((N, D), jnp.float32),
        mesh=plsc.VectorSubcoreMesh(core_axis_name="c", subcore_axis_name="s"),
        scratch_types=[
            pltpu.VMEM((NCB, NCHUNK, CHUNK), jnp.int32),
            pltpu.VMEM((2, NCB, CHUNK, D), jnp.float32),
            pltpu.VMEM((2, CHUNK, D), jnp.float32),
            pltpu.SemaphoreType.DMA,
            pltpu.SemaphoreType.DMA,
            pltpu.SemaphoreType.DMA,
            pltpu.SemaphoreType.DMA,
        ],
        compiler_params=pltpu.CompilerParams(use_tc_tiling_on_sc=False),
    )
    return f(idx4, weight)


@jax.jit
def kernel(indices, weight):
    B, S, C = indices.shape
    idx4 = (
        indices.astype(jnp.int32)
        .reshape(NW, POS_W, C)
        .transpose(0, 2, 1)
        .reshape(NW, C, NCHUNK, CHUNK)
    )
    out = _run(idx4, weight)
    return out.reshape(B, S, D)

# --- scband reference (transcript-rebuilt; emitter-appended) ---
"""Pipeline reference for scband-very-simple-codebook-embedding-45655502356887 (READ-ONLY COPY).

The authoritative reference and input builder live on the scoring server;
editing this copy changes nothing except your own understanding.
"""

import jax, jax.numpy as jnp
import numpy as np

N_CODEBOOKS = 8
VOCAB_SIZE = 100000
DIM = 64
BATCH = 1024
SEQ_LEN = 50


def setup_inputs(seed: int = 0) -> dict:
    key = jax.random.key(seed)
    k_idx, k_w = jax.random.split(key)
    indices = jax.random.randint(k_idx, (BATCH, SEQ_LEN, N_CODEBOOKS), 0, VOCAB_SIZE, dtype=jnp.int64 if jax.config.jax_enable_x64 else jnp.int32)
    weight = jax.random.normal(k_w, (N_CODEBOOKS, VOCAB_SIZE, DIM), dtype=jnp.float32)
    return {"indices": indices, "weight": weight}


def reference(indices, weight):
    # indices: [B, S, C] int; weight: [C, V, D]
    # Faithful to the torch module: per-codebook embedding lookup, stack, sum.
    embeddings = []
    for i in range(N_CODEBOOKS):
        idx = indices[:, :, i]                      # [B, S]
        emb = jnp.take(weight[i], idx, axis=0)      # [B, S, D]
        embeddings.append(emb)
    output = jnp.stack(embeddings, axis=0).sum(axis=0)  # [B, S, D]
    return output

if __name__ == "__main__":
    import jax
    _d = setup_inputs()
    print(jax.jit(kernel)(*tuple(_d.values())))

</pallas_src>

<mosaic_0001>
#map = affine_map<(d0, d1) -> (0, 0, 0, 0)>
#map1 = affine_map<(d0, d1) -> (0, 0, 0)>
#map2 = affine_map<(d0, d1) -> (0, 0)>
module attributes {stable_mosaic.version = 14 : i64} {
  func.func @_body(%arg0: i32, %arg1: i32, %arg2: memref<32x8x25x64xi32, #tpu.memory_space<hbm>>, %arg3: memref<8x100000x64xf32, #tpu.memory_space<hbm>>, %arg4: memref<51200x64xf32, #tpu.memory_space<hbm>>, %arg5: memref<8x25x64xi32, #tpu.memory_space<vmem>>, %arg6: memref<2x8x64x64xf32, #tpu.memory_space<vmem>>, %arg7: memref<2x64x64xf32, #tpu.memory_space<vmem>>, %arg8: memref<!tpu.dma_semaphore, #tpu.memory_space<semaphore_mem>>, %arg9: memref<!tpu.dma_semaphore, #tpu.memory_space<semaphore_mem>>, %arg10: memref<!tpu.dma_semaphore, #tpu.memory_space<semaphore_mem>>, %arg11: memref<!tpu.dma_semaphore, #tpu.memory_space<semaphore_mem>>) attributes {dimension_semantics = [#tpu.dimension_semantics<core_parallel>, #tpu.dimension_semantics<subcore_parallel>], iteration_bounds = array<i64: 2, 16>, scalar_prefetch = 0 : i64, scratch_operands = 7 : i64, tpu.core_type = #tpu.core_type<sc_vector_subcore>, window_params = [{transform_indices = #map}, {transform_indices = #map1}, {transform_indices = #map2}]} {
    %mul3A = arith.constant 2 : i32
    %mul3A_0 = arith.muli %arg1, %mul3A : i32
    %add3A = arith.addi %mul3A_0, %arg0 : i32
    %mul3A_1 = arith.constant 1600 : i32
    %mul3A_2 = arith.muli %add3A, %mul3A_1 : i32
    "tpu.region"() ({
      %run_scoped3A = tpu.sem_alloc : memref<!tpu.dma_semaphore, #tpu.memory_space<semaphore_mem>>
      %dma_start3A_378 = arith.constant 0 : i32
      %dma_start3A_379 = arith.constant 0 : i32
      %dma_start3A_380 = arith.constant 0 : i32
      %dma_start3A_381 = tpu.memref_slice %arg2[%add3A, %dma_start3A_378, %dma_start3A_379, %dma_start3A_380] : memref<32x8x25x64xi32, #tpu.memory_space<hbm>> -> memref<1x8x25x64xi32, #tpu.memory_space<hbm>>
      %dma_start3A_382 = tpu.memref_squeeze %dma_start3A_381 : memref<1x8x25x64xi32, #tpu.memory_space<hbm>> -> memref<8x25x64xi32, #tpu.memory_space<hbm>>
      %dma_start3A_383 = arith.constant 0 : i32
      %dma_start3A_384 = arith.constant 0 : i32
      %dma_start3A_385 = arith.constant 0 : i32
      %dma_start3A_386 = tpu.memref_slice %arg2[%add3A, %dma_start3A_383, %dma_start3A_384, %dma_start3A_385] : memref<32x8x25x64xi32, #tpu.memory_space<hbm>> -> memref<1x8x25x64xi32, #tpu.memory_space<hbm>>
      %dma_start3A_387 = tpu.memref_squeeze %dma_start3A_386 : memref<1x8x25x64xi32, #tpu.memory_space<hbm>> -> memref<8x25x64xi32, #tpu.memory_space<hbm>>
      tpu.enqueue_dma source(%dma_start3A_387 : memref<8x25x64xi32, #tpu.memory_space<hbm>>) target(%arg5 : memref<8x25x64xi32, #tpu.memory_space<vmem>>) target_semaphore(%run_scoped3A : memref<!tpu.dma_semaphore, #tpu.memory_space<semaphore_mem>>)
      %dma_wait3A_388 = arith.constant 0 : i32
      %dma_wait3A_389 = arith.constant 0 : i32
      %dma_wait3A_390 = arith.constant 0 : i32
      %dma_wait3A_391 = tpu.memref_slice %arg2[%add3A, %dma_wait3A_388, %dma_wait3A_389, %dma_wait3A_390] : memref<32x8x25x64xi32, #tpu.memory_space<hbm>> -> memref<1x8x25x64xi32, #tpu.memory_space<hbm>>
      %dma_wait3A_392 = tpu.memref_squeeze %dma_wait3A_391 : memref<1x8x25x64xi32, #tpu.memory_space<hbm>> -> memref<8x25x64xi32, #tpu.memory_space<hbm>>
      %dma_wait3A_393 = arith.constant 0 : i32
      %dma_wait3A_394 = arith.constant 0 : i32
      %dma_wait3A_395 = arith.constant 0 : i32
      %dma_wait3A_396 = tpu.memref_slice %arg2[%add3A, %dma_wait3A_393, %dma_wait3A_394, %dma_wait3A_395] : memref<32x8x25x64xi32, #tpu.memory_space<hbm>> -> memref<1x8x25x64xi32, #tpu.memory_space<hbm>>
      %dma_wait3A_397 = tpu.memref_squeeze %dma_wait3A_396 : memref<1x8x25x64xi32, #tpu.memory_space<hbm>> -> memref<8x25x64xi32, #tpu.memory_space<hbm>>
      tpu.wait_dma2 semaphore(%run_scoped3A : memref<!tpu.dma_semaphore, #tpu.memory_space<semaphore_mem>>) src(%dma_wait3A_397 : memref<8x25x64xi32, #tpu.memory_space<hbm>>) dst(%arg5 : memref<8x25x64xi32, #tpu.memory_space<vmem>>)
      tpu.yield
    }) : () -> ()
    %dma_start3A = arith.constant 0 : i32
    %dma_start3A_3 = arith.constant 0 : i32
    %dma_start3A_4 = arith.constant 0 : i32
    %dma_start3A_5 = arith.constant 0 : i32
    %dma_start3A_6 = arith.constant 0 : i32
    %dma_start3A_7 = arith.constant 0 : i32
    %dma_start3A_8 = arith.constant 0 : i32
    %dma_start3A_9 = tpu.memref_slice %arg6[%dma_start3A_5, %dma_start3A_6, %dma_start3A_7, %dma_start3A_8] : memref<2x8x64x64xf32, #tpu.memory_space<vmem>> -> memref<1x1x64x64xf32, #tpu.memory_space<vmem>>
    %dma_start3A_10 = tpu.memref_squeeze %dma_start3A_9 : memref<1x1x64x64xf32, #tpu.memory_space<vmem>> -> memref<64x64xf32, #tpu.memory_space<vmem>>
    %dma_start3A_11 = arith.constant 0 : i32
    %dma_start3A_12 = tpu.memref_slice %arg5[%dma_start3A_3, %dma_start3A_4, %dma_start3A_11] : memref<8x25x64xi32, #tpu.memory_space<vmem>> -> memref<1x1x64xi32, #tpu.memory_space<vmem>>
    %dma_start3A_13 = tpu.memref_squeeze %dma_start3A_12 : memref<1x1x64xi32, #tpu.memory_space<vmem>> -> memref<64xi32, #tpu.memory_space<vmem>>
    %dma_start3A_14 = arith.constant 0 : i32
    %dma_start3A_15 = arith.constant 0 : i32
    %dma_start3A_16 = tpu.memref_slice %arg3[%dma_start3A, %dma_start3A_14, %dma_start3A_15] : memref<8x100000x64xf32, #tpu.memory_space<hbm>> -> memref<1x100000x64xf32, #tpu.memory_space<hbm>>
    %dma_start3A_17 = tpu.memref_squeeze %dma_start3A_16 : memref<1x100000x64xf32, #tpu.memory_space<hbm>> -> memref<100000x64xf32, #tpu.memory_space<hbm>>
    %dma_start3A_18 = arith.constant 0 : i32
    %dma_start3A_19 = arith.constant 0 : i32
    %dma_start3A_20 = tpu.memref_slice %dma_start3A_17[%dma_start3A_18, %dma_start3A_19] : memref<100000x64xf32, #tpu.memory_space<hbm>> -> memref<100000x64xf32, #tpu.memory_space<hbm>>
    tpu.enqueue_indirect_dma source(%dma_start3A_20 : memref<100000x64xf32, #tpu.memory_space<hbm>>) target(%dma_start3A_10 : memref<64x64xf32, #tpu.memory_space<vmem>>) offsets(%dma_start3A_13 : memref<64xi32, #tpu.memory_space<vmem>>) semaphore(%arg8 : memref<!tpu.dma_semaphore, #tpu.memory_space<semaphore_mem>>)
    %dma_start3A_21 = arith.constant 1 : i32
    %dma_start3A_22 = arith.constant 1 : i32
    %dma_start3A_23 = arith.constant 0 : i32
    %dma_start3A_24 = arith.constant 0 : i32
    %dma_start3A_25 = arith.constant 1 : i32
    %dma_start3A_26 = arith.constant 0 : i32
    %dma_start3A_27 = arith.constant 0 : i32
    %dma_start3A_28 = tpu.memref_slice %arg6[%dma_start3A_24, %dma_start3A_25, %dma_start3A_26, %dma_start3A_27] : memref<2x8x64x64xf32, #tpu.memory_space<vmem>> -> memref<1x1x64x64xf32, #tpu.memory_space<vmem>>
    %dma_start3A_29 = tpu.memref_squeeze %dma_start3A_28 : memref<1x1x64x64xf32, #tpu.memory_space<vmem>> -> memref<64x64xf32, #tpu.memory_space<vmem>>
    %dma_start3A_30 = arith.constant 0 : i32
    %dma_start3A_31 = tpu.memref_slice %arg5[%dma_start3A_22, %dma_start3A_23, %dma_start3A_30] : memref<8x25x64xi32, #tpu.memory_space<vmem>> -> memref<1x1x64xi32, #tpu.memory_space<vmem>>
    %dma_start3A_32 = tpu.memref_squeeze %dma_start3A_31 : memref<1x1x64xi32, #tpu.memory_space<vmem>> -> memref<64xi32, #tpu.memory_space<vmem>>
    %dma_start3A_33 = arith.constant 0 : i32
    %dma_start3A_34 = arith.constant 0 : i32
    %dma_start3A_35 = tpu.memref_slice %arg3[%dma_start3A_21, %dma_start3A_33, %dma_start3A_34] : memref<8x100000x64xf32, #tpu.memory_space<hbm>> -> memref<1x100000x64xf32, #tpu.memory_space<hbm>>
    %dma_start3A_36 = tpu.memref_squeeze %dma_start3A_35 : memref<1x100000x64xf32, #tpu.memory_space<hbm>> -> memref<100000x64xf32, #tpu.memory_space<hbm>>
    %dma_start3A_37 = arith.constant 0 : i32
    %dma_start3A_38 = arith.constant 0 : i32
    %dma_start3A_39 = tpu.memref_slice %dma_start3A_36[%dma_start3A_37, %dma_start3A_38] : memref<100000x64xf32, #tpu.memory_space<hbm>> -> memref<100000x64xf32, #tpu.memory_space<hbm>>
    tpu.enqueue_indirect_dma source(%dma_start3A_39 : memref<100000x64xf32, #tpu.memory_space<hbm>>) target(%dma_start3A_29 : memref<64x64xf32, #tpu.memory_space<vmem>>) offsets(%dma_start3A_32 : memref<64xi32, #tpu.memory_space<vmem>>) semaphore(%arg8 : memref<!tpu.dma_semaphore, #tpu.memory_space<semaphore_mem>>)
    %dma_start3A_40 = arith.constant 2 : i32
    %dma_start3A_41 = arith.constant 2 : i32
    %dma_start3A_42 = arith.constant 0 : i32
    %dma_start3A_43 = arith.constant 0 : i32
    %dma_start3A_44 = arith.constant 2 : i32
    %dma_start3A_45 = arith.constant 0 : i32
    %dma_start3A_46 = arith.constant 0 : i32
    %dma_start3A_47 = tpu.memref_slice %arg6[%dma_start3A_43, %dma_start3A_44, %dma_start3A_45, %dma_start3A_46] : memref<2x8x64x64xf32, #tpu.memory_space<vmem>> -> memref<1x1x64x64xf32, #tpu.memory_space<vmem>>
    %dma_start3A_48 = tpu.memref_squeeze %dma_start3A_47 : memref<1x1x64x64xf32, #tpu.memory_space<vmem>> -> memref<64x64xf32, #tpu.memory_space<vmem>>
    %dma_start3A_49 = arith.constant 0 : i32
    %dma_start3A_50 = tpu.memref_slice %arg5[%dma_start3A_41, %dma_start3A_42, %dma_start3A_49] : memref<8x25x64xi32, #tpu.memory_space<vmem>> -> memref<1x1x64xi32, #tpu.memory_space<vmem>>
    %dma_start3A_51 = tpu.memref_squeeze %dma_start3A_50 : memref<1x1x64xi32, #tpu.memory_space<vmem>> -> memref<64xi32, #tpu.memory_space<vmem>>
    %dma_start3A_52 = arith.constant 0 : i32
    %dma_start3A_53 = arith.constant 0 : i32
    %dma_start3A_54 = tpu.memref_slice %arg3[%dma_start3A_40, %dma_start3A_52, %dma_start3A_53] : memref<8x100000x64xf32, #tpu.memory_space<hbm>> -> memref<1x100000x64xf32, #tpu.memory_space<hbm>>
    %dma_start3A_55 = tpu.memref_squeeze %dma_start3A_54 : memref<1x100000x64xf32, #tpu.memory_space<hbm>> -> memref<100000x64xf32, #tpu.memory_space<hbm>>
    %dma_start3A_56 = arith.constant 0 : i32
    %dma_start3A_57 = arith.constant 0 : i32
    %dma_start3A_58 = tpu.memref_slice %dma_start3A_55[%dma_start3A_56, %dma_start3A_57] : memref<100000x64xf32, #tpu.memory_space<hbm>> -> memref<100000x64xf32, #tpu.memory_space<hbm>>
    tpu.enqueue_indirect_dma source(%dma_start3A_58 : memref<100000x64xf32, #tpu.memory_space<hbm>>) target(%dma_start3A_48 : memref<64x64xf32, #tpu.memory_space<vmem>>) offsets(%dma_start3A_51 : memref<64xi32, #tpu.memory_space<vmem>>) semaphore(%arg8 : memref<!tpu.dma_semaphore, #tpu.memory_space<semaphore_mem>>)
    %dma_start3A_59 = arith.constant 3 : i32
    %dma_start3A_60 = arith.constant 3 : i32
    %dma_start3A_61 = arith.constant 0 : i32
    %dma_start3A_62 = arith.constant 0 : i32
    %dma_start3A_63 = arith.constant 3 : i32
    %dma_start3A_64 = arith.constant 0 : i32
    %dma_start3A_65 = arith.constant 0 : i32
    %dma_start3A_66 = tpu.memref_slice %arg6[%dma_start3A_62, %dma_start3A_63, %dma_start3A_64, %dma_start3A_65] : memref<2x8x64x64xf32, #tpu.memory_space<vmem>> -> memref<1x1x64x64xf32, #tpu.memory_space<vmem>>
    %dma_start3A_67 = tpu.memref_squeeze %dma_start3A_66 : memref<1x1x64x64xf32, #tpu.memory_space<vmem>> -> memref<64x64xf32, #tpu.memory_space<vmem>>
    %dma_start3A_68 = arith.constant 0 : i32
    %dma_start3A_69 = tpu.memref_slice %arg5[%dma_start3A_60, %dma_start3A_61, %dma_start3A_68] : memref<8x25x64xi32, #tpu.memory_space<vmem>> -> memref<1x1x64xi32, #tpu.memory_space<vmem>>
    %dma_start3A_70 = tpu.memref_squeeze %dma_start3A_69 : memref<1x1x64xi32, #tpu.memory_space<vmem>> -> memref<64xi32, #tpu.memory_space<vmem>>
    %dma_start3A_71 = arith.constant 0 : i32
    %dma_start3A_72 = arith.constant 0 : i32
    %dma_start3A_73 = tpu.memref_slice %arg3[%dma_start3A_59, %dma_start3A_71, %dma_start3A_72] : memref<8x100000x64xf32, #tpu.memory_space<hbm>> -> memref<1x100000x64xf32, #tpu.memory_space<hbm>>
    %dma_start3A_74 = tpu.memref_squeeze %dma_start3A_73 : memref<1x100000x64xf32, #tpu.memory_space<hbm>> -> memref<100000x64xf32, #tpu.memory_space<hbm>>
    %dma_start3A_75 = arith.constant 0 : i32
    %dma_start3A_76 = arith.constant 0 : i32
    %dma_start3A_77 = tpu.memref_slice %dma_start3A_74[%dma_start3A_75, %dma_start3A_76] : memref<100000x64xf32, #tpu.memory_space<hbm>> -> memref<100000x64xf32, #tpu.memory_space<hbm>>
    tpu.enqueue_indirect_dma source(%dma_start3A_77 : memref<100000x64xf32, #tpu.memory_space<hbm>>) target(%dma_start3A_67 : memref<64x64xf32, #tpu.memory_space<vmem>>) offsets(%dma_start3A_70 : memref<64xi32, #tpu.memory_space<vmem>>) semaphore(%arg8 : memref<!tpu.dma_semaphore, #tpu.memory_space<semaphore_mem>>)
    %dma_start3A_78 = arith.constant 4 : i32
    %dma_start3A_79 = arith.constant 4 : i32
    %dma_start3A_80 = arith.constant 0 : i32
    %dma_start3A_81 = arith.constant 0 : i32
    %dma_start3A_82 = arith.constant 4 : i32
    %dma_start3A_83 = arith.constant 0 : i32
    %dma_start3A_84 = arith.constant 0 : i32
    %dma_start3A_85 = tpu.memref_slice %arg6[%dma_start3A_81, %dma_start3A_82, %dma_start3A_83, %dma_start3A_84] : memref<2x8x64x64xf32, #tpu.memory_space<vmem>> -> memref<1x1x64x64xf32, #tpu.memory_space<vmem>>
    %dma_start3A_86 = tpu.memref_squeeze %dma_start3A_85 : memref<1x1x64x64xf32, #tpu.memory_space<vmem>> -> memref<64x64xf32, #tpu.memory_space<vmem>>
    %dma_start3A_87 = arith.constant 0 : i32
    %dma_start3A_88 = tpu.memref_slice %arg5[%dma_start3A_79, %dma_start3A_80, %dma_start3A_87] : memref<8x25x64xi32, #tpu.memory_space<vmem>> -> memref<1x1x64xi32, #tpu.memory_space<vmem>>
    %dma_start3A_89 = tpu.memref_squeeze %dma_start3A_88 : memref<1x1x64xi32, #tpu.memory_space<vmem>> -> memref<64xi32, #tpu.memory_space<vmem>>
    %dma_start3A_90 = arith.constant 0 : i32
    %dma_start3A_91 = arith.constant 0 : i32
    %dma_start3A_92 = tpu.memref_slice %arg3[%dma_start3A_78, %dma_start3A_90, %dma_start3A_91] : memref<8x100000x64xf32, #tpu.memory_space<hbm>> -> memref<1x100000x64xf32, #tpu.memory_space<hbm>>
    %dma_start3A_93 = tpu.memref_squeeze %dma_start3A_92 : memref<1x100000x64xf32, #tpu.memory_space<hbm>> -> memref<100000x64xf32, #tpu.memory_space<hbm>>
    %dma_start3A_94 = arith.constant 0 : i32
    %dma_start3A_95 = arith.constant 0 : i32
    %dma_start3A_96 = tpu.memref_slice %dma_start3A_93[%dma_start3A_94, %dma_start3A_95] : memref<100000x64xf32, #tpu.memory_space<hbm>> -> memref<100000x64xf32, #tpu.memory_space<hbm>>
    tpu.enqueue_indirect_dma source(%dma_start3A_96 : memref<100000x64xf32, #tpu.memory_space<hbm>>) target(%dma_start3A_86 : memref<64x64xf32, #tpu.memory_space<vmem>>) offsets(%dma_start3A_89 : memref<64xi32, #tpu.memory_space<vmem>>) semaphore(%arg8 : memref<!tpu.dma_semaphore, #tpu.memory_space<semaphore_mem>>)
    %dma_start3A_97 = arith.constant 5 : i32
    %dma_start3A_98 = arith.constant 5 : i32
    %dma_start3A_99 = arith.constant 0 : i32
    %dma_start3A_100 = arith.constant 0 : i32
    %dma_start3A_101 = arith.constant 5 : i32
    %dma_start3A_102 = arith.constant 0 : i32
    %dma_start3A_103 = arith.constant 0 : i32
    %dma_start3A_104 = tpu.memref_slice %arg6[%dma_start3A_100, %dma_start3A_101, %dma_start3A_102, %dma_start3A_103] : memref<2x8x64x64xf32, #tpu.memory_space<vmem>> -> memref<1x1x64x64xf32, #tpu.memory_space<vmem>>
    %dma_start3A_105 = tpu.memref_squeeze %dma_start3A_104 : memref<1x1x64x64xf32, #tpu.memory_space<vmem>> -> memref<64x64xf32, #tpu.memory_space<vmem>>
    %dma_start3A_106 = arith.constant 0 : i32
    %dma_start3A_107 = tpu.memref_slice %arg5[%dma_start3A_98, %dma_start3A_99, %dma_start3A_106] : memref<8x25x64xi32, #tpu.memory_space<vmem>> -> memref<1x1x64xi32, #tpu.memory_space<vmem>>
    %dma_start3A_108 = tpu.memref_squeeze %dma_start3A_107 : memref<1x1x64xi32, #tpu.memory_space<vmem>> -> memref<64xi32, #tpu.memory_space<vmem>>
    %dma_start3A_109 = arith.constant 0 : i32
    %dma_start3A_110 = arith.constant 0 : i32
    %dma_start3A_111 = tpu.memref_slice %arg3[%dma_start3A_97, %dma_start3A_109, %dma_start3A_110] : memref<8x100000x64xf32, #tpu.memory_space<hbm>> -> memref<1x100000x64xf32, #tpu.memory_space<hbm>>
    %dma_start3A_112 = tpu.memref_squeeze %dma_start3A_111 : memref<1x100000x64xf32, #tpu.memory_space<hbm>> -> memref<100000x64xf32, #tpu.memory_space<hbm>>
    %dma_start3A_113 = arith.constant 0 : i32
    %dma_start3A_114 = arith.constant 0 : i32
    %dma_start3A_115 = tpu.memref_slice %dma_start3A_112[%dma_start3A_113, %dma_start3A_114] : memref<100000x64xf32, #tpu.memory_space<hbm>> -> memref<100000x64xf32, #tpu.memory_space<hbm>>
    tpu.enqueue_indirect_dma source(%dma_start3A_115 : memref<100000x64xf32, #tpu.memory_space<hbm>>) target(%dma_start3A_105 : memref<64x64xf32, #tpu.memory_space<vmem>>) offsets(%dma_start3A_108 : memref<64xi32, #tpu.memory_space<vmem>>) semaphore(%arg8 : memref<!tpu.dma_semaphore, #tpu.memory_space<semaphore_mem>>)
    %dma_start3A_116 = arith.constant 6 : i32
    %dma_start3A_117 = arith.constant 6 : i32
    %dma_start3A_118 = arith.constant 0 : i32
    %dma_start3A_119 = arith.constant 0 : i32
    %dma_start3A_120 = arith.constant 6 : i32
    %dma_start3A_121 = arith.constant 0 : i32
    %dma_start3A_122 = arith.constant 0 : i32
    %dma_start3A_123 = tpu.memref_slice %arg6[%dma_start3A_119, %dma_start3A_120, %dma_start3A_121, %dma_start3A_122] : memref<2x8x64x64xf32, #tpu.memory_space<vmem>> -> memref<1x1x64x64xf32, #tpu.memory_space<vmem>>
    %dma_start3A_124 = tpu.memref_squeeze %dma_start3A_123 : memref<1x1x64x64xf32, #tpu.memory_space<vmem>> -> memref<64x64xf32, #tpu.memory_space<vmem>>
    %dma_start3A_125 = arith.constant 0 : i32
    %dma_start3A_126 = tpu.memref_slice %arg5[%dma_start3A_117, %dma_start3A_118, %dma_start3A_125] : memref<8x25x64xi32, #tpu.memory_space<vmem>> -> memref<1x1x64xi32, #tpu.memory_space<vmem>>
    %dma_start3A_127 = tpu.memref_squeeze %dma_start3A_126 : memref<1x1x64xi32, #tpu.memory_space<vmem>> -> memref<64xi32, #tpu.memory_space<vmem>>
    %dma_start3A_128 = arith.constant 0 : i32
    %dma_start3A_129 = arith.constant 0 : i32
    %dma_start3A_130 = tpu.memref_slice %arg3[%dma_start3A_116, %dma_start3A_128, %dma_start3A_129] : memref<8x100000x64xf32, #tpu.memory_space<hbm>> -> memref<1x100000x64xf32, #tpu.memory_space<hbm>>
    %dma_start3A_131 = tpu.memref_squeeze %dma_start3A_130 : memref<1x100000x64xf32, #tpu.memory_space<hbm>> -> memref<100000x64xf32, #tpu.memory_space<hbm>>
    %dma_start3A_132 = arith.constant 0 : i32
    %dma_start3A_133 = arith.constant 0 : i32
    %dma_start3A_134 = tpu.memref_slice %dma_start3A_131[%dma_start3A_132, %dma_start3A_133] : memref<100000x64xf32, #tpu.memory_space<hbm>> -> memref<100000x64xf32, #tpu.memory_space<hbm>>
    tpu.enqueue_indirect_dma source(%dma_start3A_134 : memref<100000x64xf32, #tpu.memory_space<hbm>>) target(%dma_start3A_124 : memref<64x64xf32, #tpu.memory_space<vmem>>) offsets(%dma_start3A_127 : memref<64xi32, #tpu.memory_space<vmem>>) semaphore(%arg8 : memref<!tpu.dma_semaphore, #tpu.memory_space<semaphore_mem>>)
    %dma_start3A_135 = arith.constant 7 : i32
    %dma_start3A_136 = arith.constant 7 : i32
    %dma_start3A_137 = arith.constant 0 : i32
    %dma_start3A_138 = arith.constant 0 : i32
    %dma_start3A_139 = arith.constant 7 : i32
    %dma_start3A_140 = arith.constant 0 : i32
    %dma_start3A_141 = arith.constant 0 : i32
    %dma_start3A_142 = tpu.memref_slice %arg6[%dma_start3A_138, %dma_start3A_139, %dma_start3A_140, %dma_start3A_141] : memref<2x8x64x64xf32, #tpu.memory_space<vmem>> -> memref<1x1x64x64xf32, #tpu.memory_space<vmem>>
    %dma_start3A_143 = tpu.memref_squeeze %dma_start3A_142 : memref<1x1x64x64xf32, #tpu.memory_space<vmem>> -> memref<64x64xf32, #tpu.memory_space<vmem>>
    %dma_start3A_144 = arith.constant 0 : i32
    %dma_start3A_145 = tpu.memref_slice %arg5[%dma_start3A_136, %dma_start3A_137, %dma_start3A_144] : memref<8x25x64xi32, #tpu.memory_space<vmem>> -> memref<1x1x64xi32, #tpu.memory_space<vmem>>
    %dma_start3A_146 = tpu.memref_squeeze %dma_start3A_145 : memref<1x1x64xi32, #tpu.memory_space<vmem>> -> memref<64xi32, #tpu.memory_space<vmem>>
    %dma_start3A_147 = arith.constant 0 : i32
    %dma_start3A_148 = arith.constant 0 : i32
    %dma_start3A_149 = tpu.memref_slice %arg3[%dma_start3A_135, %dma_start3A_147, %dma_start3A_148] : memref<8x100000x64xf32, #tpu.memory_space<hbm>> -> memref<1x100000x64xf32, #tpu.memory_space<hbm>>
    %dma_start3A_150 = tpu.memref_squeeze %dma_start3A_149 : memref<1x100000x64xf32, #tpu.memory_space<hbm>> -> memref<100000x64xf32, #tpu.memory_space<hbm>>
    %dma_start3A_151 = arith.constant 0 : i32
    %dma_start3A_152 = arith.constant 0 : i32
    %dma_start3A_153 = tpu.memref_slice %dma_start3A_150[%dma_start3A_151, %dma_start3A_152] : memref<100000x64xf32, #tpu.memory_space<hbm>> -> memref<100000x64xf32, #tpu.memory_space<hbm>>
    tpu.enqueue_indirect_dma source(%dma_start3A_153 : memref<100000x64xf32, #tpu.memory_space<hbm>>) target(%dma_start3A_143 : memref<64x64xf32, #tpu.memory_space<vmem>>) offsets(%dma_start3A_146 : memref<64xi32, #tpu.memory_space<vmem>>) semaphore(%arg8 : memref<!tpu.dma_semaphore, #tpu.memory_space<semaphore_mem>>)
    %scan3A = arith.constant 0 : i32
    %scan3A_154 = arith.constant 0 : i32
    %scan3A_155 = arith.constant 12 : i32
    %scan3A_156 = arith.addi %scan3A_154, %scan3A_155 : i32
    %scan3A_157 = arith.constant 1 : i32
    %scan3A_158 = scf.for %scan3A_378 = %scan3A_154 to %scan3A_156 step %scan3A_157 iter_args(%scan3A_379 = %scan3A) -> (i32)  : i32 {
      %mul3A_380 = arith.constant 2 : i32
      %mul3A_381 = arith.muli %mul3A_380, %scan3A_378 : i32
      %add3A_382 = arith.constant 1 : i32
      %add3A_383 = arith.addi %mul3A_381, %add3A_382 : i32
      %dma_start3A_384 = arith.constant 0 : i32
      %dma_start3A_385 = arith.constant 0 : i32
      %dma_start3A_386 = arith.constant 1 : i32
      %dma_start3A_387 = arith.constant 0 : i32
      %dma_start3A_388 = arith.constant 0 : i32
      %dma_start3A_389 = arith.constant 0 : i32
      %dma_start3A_390 = tpu.memref_slice %arg6[%dma_start3A_386, %dma_start3A_387, %dma_start3A_388, %dma_start3A_389] : memref<2x8x64x64xf32, #tpu.memory_space<vmem>> -> memref<1x1x64x64xf32, #tpu.memory_space<vmem>>
      %dma_start3A_391 = tpu.memref_squeeze %dma_start3A_390 : memref<1x1x64x64xf32, #tpu.memory_space<vmem>> -> memref<64x64xf32, #tpu.memory_space<vmem>>
      %dma_start3A_392 = arith.constant 0 : i32
      %dma_start3A_393 = tpu.memref_slice %arg5[%dma_start3A_385, %add3A_383, %dma_start3A_392] : memref<8x25x64xi32, #tpu.memory_space<vmem>> -> memref<1x1x64xi32, #tpu.memory_space<vmem>>
      %dma_start3A_394 = tpu.memref_squeeze %dma_start3A_393 : memref<1x1x64xi32, #tpu.memory_space<vmem>> -> memref<64xi32, #tpu.memory_space<vmem>>
      %dma_start3A_395 = arith.constant 0 : i32
      %dma_start3A_396 = arith.constant 0 : i32
      %dma_start3A_397 = tpu.memref_slice %arg3[%dma_start3A_384, %dma_start3A_395, %dma_start3A_396] : memref<8x100000x64xf32, #tpu.memory_space<hbm>> -> memref<1x100000x64xf32, #tpu.memory_space<hbm>>
      %dma_start3A_398 = tpu.memref_squeeze %dma_start3A_397 : memref<1x100000x64xf32, #tpu.memory_space<hbm>> -> memref<100000x64xf32, #tpu.memory_space<hbm>>
      %dma_start3A_399 = arith.constant 0 : i32
      %dma_start3A_400 = arith.constant 0 : i32
      %dma_start3A_401 = tpu.memref_slice %dma_start3A_398[%dma_start3A_399, %dma_start3A_400] : memref<100000x64xf32, #tpu.memory_space<hbm>> -> memref<100000x64xf32, #tpu.memory_space<hbm>>
      tpu.enqueue_indirect_dma source(%dma_start3A_401 : memref<100000x64xf32, #tpu.memory_space<hbm>>) target(%dma_start3A_391 : memref<64x64xf32, #tpu.memory_space<vmem>>) offsets(%dma_start3A_394 : memref<64xi32, #tpu.memory_space<vmem>>) semaphore(%arg9 : memref<!tpu.dma_semaphore, #tpu.memory_space<semaphore_mem>>)
      %dma_start3A_402 = arith.constant 1 : i32
      %dma_start3A_403 = arith.constant 1 : i32
      %dma_start3A_404 = arith.constant 1 : i32
      %dma_start3A_405 = arith.constant 1 : i32
      %dma_start3A_406 = arith.constant 0 : i32
      %dma_start3A_407 = arith.constant 0 : i32
      %dma_start3A_408 = tpu.memref_slice %arg6[%dma_start3A_404, %dma_start3A_405, %dma_start3A_406, %dma_start3A_407] : memref<2x8x64x64xf32, #tpu.memory_space<vmem>> -> memref<1x1x64x64xf32, #tpu.memory_space<vmem>>
      %dma_start3A_409 = tpu.memref_squeeze %dma_start3A_408 : memref<1x1x64x64xf32, #tpu.memory_space<vmem>> -> memref<64x64xf32, #tpu.memory_space<vmem>>
      %dma_start3A_410 = arith.constant 0 : i32
      %dma_start3A_411 = tpu.memref_slice %arg5[%dma_start3A_403, %add3A_383, %dma_start3A_410] : memref<8x25x64xi32, #tpu.memory_space<vmem>> -> memref<1x1x64xi32, #tpu.memory_space<vmem>>
      %dma_start3A_412 = tpu.memref_squeeze %dma_start3A_411 : memref<1x1x64xi32, #tpu.memory_space<vmem>> -> memref<64xi32, #tpu.memory_space<vmem>>
      %dma_start3A_413 = arith.constant 0 : i32
      %dma_start3A_414 = arith.constant 0 : i32
      %dma_start3A_415 = tpu.memref_slice %arg3[%dma_start3A_402, %dma_start3A_413, %dma_start3A_414] : memref<8x100000x64xf32, #tpu.memory_space<hbm>> -> memref<1x100000x64xf32, #tpu.memory_space<hbm>>
      %dma_start3A_416 = tpu.memref_squeeze %dma_start3A_415 : memref<1x100000x64xf32, #tpu.memory_space<hbm>> -> memref<100000x64xf32, #tpu.memory_space<hbm>>
      %dma_start3A_417 = arith.constant 0 : i32
      %dma_start3A_418 = arith.constant 0 : i32
      %dma_start3A_419 = tpu.memref_slice %dma_start3A_416[%dma_start3A_417, %dma_start3A_418] : memref<100000x64xf32, #tpu.memory_space<hbm>> -> memref<100000x64xf32, #tpu.memory_space<hbm>>
      tpu.enqueue_indirect_dma source(%dma_start3A_419 : memref<100000x64xf32, #tpu.memory_space<hbm>>) target(%dma_start3A_409 : memref<64x64xf32, #tpu.memory_space<vmem>>) offsets(%dma_start3A_412 : memref<64xi32, #tpu.memory_space<vmem>>) semaphore(%arg9 : memref<!tpu.dma_semaphore, #tpu.memory_space<semaphore_mem>>)
      %dma_start3A_420 = arith.constant 2 : i32
      %dma_start3A_421 = arith.constant 2 : i32
      %dma_start3A_422 = arith.constant 1 : i32
      %dma_start3A_423 = arith.constant 2 : i32
      %dma_start3A_424 = arith.constant 0 : i32
      %dma_start3A_425 = arith.constant 0 : i32
      %dma_start3A_426 = tpu.memref_slice %arg6[%dma_start3A_422, %dma_start3A_423, %dma_start3A_424, %dma_start3A_425] : memref<2x8x64x64xf32, #tpu.memory_space<vmem>> -> memref<1x1x64x64xf32, #tpu.memory_space<vmem>>
      %dma_start3A_427 = tpu.memref_squeeze %dma_start3A_426 : memref<1x1x64x64xf32, #tpu.memory_space<vmem>> -> memref<64x64xf32, #tpu.memory_space<vmem>>
      %dma_start3A_428 = arith.constant 0 : i32
      %dma_start3A_429 = tpu.memref_slice %arg5[%dma_start3A_421, %add3A_383, %dma_start3A_428] : memref<8x25x64xi32, #tpu.memory_space<vmem>> -> memref<1x1x64xi32, #tpu.memory_space<vmem>>
      %dma_start3A_430 = tpu.memref_squeeze %dma_start3A_429 : memref<1x1x64xi32, #tpu.memory_space<vmem>> -> memref<64xi32, #tpu.memory_space<vmem>>
      %dma_start3A_431 = arith.constant 0 : i32
      %dma_start3A_432 = arith.constant 0 : i32
      %dma_start3A_433 = tpu.memref_slice %arg3[%dma_start3A_420, %dma_start3A_431, %dma_start3A_432] : memref<8x100000x64xf32, #tpu.memory_space<hbm>> -> memref<1x100000x64xf32, #tpu.memory_space<hbm>>
      %dma_start3A_434 = tpu.memref_squeeze %dma_start3A_433 : memref<1x100000x64xf32, #tpu.memory_space<hbm>> -> memref<100000x64xf32, #tpu.memory_space<hbm>>
      %dma_start3A_435 = arith.constant 0 : i32
      %dma_start3A_436 = arith.constant 0 : i32
      %dma_start3A_437 = tpu.memref_slice %dma_start3A_434[%dma_start3A_435, %dma_start3A_436] : memref<100000x64xf32, #tpu.memory_space<hbm>> -> memref<100000x64xf32, #tpu.memory_space<hbm>>
      tpu.enqueue_indirect_dma source(%dma_start3A_437 : memref<100000x64xf32, #tpu.memory_space<hbm>>) target(%dma_start3A_427 : memref<64x64xf32, #tpu.memory_space<vmem>>) offsets(%dma_start3A_430 : memref<64xi32, #tpu.memory_space<vmem>>) semaphore(%arg9 : memref<!tpu.dma_semaphore, #tpu.memory_space<semaphore_mem>>)
      %dma_start3A_438 = arith.constant 3 : i32
      %dma_start3A_439 = arith.constant 3 : i32
      %dma_start3A_440 = arith.constant 1 : i32
      %dma_start3A_441 = arith.constant 3 : i32
      %dma_start3A_442 = arith.constant 0 : i32
      %dma_start3A_443 = arith.constant 0 : i32
      %dma_start3A_444 = tpu.memref_slice %arg6[%dma_start3A_440, %dma_start3A_441, %dma_start3A_442, %dma_start3A_443] : memref<2x8x64x64xf32, #tpu.memory_space<vmem>> -> memref<1x1x64x64xf32, #tpu.memory_space<vmem>>
      %dma_start3A_445 = tpu.memref_squeeze %dma_start3A_444 : memref<1x1x64x64xf32, #tpu.memory_space<vmem>> -> memref<64x64xf32, #tpu.memory_space<vmem>>
      %dma_start3A_446 = arith.constant 0 : i32
      %dma_start3A_447 = tpu.memref_slice %arg5[%dma_start3A_439, %add3A_383, %dma_start3A_446] : memref<8x25x64xi32, #tpu.memory_space<vmem>> -> memref<1x1x64xi32, #tpu.memory_space<vmem>>
      %dma_start3A_448 = tpu.memref_squeeze %dma_start3A_447 : memref<1x1x64xi32, #tpu.memory_space<vmem>> -> memref<64xi32, #tpu.memory_space<vmem>>
      %dma_start3A_449 = arith.constant 0 : i32
      %dma_start3A_450 = arith.constant 0 : i32
      %dma_start3A_451 = tpu.memref_slice %arg3[%dma_start3A_438, %dma_start3A_449, %dma_start3A_450] : memref<8x100000x64xf32, #tpu.memory_space<hbm>> -> memref<1x100000x64xf32, #tpu.memory_space<hbm>>
      %dma_start3A_452 = tpu.memref_squeeze %dma_start3A_451 : memref<1x100000x64xf32, #tpu.memory_space<hbm>> -> memref<100000x64xf32, #tpu.memory_space<hbm>>
      %dma_start3A_453 = arith.constant 0 : i32
      %dma_start3A_454 = arith.constant 0 : i32
      %dma_start3A_455 = tpu.memref_slice %dma_start3A_452[%dma_start3A_453, %dma_start3A_454] : memref<100000x64xf32, #tpu.memory_space<hbm>> -> memref<100000x64xf32, #tpu.memory_space<hbm>>
      tpu.enqueue_indirect_dma source(%dma_start3A_455 : memref<100000x64xf32, #tpu.memory_space<hbm>>) target(%dma_start3A_445 : memref<64x64xf32, #tpu.memory_space<vmem>>) offsets(%dma_start3A_448 : memref<64xi32, #tpu.memory_space<vmem>>) semaphore(%arg9 : memref<!tpu.dma_semaphore, #tpu.memory_space<semaphore_mem>>)
      %dma_start3A_456 = arith.constant 4 : i32
      %dma_start3A_457 = arith.constant 4 : i32
      %dma_start3A_458 = arith.constant 1 : i32
      %dma_start3A_459 = arith.constant 4 : i32
      %dma_start3A_460 = arith.constant 0 : i32
      %dma_start3A_461 = arith.constant 0 : i32
      %dma_start3A_462 = tpu.memref_slice %arg6[%dma_start3A_458, %dma_start3A_459, %dma_start3A_460, %dma_start3A_461] : memref<2x8x64x64xf32, #tpu.memory_space<vmem>> -> memref<1x1x64x64xf32, #tpu.memory_space<vmem>>
      %dma_start3A_463 = tpu.memref_squeeze %dma_start3A_462 : memref<1x1x64x64xf32, #tpu.memory_space<vmem>> -> memref<64x64xf32, #tpu.memory_space<vmem>>
      %dma_start3A_464 = arith.constant 0 : i32
      %dma_start3A_465 = tpu.memref_slice %arg5[%dma_start3A_457, %add3A_383, %dma_start3A_464] : memref<8x25x64xi32, #tpu.memory_space<vmem>> -> memref<1x1x64xi32, #tpu.memory_space<vmem>>
      %dma_start3A_466 = tpu.memref_squeeze %dma_start3A_465 : memref<1x1x64xi32, #tpu.memory_space<vmem>> -> memref<64xi32, #tpu.memory_space<vmem>>
      %dma_start3A_467 = arith.constant 0 : i32
      %dma_start3A_468 = arith.constant 0 : i32
      %dma_start3A_469 = tpu.memref_slice %arg3[%dma_start3A_456, %dma_start3A_467, %dma_start3A_468] : memref<8x100000x64xf32, #tpu.memory_space<hbm>> -> memref<1x100000x64xf32, #tpu.memory_space<hbm>>
      %dma_start3A_470 = tpu.memref_squeeze %dma_start3A_469 : memref<1x100000x64xf32, #tpu.memory_space<hbm>> -> memref<100000x64xf32, #tpu.memory_space<hbm>>
      %dma_start3A_471 = arith.constant 0 : i32
      %dma_start3A_472 = arith.constant 0 : i32
      %dma_start3A_473 = tpu.memref_slice %dma_start3A_470[%dma_start3A_471, %dma_start3A_472] : memref<100000x64xf32, #tpu.memory_space<hbm>> -> memref<100000x64xf32, #tpu.memory_space<hbm>>
      tpu.enqueue_indirect_dma source(%dma_start3A_473 : memref<100000x64xf32, #tpu.memory_space<hbm>>) target(%dma_start3A_463 : memref<64x64xf32, #tpu.memory_space<vmem>>) offsets(%dma_start3A_466 : memref<64xi32, #tpu.memory_space<vmem>>) semaphore(%arg9 : memref<!tpu.dma_semaphore, #tpu.memory_space<semaphore_mem>>)
      %dma_start3A_474 = arith.constant 5 : i32
      %dma_start3A_475 = arith.constant 5 : i32
      %dma_start3A_476 = arith.constant 1 : i32
      %dma_start3A_477 = arith.constant 5 : i32
      %dma_start3A_478 = arith.constant 0 : i32
      %dma_start3A_479 = arith.constant 0 : i32
      %dma_start3A_480 = tpu.memref_slice %arg6[%dma_start3A_476, %dma_start3A_477, %dma_start3A_478, %dma_start3A_479] : memref<2x8x64x64xf32, #tpu.memory_space<vmem>> -> memref<1x1x64x64xf32, #tpu.memory_space<vmem>>
      %dma_start3A_481 = tpu.memref_squeeze %dma_start3A_480 : memref<1x1x64x64xf32, #tpu.memory_space<vmem>> -> memref<64x64xf32, #tpu.memory_space<vmem>>
      %dma_start3A_482 = arith.constant 0 : i32
      %dma_start3A_483 = tpu.memref_slice %arg5[%dma_start3A_475, %add3A_383, %dma_start3A_482] : memref<8x25x64xi32, #tpu.memory_space<vmem>> -> memref<1x1x64xi32, #tpu.memory_space<vmem>>
      %dma_start3A_484 = tpu.memref_squeeze %dma_start3A_483 : memref<1x1x64xi32, #tpu.memory_space<vmem>> -> memref<64xi32, #tpu.memory_space<vmem>>
      %dma_start3A_485 = arith.constant 0 : i32
      %dma_start3A_486 = arith.constant 0 : i32
      %dma_start3A_487 = tpu.memref_slice %arg3[%dma_start3A_474, %dma_start3A_485, %dma_start3A_486] : memref<8x100000x64xf32, #tpu.memory_space<hbm>> -> memref<1x100000x64xf32, #tpu.memory_space<hbm>>
      %dma_start3A_488 = tpu.memref_squeeze %dma_start3A_487 : memref<1x100000x64xf32, #tpu.memory_space<hbm>> -> memref<100000x64xf32, #tpu.memory_space<hbm>>
      %dma_start3A_489 = arith.constant 0 : i32
      %dma_start3A_490 = arith.constant 0 : i32
      %dma_start3A_491 = tpu.memref_slice %dma_start3A_488[%dma_start3A_489, %dma_start3A_490] : memref<100000x64xf32, #tpu.memory_space<hbm>> -> memref<100000x64xf32, #tpu.memory_space<hbm>>
      tpu.enqueue_indirect_dma source(%dma_start3A_491 : memref<100000x64xf32, #tpu.memory_space<hbm>>) target(%dma_start3A_481 : memref<64x64xf32, #tpu.memory_space<vmem>>) offsets(%dma_start3A_484 : memref<64xi32, #tpu.memory_space<vmem>>) semaphore(%arg9 : memref<!tpu.dma_semaphore, #tpu.memory_space<semaphore_mem>>)
      %dma_start3A_492 = arith.constant 6 : i32
      %dma_start3A_493 = arith.constant 6 : i32
      %dma_start3A_494 = arith.constant 1 : i32
      %dma_start3A_495 = arith.constant 6 : i32
      %dma_start3A_496 = arith.constant 0 : i32
      %dma_start3A_497 = arith.constant 0 : i32
      %dma_start3A_498 = tpu.memref_slice %arg6[%dma_start3A_494, %dma_start3A_495, %dma_start3A_496, %dma_start3A_497] : memref<2x8x64x64xf32, #tpu.memory_space<vmem>> -> memref<1x1x64x64xf32, #tpu.memory_space<vmem>>
      %dma_start3A_499 = tpu.memref_squeeze %dma_start3A_498 : memref<1x1x64x64xf32, #tpu.memory_space<vmem>> -> memref<64x64xf32, #tpu.memory_space<vmem>>
      %dma_start3A_500 = arith.constant 0 : i32
      %dma_start3A_501 = tpu.memref_slice %arg5[%dma_start3A_493, %add3A_383, %dma_start3A_500] : memref<8x25x64xi32, #tpu.memory_space<vmem>> -> memref<1x1x64xi32, #tpu.memory_space<vmem>>
      %dma_start3A_502 = tpu.memref_squeeze %dma_start3A_501 : memref<1x1x64xi32, #tpu.memory_space<vmem>> -> memref<64xi32, #tpu.memory_space<vmem>>
      %dma_start3A_503 = arith.constant 0 : i32
      %dma_start3A_504 = arith.constant 0 : i32
      %dma_start3A_505 = tpu.memref_slice %arg3[%dma_start3A_492, %dma_start3A_503, %dma_start3A_504] : memref<8x100000x64xf32, #tpu.memory_space<hbm>> -> memref<1x100000x64xf32, #tpu.memory_space<hbm>>
      %dma_start3A_506 = tpu.memref_squeeze %dma_start3A_505 : memref<1x100000x64xf32, #tpu.memory_space<hbm>> -> memref<100000x64xf32, #tpu.memory_space<hbm>>
      %dma_start3A_507 = arith.constant 0 : i32
      %dma_start3A_508 = arith.constant 0 : i32
      %dma_start3A_509 = tpu.memref_slice %dma_start3A_506[%dma_start3A_507, %dma_start3A_508] : memref<100000x64xf32, #tpu.memory_space<hbm>> -> memref<100000x64xf32, #tpu.memory_space<hbm>>
      tpu.enqueue_indirect_dma source(%dma_start3A_509 : memref<100000x64xf32, #tpu.memory_space<hbm>>) target(%dma_start3A_499 : memref<64x64xf32, #tpu.memory_space<vmem>>) offsets(%dma_start3A_502 : memref<64xi32, #tpu.memory_space<vmem>>) semaphore(%arg9 : memref<!tpu.dma_semaphore, #tpu.memory_space<semaphore_mem>>)
      %dma_start3A_510 = arith.constant 7 : i32
      %dma_start3A_511 = arith.constant 7 : i32
      %dma_start3A_512 = arith.constant 1 : i32
      %dma_start3A_513 = arith.constant 7 : i32
      %dma_start3A_514 = arith.constant 0 : i32
      %dma_start3A_515 = arith.constant 0 : i32
      %dma_start3A_516 = tpu.memref_slice %arg6[%dma_start3A_512, %dma_start3A_513, %dma_start3A_514, %dma_start3A_515] : memref<2x8x64x64xf32, #tpu.memory_space<vmem>> -> memref<1x1x64x64xf32, #tpu.memory_space<vmem>>
      %dma_start3A_517 = tpu.memref_squeeze %dma_start3A_516 : memref<1x1x64x64xf32, #tpu.memory_space<vmem>> -> memref<64x64xf32, #tpu.memory_space<vmem>>
      %dma_start3A_518 = arith.constant 0 : i32
      %dma_start3A_519 = tpu.memref_slice %arg5[%dma_start3A_511, %add3A_383, %dma_start3A_518] : memref<8x25x64xi32, #tpu.memory_space<vmem>> -> memref<1x1x64xi32, #tpu.memory_space<vmem>>
      %dma_start3A_520 = tpu.memref_squeeze %dma_start3A_519 : memref<1x1x64xi32, #tpu.memory_space<vmem>> -> memref<64xi32, #tpu.memory_space<vmem>>
      %dma_start3A_521 = arith.constant 0 : i32
      %dma_start3A_522 = arith.constant 0 : i32
      %dma_start3A_523 = tpu.memref_slice %arg3[%dma_start3A_510, %dma_start3A_521, %dma_start3A_522] : memref<8x100000x64xf32, #tpu.memory_space<hbm>> -> memref<1x100000x64xf32, #tpu.memory_space<hbm>>
      %dma_start3A_524 = tpu.memref_squeeze %dma_start3A_523 : memref<1x100000x64xf32, #tpu.memory_space<hbm>> -> memref<100000x64xf32, #tpu.memory_space<hbm>>
      %dma_start3A_525 = arith.constant 0 : i32
      %dma_start3A_526 = arith.constant 0 : i32
      %dma_start3A_527 = tpu.memref_slice %dma_start3A_524[%dma_start3A_525, %dma_start3A_526] : memref<100000x64xf32, #tpu.memory_space<hbm>> -> memref<100000x64xf32, #tpu.memory_space<hbm>>
      tpu.enqueue_indirect_dma source(%dma_start3A_527 : memref<100000x64xf32, #tpu.memory_space<hbm>>) target(%dma_start3A_517 : memref<64x64xf32, #tpu.memory_space<vmem>>) offsets(%dma_start3A_520 : memref<64xi32, #tpu.memory_space<vmem>>) semaphore(%arg9 : memref<!tpu.dma_semaphore, #tpu.memory_space<semaphore_mem>>)
      %dma_wait3A_528 = arith.constant 0 : i32
      %dma_wait3A_529 = arith.constant 0 : i32
      %dma_wait3A_530 = arith.constant 0 : i32
      %dma_wait3A_531 = arith.constant 0 : i32
      %dma_wait3A_532 = arith.constant 0 : i32
      %dma_wait3A_533 = arith.constant 0 : i32
      %dma_wait3A_534 = arith.constant 0 : i32
      %dma_wait3A_535 = tpu.memref_slice %arg6[%dma_wait3A_531, %dma_wait3A_532, %dma_wait3A_533, %dma_wait3A_534] : memref<2x8x64x64xf32, #tpu.memory_space<vmem>> -> memref<1x1x64x64xf32, #tpu.memory_space<vmem>>
      %dma_wait3A_536 = tpu.memref_squeeze %dma_wait3A_535 : memref<1x1x64x64xf32, #tpu.memory_space<vmem>> -> memref<64x64xf32, #tpu.memory_space<vmem>>
      %dma_wait3A_537 = arith.constant 0 : i32
      %dma_wait3A_538 = tpu.memref_slice %arg5[%dma_wait3A_529, %dma_wait3A_530, %dma_wait3A_537] : memref<8x25x64xi32, #tpu.memory_space<vmem>> -> memref<1x1x64xi32, #tpu.memory_space<vmem>>
      %dma_wait3A_539 = tpu.memref_squeeze %dma_wait3A_538 : memref<1x1x64xi32, #tpu.memory_space<vmem>> -> memref<64xi32, #tpu.memory_space<vmem>>
      %dma_wait3A_540 = arith.constant 0 : i32
      %dma_wait3A_541 = arith.constant 0 : i32
      %dma_wait3A_542 = tpu.memref_slice %arg3[%dma_wait3A_528, %dma_wait3A_540, %dma_wait3A_541] : memref<8x100000x64xf32, #tpu.memory_space<hbm>> -> memref<1x100000x64xf32, #tpu.memory_space<hbm>>
      %dma_wait3A_543 = tpu.memref_squeeze %dma_wait3A_542 : memref<1x100000x64xf32, #tpu.memory_space<hbm>> -> memref<100000x64xf32, #tpu.memory_space<hbm>>
      %dma_wait3A_544 = arith.constant 0 : i32
      %dma_wait3A_545 = arith.constant 0 : i32
      %dma_wait3A_546 = tpu.memref_slice %dma_wait3A_543[%dma_wait3A_544, %dma_wait3A_545] : memref<100000x64xf32, #tpu.memory_space<hbm>> -> memref<100000x64xf32, #tpu.memory_space<hbm>>
      tpu.wait_indirect_dma semaphore(%arg8 : memref<!tpu.dma_semaphore, #tpu.memory_space<semaphore_mem>>) src(%dma_wait3A_546 : memref<100000x64xf32, #tpu.memory_space<hbm>>) dst(%dma_wait3A_536 : memref<64x64xf32, #tpu.memory_space<vmem>>)
      %dma_wait3A_547 = arith.constant 1 : i32
      %dma_wait3A_548 = arith.constant 1 : i32
      %dma_wait3A_549 = arith.constant 0 : i32
      %dma_wait3A_550 = arith.constant 0 : i32
      %dma_wait3A_551 = arith.constant 1 : i32
      %dma_wait3A_552 = arith.constant 0 : i32
      %dma_wait3A_553 = arith.constant 0 : i32
      %dma_wait3A_554 = tpu.memref_slice %arg6[%dma_wait3A_550, %dma_wait3A_551, %dma_wait3A_552, %dma_wait3A_553] : memref<2x8x64x64xf32, #tpu.memory_space<vmem>> -> memref<1x1x64x64xf32, #tpu.memory_space<vmem>>
      %dma_wait3A_555 = tpu.memref_squeeze %dma_wait3A_554 : memref<1x1x64x64xf32, #tpu.memory_space<vmem>> -> memref<64x64xf32, #tpu.memory_space<vmem>>
      %dma_wait3A_556 = arith.constant 0 : i32
      %dma_wait3A_557 = tpu.memref_slice %arg5[%dma_wait3A_548, %dma_wait3A_549, %dma_wait3A_556] : memref<8x25x64xi32, #tpu.memory_space<vmem>> -> memref<1x1x64xi32, #tpu.memory_space<vmem>>
      %dma_wait3A_558 = tpu.memref_squeeze %dma_wait3A_557 : memref<1x1x64xi32, #tpu.memory_space<vmem>> -> memref<64xi32, #tpu.memory_space<vmem>>
      %dma_wait3A_559 = arith.constant 0 : i32
      %dma_wait3A_560 = arith.constant 0 : i32
      %dma_wait3A_561 = tpu.memref_slice %arg3[%dma_wait3A_547, %dma_wait3A_559, %dma_wait3A_560] : memref<8x100000x64xf32, #tpu.memory_space<hbm>> -> memref<1x100000x64xf32, #tpu.memory_space<hbm>>
      %dma_wait3A_562 = tpu.memref_squeeze %dma_wait3A_561 : memref<1x100000x64xf32, #tpu.memory_space<hbm>> -> memref<100000x64xf32, #tpu.memory_space<hbm>>
      %dma_wait3A_563 = arith.constant 0 : i32
      %dma_wait3A_564 = arith.constant 0 : i32
      %dma_wait3A_565 = tpu.memref_slice %dma_wait3A_562[%dma_wait3A_563, %dma_wait3A_564] : memref<100000x64xf32, #tpu.memory_space<hbm>> -> memref<100000x64xf32, #tpu.memory_space<hbm>>
      tpu.wait_indirect_dma semaphore(%arg8 : memref<!tpu.dma_semaphore, #tpu.memory_space<semaphore_mem>>) src(%dma_wait3A_565 : memref<100000x64xf32, #tpu.memory_space<hbm>>) dst(%dma_wait3A_555 : memref<64x64xf32, #tpu.memory_space<vmem>>)
      %dma_wait3A_566 = arith.constant 2 : i32
      %dma_wait3A_567 = arith.constant 2 : i32
      %dma_wait3A_568 = arith.constant 0 : i32
      %dma_wait3A_569 = arith.constant 0 : i32
      %dma_wait3A_570 = arith.constant 2 : i32
      %dma_wait3A_571 = arith.constant 0 : i32
      %dma_wait3A_572 = arith.constant 0 : i32
      %dma_wait3A_573 = tpu.memref_slice %arg6[%dma_wait3A_569, %dma_wait3A_570, %dma_wait3A_571, %dma_wait3A_572] : memref<2x8x64x64xf32, #tpu.memory_space<vmem>> -> memref<1x1x64x64xf32, #tpu.memory_space<vmem>>
      %dma_wait3A_574 = tpu.memref_squeeze %dma_wait3A_573 : memref<1x1x64x64xf32, #tpu.memory_space<vmem>> -> memref<64x64xf32, #tpu.memory_space<vmem>>
      %dma_wait3A_575 = arith.constant 0 : i32
      %dma_wait3A_576 = tpu.memref_slice %arg5[%dma_wait3A_567, %dma_wait3A_568, %dma_wait3A_575] : memref<8x25x64xi32, #tpu.memory_space<vmem>> -> memref<1x1x64xi32, #tpu.memory_space<vmem>>
      %dma_wait3A_577 = tpu.memref_squeeze %dma_wait3A_576 : memref<1x1x64xi32, #tpu.memory_space<vmem>> -> memref<64xi32, #tpu.memory_space<vmem>>
      %dma_wait3A_578 = arith.constant 0 : i32
      %dma_wait3A_579 = arith.constant 0 : i32
      %dma_wait3A_580 = tpu.memref_slice %arg3[%dma_wait3A_566, %dma_wait3A_578, %dma_wait3A_579] : memref<8x100000x64xf32, #tpu.memory_space<hbm>> -> memref<1x100000x64xf32, #tpu.memory_space<hbm>>
      %dma_wait3A_581 = tpu.memref_squeeze %dma_wait3A_580 : memref<1x100000x64xf32, #tpu.memory_space<hbm>> -> memref<100000x64xf32, #tpu.memory_space<hbm>>
      %dma_wait3A_582 = arith.constant 0 : i32
      %dma_wait3A_583 = arith.constant 0 : i32
      %dma_wait3A_584 = tpu.memref_slice %dma_wait3A_581[%dma_wait3A_582, %dma_wait3A_583] : memref<100000x64xf32, #tpu.memory_space<hbm>> -> memref<100000x64xf32, #tpu.memory_space<hbm>>
      tpu.wait_indirect_dma semaphore(%arg8 : memref<!tpu.dma_semaphore, #tpu.memory_space<semaphore_mem>>) src(%dma_wait3A_584 : memref<100000x64xf32, #tpu.memory_space<hbm>>) dst(%dma_wait3A_574 : memref<64x64xf32, #tpu.memory_space<vmem>>)
      %dma_wait3A_585 = arith.constant 3 : i32
      %dma_wait3A_586 = arith.constant 3 : i32
      %dma_wait3A_587 = arith.constant 0 : i32
      %dma_wait3A_588 = arith.constant 0 : i32
      %dma_wait3A_589 = arith.constant 3 : i32
      %dma_wait3A_590 = arith.constant 0 : i32
      %dma_wait3A_591 = arith.constant 0 : i32
      %dma_wait3A_592 = tpu.memref_slice %arg6[%dma_wait3A_588, %dma_wait3A_589, %dma_wait3A_590, %dma_wait3A_591] : memref<2x8x64x64xf32, #tpu.memory_space<vmem>> -> memref<1x1x64x64xf32, #tpu.memory_space<vmem>>
      %dma_wait3A_593 = tpu.memref_squeeze %dma_wait3A_592 : memref<1x1x64x64xf32, #tpu.memory_space<vmem>> -> memref<64x64xf32, #tpu.memory_space<vmem>>
      %dma_wait3A_594 = arith.constant 0 : i32
      %dma_wait3A_595 = tpu.memref_slice %arg5[%dma_wait3A_586, %dma_wait3A_587, %dma_wait3A_594] : memref<8x25x64xi32, #tpu.memory_space<vmem>> -> memref<1x1x64xi32, #tpu.memory_space<vmem>>
      %dma_wait3A_596 = tpu.memref_squeeze %dma_wait3A_595 : memref<1x1x64xi32, #tpu.memory_space<vmem>> -> memref<64xi32, #tpu.memory_space<vmem>>
      %dma_wait3A_597 = arith.constant 0 : i32
      %dma_wait3A_598 = arith.constant 0 : i32
      %dma_wait3A_599 = tpu.memref_slice %arg3[%dma_wait3A_585, %dma_wait3A_597, %dma_wait3A_598] : memref<8x100000x64xf32, #tpu.memory_space<hbm>> -> memref<1x100000x64xf32, #tpu.memory_space<hbm>>
      %dma_wait3A_600 = tpu.memref_squeeze %dma_wait3A_599 : memref<1x100000x64xf32, #tpu.memory_space<hbm>> -> memref<100000x64xf32, #tpu.memory_space<hbm>>
      %dma_wait3A_601 = arith.constant 0 : i32
      %dma_wait3A_602 = arith.constant 0 : i32
      %dma_wait3A_603 = tpu.memref_slice %dma_wait3A_600[%dma_wait3A_601, %dma_wait3A_602] : memref<100000x64xf32, #tpu.memory_space<hbm>> -> memref<100000x64xf32, #tpu.memory_space<hbm>>
      tpu.wait_indirect_dma semaphore(%arg8 : memref<!tpu.dma_semaphore, #tpu.memory_space<semaphore_mem>>) src(%dma_wait3A_603 : memref<100000x64xf32, #tpu.memory_space<hbm>>) dst(%dma_wait3A_593 : memref<64x64xf32, #tpu.memory_space<vmem>>)
      %dma_wait3A_604 = arith.constant 4 : i32
      %dma_wait3A_605 = arith.constant 4 : i32
      %dma_wait3A_606 = arith.constant 0 : i32
      %dma_wait3A_607 = arith.constant 0 : i32
      %dma_wait3A_608 = arith.constant 4 : i32
      %dma_wait3A_609 = arith.constant 0 : i32
      %dma_wait3A_610 = arith.constant 0 : i32
      %dma_wait3A_611 = tpu.memref_slice %arg6[%dma_wait3A_607, %dma_wait3A_608, %dma_wait3A_609, %dma_wait3A_610] : memref<2x8x64x64xf32, #tpu.memory_space<vmem>> -> memref<1x1x64x64xf32, #tpu.memory_space<vmem>>
      %dma_wait3A_612 = tpu.memref_squeeze %dma_wait3A_611 : memref<1x1x64x64xf32, #tpu.memory_space<vmem>> -> memref<64x64xf32, #tpu.memory_space<vmem>>
      %dma_wait3A_613 = arith.constant 0 : i32
      %dma_wait3A_614 = tpu.memref_slice %arg5[%dma_wait3A_605, %dma_wait3A_606, %dma_wait3A_613] : memref<8x25x64xi32, #tpu.memory_space<vmem>> -> memref<1x1x64xi32, #tpu.memory_space<vmem>>
      %dma_wait3A_615 = tpu.memref_squeeze %dma_wait3A_614 : memref<1x1x64xi32, #tpu.memory_space<vmem>> -> memref<64xi32, #tpu.memory_space<vmem>>
      %dma_wait3A_616 = arith.constant 0 : i32
      %dma_wait3A_617 = arith.constant 0 : i32
      %dma_wait3A_618 = tpu.memref_slice %arg3[%dma_wait3A_604, %dma_wait3A_616, %dma_wait3A_617] : memref<8x100000x64xf32, #tpu.memory_space<hbm>> -> memref<1x100000x64xf32, #tpu.memory_space<hbm>>
      %dma_wait3A_619 = tpu.memref_squeeze %dma_wait3A_618 : memref<1x100000x64xf32, #tpu.memory_space<hbm>> -> memref<100000x64xf32, #tpu.memory_space<hbm>>
      %dma_wait3A_620 = arith.constant 0 : i32
      %dma_wait3A_621 = arith.constant 0 : i32
      %dma_wait3A_622 = tpu.memref_slice %dma_wait3A_619[%dma_wait3A_620, %dma_wait3A_621] : memref<100000x64xf32, #tpu.memory_space<hbm>> -> memref<100000x64xf32, #tpu.memory_space<hbm>>
      tpu.wait_indirect_dma semaphore(%arg8 : memref<!tpu.dma_semaphore, #tpu.memory_space<semaphore_mem>>) src(%dma_wait3A_622 : memref<100000x64xf32, #tpu.memory_space<hbm>>) dst(%dma_wait3A_612 : memref<64x64xf32, #tpu.memory_space<vmem>>)
      %dma_wait3A_623 = arith.constant 5 : i32
      %dma_wait3A_624 = arith.constant 5 : i32
      %dma_wait3A_625 = arith.constant 0 : i32
      %dma_wait3A_626 = arith.constant 0 : i32
      %dma_wait3A_627 = arith.constant 5 : i32
      %dma_wait3A_628 = arith.constant 0 : i32
      %dma_wait3A_629 = arith.constant 0 : i32
      %dma_wait3A_630 = tpu.memref_slice %arg6[%dma_wait3A_626, %dma_wait3A_627, %dma_wait3A_628, %dma_wait3A_629] : memref<2x8x64x64xf32, #tpu.memory_space<vmem>> -> memref<1x1x64x64xf32, #tpu.memory_space<vmem>>
      %dma_wait3A_631 = tpu.memref_squeeze %dma_wait3A_630 : memref<1x1x64x64xf32, #tpu.memory_space<vmem>> -> memref<64x64xf32, #tpu.memory_space<vmem>>
      %dma_wait3A_632 = arith.constant 0 : i32
      %dma_wait3A_633 = tpu.memref_slice %arg5[%dma_wait3A_624, %dma_wait3A_625, %dma_wait3A_632] : memref<8x25x64xi32, #tpu.memory_space<vmem>> -> memref<1x1x64xi32, #tpu.memory_space<vmem>>
      %dma_wait3A_634 = tpu.memref_squeeze %dma_wait3A_633 : memref<1x1x64xi32, #tpu.memory_space<vmem>> -> memref<64xi32, #tpu.memory_space<vmem>>
      %dma_wait3A_635 = arith.constant 0 : i32
      %dma_wait3A_636 = arith.constant 0 : i32
      %dma_wait3A_637 = tpu.memref_slice %arg3[%dma_wait3A_623, %dma_wait3A_635, %dma_wait3A_636] : memref<8x100000x64xf32, #tpu.memory_space<hbm>> -> memref<1x100000x64xf32, #tpu.memory_space<hbm>>
      %dma_wait3A_638 = tpu.memref_squeeze %dma_wait3A_637 : memref<1x100000x64xf32, #tpu.memory_space<hbm>> -> memref<100000x64xf32, #tpu.memory_space<hbm>>
      %dma_wait3A_639 = arith.constant 0 : i32
      %dma_wait3A_640 = arith.constant 0 : i32
      %dma_wait3A_641 = tpu.memref_slice %dma_wait3A_638[%dma_wait3A_639, %dma_wait3A_640] : memref<100000x64xf32, #tpu.memory_space<hbm>> -> memref<100000x64xf32, #tpu.memory_space<hbm>>
      tpu.wait_indirect_dma semaphore(%arg8 : memref<!tpu.dma_semaphore, #tpu.memory_space<semaphore_mem>>) src(%dma_wait3A_641 : memref<100000x64xf32, #tpu.memory_space<hbm>>) dst(%dma_wait3A_631 : memref<64x64xf32, #tpu.memory_space<vmem>>)
      %dma_wait3A_642 = arith.constant 6 : i32
      %dma_wait3A_643 = arith.constant 6 : i32
      %dma_wait3A_644 = arith.constant 0 : i32
      %dma_wait3A_645 = arith.constant 0 : i32
      %dma_wait3A_646 = arith.constant 6 : i32
      %dma_wait3A_647 = arith.constant 0 : i32
      %dma_wait3A_648 = arith.constant 0 : i32
      %dma_wait3A_649 = tpu.memref_slice %arg6[%dma_wait3A_645, %dma_wait3A_646, %dma_wait3A_647, %dma_wait3A_648] : memref<2x8x64x64xf32, #tpu.memory_space<vmem>> -> memref<1x1x64x64xf32, #tpu.memory_space<vmem>>
      %dma_wait3A_650 = tpu.memref_squeeze %dma_wait3A_649 : memref<1x1x64x64xf32, #tpu.memory_space<vmem>> -> memref<64x64xf32, #tpu.memory_space<vmem>>
      %dma_wait3A_651 = arith.constant 0 : i32
      %dma_wait3A_652 = tpu.memref_slice %arg5[%dma_wait3A_643, %dma_wait3A_644, %dma_wait3A_651] : memref<8x25x64xi32, #tpu.memory_space<vmem>> -> memref<1x1x64xi32, #tpu.memory_space<vmem>>
      %dma_wait3A_653 = tpu.memref_squeeze %dma_wait3A_652 : memref<1x1x64xi32, #tpu.memory_space<vmem>> -> memref<64xi32, #tpu.memory_space<vmem>>
      %dma_wait3A_654 = arith.constant 0 : i32
      %dma_wait3A_655 = arith.constant 0 : i32
      %dma_wait3A_656 = tpu.memref_slice %arg3[%dma_wait3A_642, %dma_wait3A_654, %dma_wait3A_655] : memref<8x100000x64xf32, #tpu.memory_space<hbm>> -> memref<1x100000x64xf32, #tpu.memory_space<hbm>>
      %dma_wait3A_657 = tpu.memref_squeeze %dma_wait3A_656 : memref<1x100000x64xf32, #tpu.memory_space<hbm>> -> memref<100000x64xf32, #tpu.memory_space<hbm>>
      %dma_wait3A_658 = arith.constant 0 : i32
      %dma_wait3A_659 = arith.constant 0 : i32
      %dma_wait3A_660 = tpu.memref_slice %dma_wait3A_657[%dma_wait3A_658, %dma_wait3A_659] : memref<100000x64xf32, #tpu.memory_space<hbm>> -> memref<100000x64xf32, #tpu.memory_space<hbm>>
      tpu.wait_indirect_dma semaphore(%arg8 : memref<!tpu.dma_semaphore, #tpu.memory_space<semaphore_mem>>) src(%dma_wait3A_660 : memref<100000x64xf32, #tpu.memory_space<hbm>>) dst(%dma_wait3A_650 : memref<64x64xf32, #tpu.memory_space<vmem>>)
      %dma_wait3A_661 = arith.constant 7 : i32
      %dma_wait3A_662 = arith.constant 7 : i32
      %dma_wait3A_663 = arith.constant 0 : i32
      %dma_wait3A_664 = arith.constant 0 : i32
      %dma_wait3A_665 = arith.constant 7 : i32
      %dma_wait3A_666 = arith.constant 0 : i32
      %dma_wait3A_667 = arith.constant 0 : i32
      %dma_wait3A_668 = tpu.memref_slice %arg6[%dma_wait3A_664, %dma_wait3A_665, %dma_wait3A_666, %dma_wait3A_667] : memref<2x8x64x64xf32, #tpu.memory_space<vmem>> -> memref<1x1x64x64xf32, #tpu.memory_space<vmem>>
      %dma_wait3A_669 = tpu.memref_squeeze %dma_wait3A_668 : memref<1x1x64x64xf32, #tpu.memory_space<vmem>> -> memref<64x64xf32, #tpu.memory_space<vmem>>
      %dma_wait3A_670 = arith.constant 0 : i32
      %dma_wait3A_671 = tpu.memref_slice %arg5[%dma_wait3A_662, %dma_wait3A_663, %dma_wait3A_670] : memref<8x25x64xi32, #tpu.memory_space<vmem>> -> memref<1x1x64xi32, #tpu.memory_space<vmem>>
      %dma_wait3A_672 = tpu.memref_squeeze %dma_wait3A_671 : memref<1x1x64xi32, #tpu.memory_space<vmem>> -> memref<64xi32, #tpu.memory_space<vmem>>
      %dma_wait3A_673 = arith.constant 0 : i32
      %dma_wait3A_674 = arith.constant 0 : i32
      %dma_wait3A_675 = tpu.memref_slice %arg3[%dma_wait3A_661, %dma_wait3A_673, %dma_wait3A_674] : memref<8x100000x64xf32, #tpu.memory_space<hbm>> -> memref<1x100000x64xf32, #tpu.memory_space<hbm>>
      %dma_wait3A_676 = tpu.memref_squeeze %dma_wait3A_675 : memref<1x100000x64xf32, #tpu.memory_space<hbm>> -> memref<100000x64xf32, #tpu.memory_space<hbm>>
      %dma_wait3A_677 = arith.constant 0 : i32
      %dma_wait3A_678 = arith.constant 0 : i32
      %dma_wait3A_679 = tpu.memref_slice %dma_wait3A_676[%dma_wait3A_677, %dma_wait3A_678] : memref<100000x64xf32, #tpu.memory_space<hbm>> -> memref<100000x64xf32, #tpu.memory_space<hbm>>
      tpu.wait_indirect_dma semaphore(%arg8 : memref<!tpu.dma_semaphore, #tpu.memory_space<semaphore_mem>>) src(%dma_wait3A_679 : memref<100000x64xf32, #tpu.memory_space<hbm>>) dst(%dma_wait3A_669 : memref<64x64xf32, #tpu.memory_space<vmem>>)
      %gt3A = arith.constant 0 : i32
      %gt3A_680 = arith.cmpi sgt, %scan3A_378, %gt3A : i32
      %convert_element_type3A = arith.extui %gt3A_680 : i1 to i32
      %cond3A = arith.constant 0 : i32
      %cond3A_681 = arith.cmpi ne, %convert_element_type3A, %cond3A : i32
      scf.if %cond3A_681 {
        %dma_wait3A_1034 = arith.constant 0 : i32
        %dma_wait3A_1035 = arith.constant 0 : i32
        %dma_wait3A_1036 = arith.constant 0 : i32
        %dma_wait3A_1037 = tpu.memref_slice %arg7[%dma_wait3A_1034, %dma_wait3A_1035, %dma_wait3A_1036] : memref<2x64x64xf32, #tpu.memory_space<vmem>> -> memref<1x64x64xf32, #tpu.memory_space<vmem>>
        %dma_wait3A_1038 = tpu.memref_squeeze %dma_wait3A_1037 : memref<1x64x64xf32, #tpu.memory_space<vmem>> -> memref<64x64xf32, #tpu.memory_space<vmem>>
        %dma_wait3A_1039 = arith.constant 0 : i32
        %dma_wait3A_1040 = arith.constant 0 : i32
        %dma_wait3A_1041 = tpu.memref_slice %arg4[%dma_wait3A_1039, %dma_wait3A_1040] : memref<51200x64xf32, #tpu.memory_space<hbm>> -> memref<64x64xf32, #tpu.memory_space<hbm>>
        %dma_wait3A_1042 = arith.constant 0 : i32
        %dma_wait3A_1043 = arith.constant 0 : i32
        %dma_wait3A_1044 = tpu.memref_slice %arg7[%dma_wait3A_1034, %dma_wait3A_1042, %dma_wait3A_1043] : memref<2x64x64xf32, #tpu.memory_space<vmem>> -> memref<1x64x64xf32, #tpu.memory_space<vmem>>
        %dma_wait3A_1045 = tpu.memref_squeeze %dma_wait3A_1044 : memref<1x64x64xf32, #tpu.memory_space<vmem>> -> memref<64x64xf32, #tpu.memory_space<vmem>>
        %dma_wait3A_1046 = arith.constant 0 : i32
        %dma_wait3A_1047 = arith.constant 0 : i32
        %dma_wait3A_1048 = tpu.memref_slice %arg4[%dma_wait3A_1046, %dma_wait3A_1047] : memref<51200x64xf32, #tpu.memory_space<hbm>> -> memref<64x64xf32, #tpu.memory_space<hbm>>
        tpu.wait_dma2 semaphore(%arg10 : memref<!tpu.dma_semaphore, #tpu.memory_space<semaphore_mem>>) src(%dma_wait3A_1048 : memref<64x64xf32, #tpu.memory_space<hbm>>) dst(%dma_wait3A_1045 : memref<64x64xf32, #tpu.memory_space<vmem>>)
      } else {
      }
      %scan3A_682 = arith.constant 0 : i32
      %scan3A_683 = arith.constant 0 : i32
      %scan3A_684 = arith.constant 64 : i32
      %scan3A_685 = arith.addi %scan3A_683, %scan3A_684 : i32
      %scan3A_686 = arith.constant 1 : i32
      %scan3A_687 = scf.for %scan3A_1034 = %scan3A_683 to %scan3A_685 step %scan3A_686 iter_args(%scan3A_1035 = %scan3A_682) -> (i32)  : i32 {
        %get3A = arith.constant 0 : i32
        %get3A_1036 = arith.constant 0 : i32
        %get3A_1037 = arith.index_cast %get3A : i32 to index
        %get3A_1038 = arith.index_cast %get3A_1036 : i32 to index
        %get3A_1039 = arith.index_cast %scan3A_1034 : i32 to index
        %get3A_1040 = arith.constant 0 : index
        %get3A_1041 = tpu.vector_load %arg6[%get3A_1037, %get3A_1038, %get3A_1039, %get3A_1040] {strides = array<i32>} : memref<2x8x64x64xf32, #tpu.memory_space<vmem>>, vector<1x1x1x16xf32>,
        %get3A_1042 = vector.shape_cast %get3A_1041 : vector<1x1x1x16xf32> to vector<16xf32>
        %get3A_1043 = arith.constant 0 : i32
        %get3A_1044 = arith.constant 1 : i32
        %get3A_1045 = arith.index_cast %get3A_1043 : i32 to index
        %get3A_1046 = arith.index_cast %get3A_1044 : i32 to index
        %get3A_1047 = arith.index_cast %scan3A_1034 : i32 to index
        %get3A_1048 = arith.constant 0 : index
        %get3A_1049 = tpu.vector_load %arg6[%get3A_1045, %get3A_1046, %get3A_1047, %get3A_1048] {strides = array<i32>} : memref<2x8x64x64xf32, #tpu.memory_space<vmem>>, vector<1x1x1x16xf32>,
        %get3A_1050 = vector.shape_cast %get3A_1049 : vector<1x1x1x16xf32> to vector<16xf32>
        %add3A_1051 = arith.addf %get3A_1042, %get3A_1050 : vector<16xf32>
        %get3A_1052 = arith.constant 0 : i32
        %get3A_1053 = arith.constant 2 : i32
        %get3A_1054 = arith.index_cast %get3A_1052 : i32 to index
        %get3A_1055 = arith.index_cast %get3A_1053 : i32 to index
        %get3A_1056 = arith.index_cast %scan3A_1034 : i32 to index
        %get3A_1057 = arith.constant 0 : index
        %get3A_1058 = tpu.vector_load %arg6[%get3A_1054, %get3A_1055, %get3A_1056, %get3A_1057] {strides = array<i32>} : memref<2x8x64x64xf32, #tpu.memory_space<vmem>>, vector<1x1x1x16xf32>,
        %get3A_1059 = vector.shape_cast %get3A_1058 : vector<1x1x1x16xf32> to vector<16xf32>
        %add3A_1060 = arith.addf %add3A_1051, %get3A_1059 : vector<16xf32>
        %get3A_1061 = arith.constant 0 : i32
        %get3A_1062 = arith.constant 3 : i32
        %get3A_1063 = arith.index_cast %get3A_1061 : i32 to index
        %get3A_1064 = arith.index_cast %get3A_1062 : i32 to index
        %get3A_1065 = arith.index_cast %scan3A_1034 : i32 to index
        %get3A_1066 = arith.constant 0 : index
        %get3A_1067 = tpu.vector_load %arg6[%get3A_1063, %get3A_1064, %get3A_1065, %get3A_1066] {strides = array<i32>} : memref<2x8x64x64xf32, #tpu.memory_space<vmem>>, vector<1x1x1x16xf32>,
        %get3A_1068 = vector.shape_cast %get3A_1067 : vector<1x1x1x16xf32> to vector<16xf32>
        %add3A_1069 = arith.addf %add3A_1060, %get3A_1068 : vector<16xf32>
        %get3A_1070 = arith.constant 0 : i32
        %get3A_1071 = arith.constant 4 : i32
        %get3A_1072 = arith.index_cast %get3A_1070 : i32 to index
        %get3A_1073 = arith.index_cast %get3A_1071 : i32 to index
        %get3A_1074 = arith.index_cast %scan3A_1034 : i32 to index
        %get3A_1075 = arith.constant 0 : index
        %get3A_1076 = tpu.vector_load %arg6[%get3A_1072, %get3A_1073, %get3A_1074, %get3A_1075] {strides = array<i32>} : memref<2x8x64x64xf32, #tpu.memory_space<vmem>>, vector<1x1x1x16xf32>,
        %get3A_1077 = vector.shape_cast %get3A_1076 : vector<1x1x1x16xf32> to vector<16xf32>
        %add3A_1078 = arith.addf %add3A_1069, %get3A_1077 : vector<16xf32>
        %get3A_1079 = arith.constant 0 : i32
        %get3A_1080 = arith.constant 5 : i32
        %get3A_1081 = arith.index_cast %get3A_1079 : i32 to index
        %get3A_1082 = arith.index_cast %get3A_1080 : i32 to index
        %get3A_1083 = arith.index_cast %scan3A_1034 : i32 to index
        %get3A_1084 = arith.constant 0 : index
        %get3A_1085 = tpu.vector_load %arg6[%get3A_1081, %get3A_1082, %get3A_1083, %get3A_1084] {strides = array<i32>} : memref<2x8x64x64xf32, #tpu.memory_space<vmem>>, vector<1x1x1x16xf32>,
        %get3A_1086 = vector.shape_cast %get3A_1085 : vector<1x1x1x16xf32> to vector<16xf32>
        %add3A_1087 = arith.addf %add3A_1078, %get3A_1086 : vector<16xf32>
        %get3A_1088 = arith.constant 0 : i32
        %get3A_1089 = arith.constant 6 : i32
        %get3A_1090 = arith.index_cast %get3A_1088 : i32 to index
        %get3A_1091 = arith.index_cast %get3A_1089 : i32 to index
        %get3A_1092 = arith.index_cast %scan3A_1034 : i32 to index
        %get3A_1093 = arith.constant 0 : index
        %get3A_1094 = tpu.vector_load %arg6[%get3A_1090, %get3A_1091, %get3A_1092, %get3A_1093] {strides = array<i32>} : memref<2x8x64x64xf32, #tpu.memory_space<vmem>>, vector<1x1x1x16xf32>,
        %get3A_1095 = vector.shape_cast %get3A_1094 : vector<1x1x1x16xf32> to vector<16xf32>
        %add3A_1096 = arith.addf %add3A_1087, %get3A_1095 : vector<16xf32>
        %get3A_1097 = arith.constant 0 : i32
        %get3A_1098 = arith.constant 7 : i32
        %get3A_1099 = arith.index_cast %get3A_1097 : i32 to index
        %get3A_1100 = arith.index_cast %get3A_1098 : i32 to index
        %get3A_1101 = arith.index_cast %scan3A_1034 : i32 to index
        %get3A_1102 = arith.constant 0 : index
        %get3A_1103 = tpu.vector_load %arg6[%get3A_1099, %get3A_1100, %get3A_1101, %get3A_1102] {strides = array<i32>} : memref<2x8x64x64xf32, #tpu.memory_space<vmem>>, vector<1x1x1x16xf32>,
        %get3A_1104 = vector.shape_cast %get3A_1103 : vector<1x1x1x16xf32> to vector<16xf32>
        %add3A_1105 = arith.addf %add3A_1096, %get3A_1104 : vector<16xf32>
        %swap3A = arith.constant 0 : i32
        %swap3A_1106 = arith.index_cast %swap3A : i32 to index
        %swap3A_1107 = arith.index_cast %scan3A_1034 : i32 to index
        %swap3A_1108 = arith.constant 0 : index
        %swap3A_1109 = tpu.vector_load %arg7[%swap3A_1106, %swap3A_1107, %swap3A_1108] {strides = array<i32>} : memref<2x64x64xf32, #tpu.memory_space<vmem>>, vector<1x1x16xf32>,
        %swap3A_1110 = vector.shape_cast %swap3A_1109 : vector<1x1x16xf32> to vector<16xf32>
        %swap3A_1111 = vector.shape_cast %add3A_1105 : vector<16xf32> to vector<1x1x16xf32>
        tpu.vector_store %arg7[%swap3A_1106, %swap3A_1107, %swap3A_1108], %swap3A_1111 {strides = array<i32>} : memref<2x64x64xf32, #tpu.memory_space<vmem>>, vector<1x1x16xf32>,
        %get3A_1112 = arith.constant 0 : i32
        %get3A_1113 = arith.constant 0 : i32
        %get3A_1114 = arith.index_cast %get3A_1112 : i32 to index
        %get3A_1115 = arith.index_cast %get3A_1113 : i32 to index
        %get3A_1116 = arith.index_cast %scan3A_1034 : i32 to index
        %get3A_1117 = arith.constant 16 : index
        %get3A_1118 = tpu.vector_load %arg6[%get3A_1114, %get3A_1115, %get3A_1116, %get3A_1117] {strides = array<i32>} : memref<2x8x64x64xf32, #tpu.memory_space<vmem>>, vector<1x1x1x16xf32>,
        %get3A_1119 = vector.shape_cast %get3A_1118 : vector<1x1x1x16xf32> to vector<16xf32>
        %get3A_1120 = arith.constant 0 : i32
        %get3A_1121 = arith.constant 1 : i32
        %get3A_1122 = arith.index_cast %get3A_1120 : i32 to index
        %get3A_1123 = arith.index_cast %get3A_1121 : i32 to index
        %get3A_1124 = arith.index_cast %scan3A_1034 : i32 to index
        %get3A_1125 = arith.constant 16 : index
        %get3A_1126 = tpu.vector_load %arg6[%get3A_1122, %get3A_1123, %get3A_1124, %get3A_1125] {strides = array<i32>} : memref<2x8x64x64xf32, #tpu.memory_space<vmem>>, vector<1x1x1x16xf32>,
        %get3A_1127 = vector.shape_cast %get3A_1126 : vector<1x1x1x16xf32> to vector<16xf32>
        %add3A_1128 = arith.addf %get3A_1119, %get3A_1127 : vector<16xf32>
        %get3A_1129 = arith.constant 0 : i32
        %get3A_1130 = arith.constant 2 : i32
        %get3A_1131 = arith.index_cast %get3A_1129 : i32 to index
        %get3A_1132 = arith.index_cast %get3A_1130 : i32 to index
        %get3A_1133 = arith.index_cast %scan3A_1034 : i32 to index
        %get3A_1134 = arith.constant 16 : index
        %get3A_1135 = tpu.vector_load %arg6[%get3A_1131, %get3A_1132, %get3A_1133, %get3A_1134] {strides = array<i32>} : memref<2x8x64x64xf32, #tpu.memory_space<vmem>>, vector<1x1x1x16xf32>,
        %get3A_1136 = vector.shape_cast %get3A_1135 : vector<1x1x1x16xf32> to vector<16xf32>
        %add3A_1137 = arith.addf %add3A_1128, %get3A_1136 : vector<16xf32>
        %get3A_1138 = arith.constant 0 : i32
        %get3A_1139 = arith.constant 3 : i32
        %get3A_1140 = arith.index_cast %get3A_1138 : i32 to index
        %get3A_1141 = arith.index_cast %get3A_1139 : i32 to index
        %get3A_1142 = arith.index_cast %scan3A_1034 : i32 to index
        %get3A_1143 = arith.constant 16 : index
        %get3A_1144 = tpu.vector_load %arg6[%get3A_1140, %get3A_1141, %get3A_1142, %get3A_1143] {strides = array<i32>} : memref<2x8x64x64xf32, #tpu.memory_space<vmem>>, vector<1x1x1x16xf32>,
        %get3A_1145 = vector.shape_cast %get3A_1144 : vector<1x1x1x16xf32> to vector<16xf32>
        %add3A_1146 = arith.addf %add3A_1137, %get3A_1145 : vector<16xf32>
        %get3A_1147 = arith.constant 0 : i32
        %get3A_1148 = arith.constant 4 : i32
        %get3A_1149 = arith.index_cast %get3A_1147 : i32 to index
        %get3A_1150 = arith.index_cast %get3A_1148 : i32 to index
        %get3A_1151 = arith.index_cast %scan3A_1034 : i32 to index
        %get3A_1152 = arith.constant 16 : index
        %get3A_1153 = tpu.vector_load %arg6[%get3A_1149, %get3A_1150, %get3A_1151, %get3A_1152] {strides = array<i32>} : memref<2x8x64x64xf32, #tpu.memory_space<vmem>>, vector<1x1x1x16xf32>,
        %get3A_1154 = vector.shape_cast %get3A_1153 : vector<1x1x1x16xf32> to vector<16xf32>
        %add3A_1155 = arith.addf %add3A_1146, %get3A_1154 : vector<16xf32>
        %get3A_1156 = arith.constant 0 : i32
        %get3A_1157 = arith.constant 5 : i32
        %get3A_1158 = arith.index_cast %get3A_1156 : i32 to index
        %get3A_1159 = arith.index_cast %get3A_1157 : i32 to index
        %get3A_1160 = arith.index_cast %scan3A_1034 : i32 to index
        %get3A_1161 = arith.constant 16 : index
        %get3A_1162 = tpu.vector_load %arg6[%get3A_1158, %get3A_1159, %get3A_1160, %get3A_1161] {strides = array<i32>} : memref<2x8x64x64xf32, #tpu.memory_space<vmem>>, vector<1x1x1x16xf32>,
        %get3A_1163 = vector.shape_cast %get3A_1162 : vector<1x1x1x16xf32> to vector<16xf32>
        %add3A_1164 = arith.addf %add3A_1155, %get3A_1163 : vector<16xf32>
        %get3A_1165 = arith.constant 0 : i32
        %get3A_1166 = arith.constant 6 : i32
        %get3A_1167 = arith.index_cast %get3A_1165 : i32 to index
        %get3A_1168 = arith.index_cast %get3A_1166 : i32 to index
        %get3A_1169 = arith.index_cast %scan3A_1034 : i32 to index
        %get3A_1170 = arith.constant 16 : index
        %get3A_1171 = tpu.vector_load %arg6[%get3A_1167, %get3A_1168, %get3A_1169, %get3A_1170] {strides = array<i32>} : memref<2x8x64x64xf32, #tpu.memory_space<vmem>>, vector<1x1x1x16xf32>,
        %get3A_1172 = vector.shape_cast %get3A_1171 : vector<1x1x1x16xf32> to vector<16xf32>
        %add3A_1173 = arith.addf %add3A_1164, %get3A_1172 : vector<16xf32>
        %get3A_1174 = arith.constant 0 : i32
        %get3A_1175 = arith.constant 7 : i32
        %get3A_1176 = arith.index_cast %get3A_1174 : i32 to index
        %get3A_1177 = arith.index_cast %get3A_1175 : i32 to index
        %get3A_1178 = arith.index_cast %scan3A_1034 : i32 to index
        %get3A_1179 = arith.constant 16 : index
        %get3A_1180 = tpu.vector_load %arg6[%get3A_1176, %get3A_1177, %get3A_1178, %get3A_1179] {strides = array<i32>} : memref<2x8x64x64xf32, #tpu.memory_space<vmem>>, vector<1x1x1x16xf32>,
        %get3A_1181 = vector.shape_cast %get3A_1180 : vector<1x1x1x16xf32> to vector<16xf32>
        %add3A_1182 = arith.addf %add3A_1173, %get3A_1181 : vector<16xf32>
        %swap3A_1183 = arith.constant 0 : i32
        %swap3A_1184 = arith.index_cast %swap3A_1183 : i32 to index
        %swap3A_1185 = arith.index_cast %scan3A_1034 : i32 to index
        %swap3A_1186 = arith.constant 16 : index
        %swap3A_1187 = tpu.vector_load %arg7[%swap3A_1184, %swap3A_1185, %swap3A_1186] {strides = array<i32>} : memref<2x64x64xf32, #tpu.memory_space<vmem>>, vector<1x1x16xf32>,
        %swap3A_1188 = vector.shape_cast %swap3A_1187 : vector<1x1x16xf32> to vector<16xf32>
        %swap3A_1189 = vector.shape_cast %add3A_1182 : vector<16xf32> to vector<1x1x16xf32>
        tpu.vector_store %arg7[%swap3A_1184, %swap3A_1185, %swap3A_1186], %swap3A_1189 {strides = array<i32>} : memref<2x64x64xf32, #tpu.memory_space<vmem>>, vector<1x1x16xf32>,
        %get3A_1190 = arith.constant 0 : i32
        %get3A_1191 = arith.constant 0 : i32
        %get3A_1192 = arith.index_cast %get3A_1190 : i32 to index
        %get3A_1193 = arith.index_cast %get3A_1191 : i32 to index
        %get3A_1194 = arith.index_cast %scan3A_1034 : i32 to index
        %get3A_1195 = arith.constant 32 : index
        %get3A_1196 = tpu.vector_load %arg6[%get3A_1192, %get3A_1193, %get3A_1194, %get3A_1195] {strides = array<i32>} : memref<2x8x64x64xf32, #tpu.memory_space<vmem>>, vector<1x1x1x16xf32>,
        %get3A_1197 = vector.shape_cast %get3A_1196 : vector<1x1x1x16xf32> to vector<16xf32>
        %get3A_1198 = arith.constant 0 : i32
        %get3A_1199 = arith.constant 1 : i32
        %get3A_1200 = arith.index_cast %get3A_1198 : i32 to index
        %get3A_1201 = arith.index_cast %get3A_1199 : i32 to index
        %get3A_1202 = arith.index_cast %scan3A_1034 : i32 to index
        %get3A_1203 = arith.constant 32 : index
        %get3A_1204 = tpu.vector_load %arg6[%get3A_1200, %get3A_1201, %get3A_1202, %get3A_1203] {strides = array<i32>} : memref<2x8x64x64xf32, #tpu.memory_space<vmem>>, vector<1x1x1x16xf32>,
        %get3A_1205 = vector.shape_cast %get3A_1204 : vector<1x1x1x16xf32> to vector<16xf32>
        %add3A_1206 = arith.addf %get3A_1197, %get3A_1205 : vector<16xf32>
        %get3A_1207 = arith.constant 0 : i32
        %get3A_1208 = arith.constant 2 : i32
        %get3A_1209 = arith.index_cast %get3A_1207 : i32 to index
        %get3A_1210 = arith.index_cast %get3A_1208 : i32 to index
        %get3A_1211 = arith.index_cast %scan3A_1034 : i32 to index
        %get3A_1212 = arith.constant 32 : index
        %get3A_1213 = tpu.vector_load %arg6[%get3A_1209, %get3A_1210, %get3A_1211, %get3A_1212] {strides = array<i32>} : memref<2x8x64x64xf32, #tpu.memory_space<vmem>>, vector<1x1x1x16xf32>,
        %get3A_1214 = vector.shape_cast %get3A_1213 : vector<1x1x1x16xf32> to vector<16xf32>
        %add3A_1215 = arith.addf %add3A_1206, %get3A_1214 : vector<16xf32>
        %get3A_1216 = arith.constant 0 : i32
        %get3A_1217 = arith.constant 3 : i32
        %get3A_1218 = arith.index_cast %get3A_1216 : i32 to index
        %get3A_1219 = arith.index_cast %get3A_1217 : i32 to index
        %get3A_1220 = arith.index_cast %scan3A_1034 : i32 to index
        %get3A_1221 = arith.constant 32 : index
        %get3A_1222 = tpu.vector_load %arg6[%get3A_1218, %get3A_1219, %get3A_1220, %get3A_1221] {strides = array<i32>} : memref<2x8x64x64xf32, #tpu.memory_space<vmem>>, vector<1x1x1x16xf32>,
        %get3A_1223 = vector.shape_cast %get3A_1222 : vector<1x1x1x16xf32> to vector<16xf32>
        %add3A_1224 = arith.addf %add3A_1215, %get3A_1223 : vector<16xf32>
        %get3A_1225 = arith.constant 0 : i32
        %get3A_1226 = arith.constant 4 : i32
        %get3A_1227 = arith.index_cast %get3A_1225 : i32 to index
        %get3A_1228 = arith.index_cast %get3A_1226 : i32 to index
        %get3A_1229 = arith.index_cast %scan3A_1034 : i32 to index
        %get3A_1230 = arith.constant 32 : index
        %get3A_1231 = tpu.vector_load %arg6[%get3A_1227, %get3A_1228, %get3A_1229, %get3A_1230] {strides = array<i32>} : memref<2x8x64x64xf32, #tpu.memory_space<vmem>>, vector<1x1x1x16xf32>,
        %get3A_1232 = vector.shape_cast %get3A_1231 : vector<1x1x1x16xf32> to vector<16xf32>
        %add3A_1233 = arith.addf %add3A_1224, %get3A_1232 : vector<16xf32>
        %get3A_1234 = arith.constant 0 : i32
        %get3A_1235 = arith.constant 5 : i32
        %get3A_1236 = arith.index_cast %get3A_1234 : i32 to index
        %get3A_1237 = arith.index_cast %get3A_1235 : i32 to index
        %get3A_1238 = arith.index_cast %scan3A_1034 : i32 to index
        %get3A_1239 = arith.constant 32 : index
        %get3A_1240 = tpu.vector_load %arg6[%get3A_1236, %get3A_1237, %get3A_1238, %get3A_1239] {strides = array<i32>} : memref<2x8x64x64xf32, #tpu.memory_space<vmem>>, vector<1x1x1x16xf32>,
        %get3A_1241 = vector.shape_cast %get3A_1240 : vector<1x1x1x16xf32> to vector<16xf32>
        %add3A_1242 = arith.addf %add3A_1233, %get3A_1241 : vector<16xf32>
        %get3A_1243 = arith.constant 0 : i32
        %get3A_1244 = arith.constant 6 : i32
        %get3A_1245 = arith.index_cast %get3A_1243 : i32 to index
        %get3A_1246 = arith.index_cast %get3A_1244 : i32 to index
        %get3A_1247 = arith.index_cast %scan3A_1034 : i32 to index
        %get3A_1248 = arith.constant 32 : index
        %get3A_1249 = tpu.vector_load %arg6[%get3A_1245, %get3A_1246, %get3A_1247, %get3A_1248] {strides = array<i32>} : memref<2x8x64x64xf32, #tpu.memory_space<vmem>>, vector<1x1x1x16xf32>,
        %get3A_1250 = vector.shape_cast %get3A_1249 : vector<1x1x1x16xf32> to vector<16xf32>
        %add3A_1251 = arith.addf %add3A_1242, %get3A_1250 : vector<16xf32>
        %get3A_1252 = arith.constant 0 : i32
        %get3A_1253 = arith.constant 7 : i32
        %get3A_1254 = arith.index_cast %get3A_1252 : i32 to index
        %get3A_1255 = arith.index_cast %get3A_1253 : i32 to index
        %get3A_1256 = arith.index_cast %scan3A_1034 : i32 to index
        %get3A_1257 = arith.constant 32 : index
        %get3A_1258 = tpu.vector_load %arg6[%get3A_1254, %get3A_1255, %get3A_1256, %get3A_1257] {strides = array<i32>} : memref<2x8x64x64xf32, #tpu.memory_space<vmem>>, vector<1x1x1x16xf32>,
        %get3A_1259 = vector.shape_cast %get3A_1258 : vector<1x1x1x16xf32> to vector<16xf32>
        %add3A_1260 = arith.addf %add3A_1251, %get3A_1259 : vector<16xf32>
        %swap3A_1261 = arith.constant 0 : i32
        %swap3A_1262 = arith.index_cast %swap3A_1261 : i32 to index
        %swap3A_1263 = arith.index_cast %scan3A_1034 : i32 to index
        %swap3A_1264 = arith.constant 32 : index
        %swap3A_1265 = tpu.vector_load %arg7[%swap3A_1262, %swap3A_1263, %swap3A_1264] {strides = array<i32>} : memref<2x64x64xf32, #tpu.memory_space<vmem>>, vector<1x1x16xf32>,
        %swap3A_1266 = vector.shape_cast %swap3A_1265 : vector<1x1x16xf32> to vector<16xf32>
        %swap3A_1267 = vector.shape_cast %add3A_1260 : vector<16xf32> to vector<1x1x16xf32>
        tpu.vector_store %arg7[%swap3A_1262, %swap3A_1263, %swap3A_1264], %swap3A_1267 {strides = array<i32>} : memref<2x64x64xf32, #tpu.memory_space<vmem>>, vector<1x1x16xf32>,
        %get3A_1268 = arith.constant 0 : i32
        %get3A_1269 = arith.constant 0 : i32
        %get3A_1270 = arith.index_cast %get3A_1268 : i32 to index
        %get3A_1271 = arith.index_cast %get3A_1269 : i32 to index
        %get3A_1272 = arith.index_cast %scan3A_1034 : i32 to index
        %get3A_1273 = arith.constant 48 : index
        %get3A_1274 = tpu.vector_load %arg6[%get3A_1270, %get3A_1271, %get3A_1272, %get3A_1273] {strides = array<i32>} : memref<2x8x64x64xf32, #tpu.memory_space<vmem>>, vector<1x1x1x16xf32>,
        %get3A_1275 = vector.shape_cast %get3A_1274 : vector<1x1x1x16xf32> to vector<16xf32>
        %get3A_1276 = arith.constant 0 : i32
        %get3A_1277 = arith.constant 1 : i32
        %get3A_1278 = arith.index_cast %get3A_1276 : i32 to index
        %get3A_1279 = arith.index_cast %get3A_1277 : i32 to index
        %get3A_1280 = arith.index_cast %scan3A_1034 : i32 to index
        %get3A_1281 = arith.constant 48 : index
        %get3A_1282 = tpu.vector_load %arg6[%get3A_1278, %get3A_1279, %get3A_1280, %get3A_1281] {strides = array<i32>} : memref<2x8x64x64xf32, #tpu.memory_space<vmem>>, vector<1x1x1x16xf32>,
        %get3A_1283 = vector.shape_cast %get3A_1282 : vector<1x1x1x16xf32> to vector<16xf32>
        %add3A_1284 = arith.addf %get3A_1275, %get3A_1283 : vector<16xf32>
        %get3A_1285 = arith.constant 0 : i32
        %get3A_1286 = arith.constant 2 : i32
        %get3A_1287 = arith.index_cast %get3A_1285 : i32 to index
        %get3A_1288 = arith.index_cast %get3A_1286 : i32 to index
        %get3A_1289 = arith.index_cast %scan3A_1034 : i32 to index
        %get3A_1290 = arith.constant 48 : index
        %get3A_1291 = tpu.vector_load %arg6[%get3A_1287, %get3A_1288, %get3A_1289, %get3A_1290] {strides = array<i32>} : memref<2x8x64x64xf32, #tpu.memory_space<vmem>>, vector<1x1x1x16xf32>,
        %get3A_1292 = vector.shape_cast %get3A_1291 : vector<1x1x1x16xf32> to vector<16xf32>
        %add3A_1293 = arith.addf %add3A_1284, %get3A_1292 : vector<16xf32>
        %get3A_1294 = arith.constant 0 : i32
        %get3A_1295 = arith.constant 3 : i32
        %get3A_1296 = arith.index_cast %get3A_1294 : i32 to index
        %get3A_1297 = arith.index_cast %get3A_1295 : i32 to index
        %get3A_1298 = arith.index_cast %scan3A_1034 : i32 to index
        %get3A_1299 = arith.constant 48 : index
        %get3A_1300 = tpu.vector_load %arg6[%get3A_1296, %get3A_1297, %get3A_1298, %get3A_1299] {strides = array<i32>} : memref<2x8x64x64xf32, #tpu.memory_space<vmem>>, vector<1x1x1x16xf32>,
        %get3A_1301 = vector.shape_cast %get3A_1300 : vector<1x1x1x16xf32> to vector<16xf32>
        %add3A_1302 = arith.addf %add3A_1293, %get3A_1301 : vector<16xf32>
        %get3A_1303 = arith.constant 0 : i32
        %get3A_1304 = arith.constant 4 : i32
        %get3A_1305 = arith.index_cast %get3A_1303 : i32 to index
        %get3A_1306 = arith.index_cast %get3A_1304 : i32 to index
        %get3A_1307 = arith.index_cast %scan3A_1034 : i32 to index
        %get3A_1308 = arith.constant 48 : index
        %get3A_1309 = tpu.vector_load %arg6[%get3A_1305, %get3A_1306, %get3A_1307, %get3A_1308] {strides = array<i32>} : memref<2x8x64x64xf32, #tpu.memory_space<vmem>>, vector<1x1x1x16xf32>,
        %get3A_1310 = vector.shape_cast %get3A_1309 : vector<1x1x1x16xf32> to vector<16xf32>
        %add3A_1311 = arith.addf %add3A_1302, %get3A_1310 : vector<16xf32>
        %get3A_1312 = arith.constant 0 : i32
        %get3A_1313 = arith.constant 5 : i32
        %get3A_1314 = arith.index_cast %get3A_1312 : i32 to index
        %get3A_1315 = arith.index_cast %get3A_1313 : i32 to index
        %get3A_1316 = arith.index_cast %scan3A_1034 : i32 to index
        %get3A_1317 = arith.constant 48 : index
        %get3A_1318 = tpu.vector_load %arg6[%get3A_1314, %get3A_1315, %get3A_1316, %get3A_1317] {strides = array<i32>} : memref<2x8x64x64xf32, #tpu.memory_space<vmem>>, vector<1x1x1x16xf32>,
        %get3A_1319 = vector.shape_cast %get3A_1318 : vector<1x1x1x16xf32> to vector<16xf32>
        %add3A_1320 = arith.addf %add3A_1311, %get3A_1319 : vector<16xf32>
        %get3A_1321 = arith.constant 0 : i32
        %get3A_1322 = arith.constant 6 : i32
        %get3A_1323 = arith.index_cast %get3A_1321 : i32 to index
        %get3A_1324 = arith.index_cast %get3A_1322 : i32 to index
        %get3A_1325 = arith.index_cast %scan3A_1034 : i32 to index
        %get3A_1326 = arith.constant 48 : index
        %get3A_1327 = tpu.vector_load %arg6[%get3A_1323, %get3A_1324, %get3A_1325, %get3A_1326] {strides = array<i32>} : memref<2x8x64x64xf32, #tpu.memory_space<vmem>>, vector<1x1x1x16xf32>,
        %get3A_1328 = vector.shape_cast %get3A_1327 : vector<1x1x1x16xf32> to vector<16xf32>
        %add3A_1329 = arith.addf %add3A_1320, %get3A_1328 : vector<16xf32>
        %get3A_1330 = arith.constant 0 : i32
        %get3A_1331 = arith.constant 7 : i32
        %get3A_1332 = arith.index_cast %get3A_1330 : i32 to index
        %get3A_1333 = arith.index_cast %get3A_1331 : i32 to index
        %get3A_1334 = arith.index_cast %scan3A_1034 : i32 to index
        %get3A_1335 = arith.constant 48 : index
        %get3A_1336 = tpu.vector_load %arg6[%get3A_1332, %get3A_1333, %get3A_1334, %get3A_1335] {strides = array<i32>} : memref<2x8x64x64xf32, #tpu.memory_space<vmem>>, vector<1x1x1x16xf32>,
        %get3A_1337 = vector.shape_cast %get3A_1336 : vector<1x1x1x16xf32> to vector<16xf32>
        %add3A_1338 = arith.addf %add3A_1329, %get3A_1337 : vector<16xf32>
        %swap3A_1339 = arith.constant 0 : i32
        %swap3A_1340 = arith.index_cast %swap3A_1339 : i32 to index
        %swap3A_1341 = arith.index_cast %scan3A_1034 : i32 to index
        %swap3A_1342 = arith.constant 48 : index
        %swap3A_1343 = tpu.vector_load %arg7[%swap3A_1340, %swap3A_1341, %swap3A_1342] {strides = array<i32>} : memref<2x64x64xf32, #tpu.memory_space<vmem>>, vector<1x1x16xf32>,
        %swap3A_1344 = vector.shape_cast %swap3A_1343 : vector<1x1x16xf32> to vector<16xf32>
        %swap3A_1345 = vector.shape_cast %add3A_1338 : vector<16xf32> to vector<1x1x16xf32>
        tpu.vector_store %arg7[%swap3A_1340, %swap3A_1341, %swap3A_1342], %swap3A_1345 {strides = array<i32>} : memref<2x64x64xf32, #tpu.memory_space<vmem>>, vector<1x1x16xf32>,
        %scan3A_1346 = arith.constant 0 : i32
        scf.yield %scan3A_1346 : i32
      }
      %scan3A_688 = arith.constant 64 : i32
      %mul3A_689 = arith.constant 64 : i32
      %mul3A_690 = arith.muli %mul3A_381, %mul3A_689 : i32
      %add3A_691 = arith.addi %mul3A_2, %mul3A_690 : i32
      %dma_start3A_692 = arith.constant 0 : i32
      %dma_start3A_693 = arith.constant 0 : i32
      %dma_start3A_694 = arith.constant 0 : i32
      %dma_start3A_695 = tpu.memref_slice %arg7[%dma_start3A_692, %dma_start3A_693, %dma_start3A_694] : memref<2x64x64xf32, #tpu.memory_space<vmem>> -> memref<1x64x64xf32, #tpu.memory_space<vmem>>
      %dma_start3A_696 = tpu.memref_squeeze %dma_start3A_695 : memref<1x64x64xf32, #tpu.memory_space<vmem>> -> memref<64x64xf32, #tpu.memory_space<vmem>>
      %dma_start3A_697 = arith.constant 0 : i32
      %dma_start3A_698 = tpu.memref_slice %arg4[%add3A_691, %dma_start3A_697] : memref<51200x64xf32, #tpu.memory_space<hbm>> -> memref<64x64xf32, #tpu.memory_space<hbm>>
      %dma_start3A_699 = arith.constant 0 : i32
      %dma_start3A_700 = tpu.memref_slice %arg4[%add3A_691, %dma_start3A_699] : memref<51200x64xf32, #tpu.memory_space<hbm>> -> memref<64x64xf32, #tpu.memory_space<hbm>>
      %dma_start3A_701 = arith.constant 0 : i32
      %dma_start3A_702 = arith.constant 0 : i32
      %dma_start3A_703 = tpu.memref_slice %arg7[%dma_start3A_692, %dma_start3A_701, %dma_start3A_702] : memref<2x64x64xf32, #tpu.memory_space<vmem>> -> memref<1x64x64xf32, #tpu.memory_space<vmem>>
      %dma_start3A_704 = tpu.memref_squeeze %dma_start3A_703 : memref<1x64x64xf32, #tpu.memory_space<vmem>> -> memref<64x64xf32, #tpu.memory_space<vmem>>
      tpu.enqueue_dma source(%dma_start3A_704 : memref<64x64xf32, #tpu.memory_space<vmem>>) target(%dma_start3A_700 : memref<64x64xf32, #tpu.memory_space<hbm>>) target_semaphore(%arg10 : memref<!tpu.dma_semaphore, #tpu.memory_space<semaphore_mem>>)
      %add3A_705 = arith.constant 2 : i32
      %add3A_706 = arith.addi %mul3A_381, %add3A_705 : i32
      %dma_start3A_707 = arith.constant 0 : i32
      %dma_start3A_708 = arith.constant 0 : i32
      %dma_start3A_709 = arith.constant 0 : i32
      %dma_start3A_710 = arith.constant 0 : i32
      %dma_start3A_711 = arith.constant 0 : i32
      %dma_start3A_712 = arith.constant 0 : i32
      %dma_start3A_713 = tpu.memref_slice %arg6[%dma_start3A_709, %dma_start3A_710, %dma_start3A_711, %dma_start3A_712] : memref<2x8x64x64xf32, #tpu.memory_space<vmem>> -> memref<1x1x64x64xf32, #tpu.memory_space<vmem>>
      %dma_start3A_714 = tpu.memref_squeeze %dma_start3A_713 : memref<1x1x64x64xf32, #tpu.memory_space<vmem>> -> memref<64x64xf32, #tpu.memory_space<vmem>>
      %dma_start3A_715 = arith.constant 0 : i32
      %dma_start3A_716 = tpu.memref_slice %arg5[%dma_start3A_708, %add3A_706, %dma_start3A_715] : memref<8x25x64xi32, #tpu.memory_space<vmem>> -> memref<1x1x64xi32, #tpu.memory_space<vmem>>
      %dma_start3A_717 = tpu.memref_squeeze %dma_start3A_716 : memref<1x1x64xi32, #tpu.memory_space<vmem>> -> memref<64xi32, #tpu.memory_space<vmem>>
      %dma_start3A_718 = arith.constant 0 : i32
      %dma_start3A_719 = arith.constant 0 : i32
      %dma_start3A_720 = tpu.memref_slice %arg3[%dma_start3A_707, %dma_start3A_718, %dma_start3A_719] : memref<8x100000x64xf32, #tpu.memory_space<hbm>> -> memref<1x100000x64xf32, #tpu.memory_space<hbm>>
      %dma_start3A_721 = tpu.memref_squeeze %dma_start3A_720 : memref<1x100000x64xf32, #tpu.memory_space<hbm>> -> memref<100000x64xf32, #tpu.memory_space<hbm>>
      %dma_start3A_722 = arith.constant 0 : i32
      %dma_start3A_723 = arith.constant 0 : i32
      %dma_start3A_724 = tpu.memref_slice %dma_start3A_721[%dma_start3A_722, %dma_start3A_723] : memref<100000x64xf32, #tpu.memory_space<hbm>> -> memref<100000x64xf32, #tpu.memory_space<hbm>>
      tpu.enqueue_indirect_dma source(%dma_start3A_724 : memref<100000x64xf32, #tpu.memory_space<hbm>>) target(%dma_start3A_714 : memref<64x64xf32, #tpu.memory_space<vmem>>) offsets(%dma_start3A_717 : memref<64xi32, #tpu.memory_space<vmem>>) semaphore(%arg8 : memref<!tpu.dma_semaphore, #tpu.memory_space<semaphore_mem>>)
      %dma_start3A_725 = arith.constant 1 : i32
      %dma_start3A_726 = arith.constant 1 : i32
      %dma_start3A_727 = arith.constant 0 : i32
      %dma_start3A_728 = arith.constant 1 : i32
      %dma_start3A_729 = arith.constant 0 : i32
      %dma_start3A_730 = arith.constant 0 : i32
      %dma_start3A_731 = tpu.memref_slice %arg6[%dma_start3A_727, %dma_start3A_728, %dma_start3A_729, %dma_start3A_730] : memref<2x8x64x64xf32, #tpu.memory_space<vmem>> -> memref<1x1x64x64xf32, #tpu.memory_space<vmem>>
      %dma_start3A_732 = tpu.memref_squeeze %dma_start3A_731 : memref<1x1x64x64xf32, #tpu.memory_space<vmem>> -> memref<64x64xf32, #tpu.memory_space<vmem>>
      %dma_start3A_733 = arith.constant 0 : i32
      %dma_start3A_734 = tpu.memref_slice %arg5[%dma_start3A_726, %add3A_706, %dma_start3A_733] : memref<8x25x64xi32, #tpu.memory_space<vmem>> -> memref<1x1x64xi32, #tpu.memory_space<vmem>>
      %dma_start3A_735 = tpu.memref_squeeze %dma_start3A_734 : memref<1x1x64xi32, #tpu.memory_space<vmem>> -> memref<64xi32, #tpu.memory_space<vmem>>
      %dma_start3A_736 = arith.constant 0 : i32
      %dma_start3A_737 = arith.constant 0 : i32
      %dma_start3A_738 = tpu.memref_slice %arg3[%dma_start3A_725, %dma_start3A_736, %dma_start3A_737] : memref<8x100000x64xf32, #tpu.memory_space<hbm>> -> memref<1x100000x64xf32, #tpu.memory_space<hbm>>
      %dma_start3A_739 = tpu.memref_squeeze %dma_start3A_738 : memref<1x100000x64xf32, #tpu.memory_space<hbm>> -> memref<100000x64xf32, #tpu.memory_space<hbm>>
      %dma_start3A_740 = arith.constant 0 : i32
      %dma_start3A_741 = arith.constant 0 : i32
      %dma_start3A_742 = tpu.memref_slice %dma_start3A_739[%dma_start3A_740, %dma_start3A_741] : memref<100000x64xf32, #tpu.memory_space<hbm>> -> memref<100000x64xf32, #tpu.memory_space<hbm>>
      tpu.enqueue_indirect_dma source(%dma_start3A_742 : memref<100000x64xf32, #tpu.memory_space<hbm>>) target(%dma_start3A_732 : memref<64x64xf32, #tpu.memory_space<vmem>>) offsets(%dma_start3A_735 : memref<64xi32, #tpu.memory_space<vmem>>) semaphore(%arg8 : memref<!tpu.dma_semaphore, #tpu.memory_space<semaphore_mem>>)
      %dma_start3A_743 = arith.constant 2 : i32
      %dma_start3A_744 = arith.constant 2 : i32
      %dma_start3A_745 = arith.constant 0 : i32
      %dma_start3A_746 = arith.constant 2 : i32
      %dma_start3A_747 = arith.constant 0 : i32
      %dma_start3A_748 = arith.constant 0 : i32
      %dma_start3A_749 = tpu.memref_slice %arg6[%dma_start3A_745, %dma_start3A_746, %dma_start3A_747, %dma_start3A_748] : memref<2x8x64x64xf32, #tpu.memory_space<vmem>> -> memref<1x1x64x64xf32, #tpu.memory_space<vmem>>
      %dma_start3A_750 = tpu.memref_squeeze %dma_start3A_749 : memref<1x1x64x64xf32, #tpu.memory_space<vmem>> -> memref<64x64xf32, #tpu.memory_space<vmem>>
      %dma_start3A_751 = arith.constant 0 : i32
      %dma_start3A_752 = tpu.memref_slice %arg5[%dma_start3A_744, %add3A_706, %dma_start3A_751] : memref<8x25x64xi32, #tpu.memory_space<vmem>> -> memref<1x1x64xi32, #tpu.memory_space<vmem>>
      %dma_start3A_753 = tpu.memref_squeeze %dma_start3A_752 : memref<1x1x64xi32, #tpu.memory_space<vmem>> -> memref<64xi32, #tpu.memory_space<vmem>>
      %dma_start3A_754 = arith.constant 0 : i32
      %dma_start3A_755 = arith.constant 0 : i32
      %dma_start3A_756 = tpu.memref_slice %arg3[%dma_start3A_743, %dma_start3A_754, %dma_start3A_755] : memref<8x100000x64xf32, #tpu.memory_space<hbm>> -> memref<1x100000x64xf32, #tpu.memory_space<hbm>>
      %dma_start3A_757 = tpu.memref_squeeze %dma_start3A_756 : memref<1x100000x64xf32, #tpu.memory_space<hbm>> -> memref<100000x64xf32, #tpu.memory_space<hbm>>
      %dma_start3A_758 = arith.constant 0 : i32
      %dma_start3A_759 = arith.constant 0 : i32
      %dma_start3A_760 = tpu.memref_slice %dma_start3A_757[%dma_start3A_758, %dma_start3A_759] : memref<100000x64xf32, #tpu.memory_space<hbm>> -> memref<100000x64xf32, #tpu.memory_space<hbm>>
      tpu.enqueue_indirect_dma source(%dma_start3A_760 : memref<100000x64xf32, #tpu.memory_space<hbm>>) target(%dma_start3A_750 : memref<64x64xf32, #tpu.memory_space<vmem>>) offsets(%dma_start3A_753 : memref<64xi32, #tpu.memory_space<vmem>>) semaphore(%arg8 : memref<!tpu.dma_semaphore, #tpu.memory_space<semaphore_mem>>)
      %dma_start3A_761 = arith.constant 3 : i32
      %dma_start3A_762 = arith.constant 3 : i32
      %dma_start3A_763 = arith.constant 0 : i32
      %dma_start3A_764 = arith.constant 3 : i32
      %dma_start3A_765 = arith.constant 0 : i32
      %dma_start3A_766 = arith.constant 0 : i32
      %dma_start3A_767 = tpu.memref_slice %arg6[%dma_start3A_763, %dma_start3A_764, %dma_start3A_765, %dma_start3A_766] : memref<2x8x64x64xf32, #tpu.memory_space<vmem>> -> memref<1x1x64x64xf32, #tpu.memory_space<vmem>>
      %dma_start3A_768 = tpu.memref_squeeze %dma_start3A_767 : memref<1x1x64x64xf32, #tpu.memory_space<vmem>> -> memref<64x64xf32, #tpu.memory_space<vmem>>
      %dma_start3A_769 = arith.constant 0 : i32
      %dma_start3A_770 = tpu.memref_slice %arg5[%dma_start3A_762, %add3A_706, %dma_start3A_769] : memref<8x25x64xi32, #tpu.memory_space<vmem>> -> memref<1x1x64xi32, #tpu.memory_space<vmem>>
      %dma_start3A_771 = tpu.memref_squeeze %dma_start3A_770 : memref<1x1x64xi32, #tpu.memory_space<vmem>> -> memref<64xi32, #tpu.memory_space<vmem>>
      %dma_start3A_772 = arith.constant 0 : i32
      %dma_start3A_773 = arith.constant 0 : i32
      %dma_start3A_774 = tpu.memref_slice %arg3[%dma_start3A_761, %dma_start3A_772, %dma_start3A_773] : memref<8x100000x64xf32, #tpu.memory_space<hbm>> -> memref<1x100000x64xf32, #tpu.memory_space<hbm>>
      %dma_start3A_775 = tpu.memref_squeeze %dma_start3A_774 : memref<1x100000x64xf32, #tpu.memory_space<hbm>> -> memref<100000x64xf32, #tpu.memory_space<hbm>>
      %dma_start3A_776 = arith.constant 0 : i32
      %dma_start3A_777 = arith.constant 0 : i32
      %dma_start3A_778 = tpu.memref_slice %dma_start3A_775[%dma_start3A_776, %dma_start3A_777] : memref<100000x64xf32, #tpu.memory_space<hbm>> -> memref<100000x64xf32, #tpu.memory_space<hbm>>
      tpu.enqueue_indirect_dma source(%dma_start3A_778 : memref<100000x64xf32, #tpu.memory_space<hbm>>) target(%dma_start3A_768 : memref<64x64xf32, #tpu.memory_space<vmem>>) offsets(%dma_start3A_771 : memref<64xi32, #tpu.memory_space<vmem>>) semaphore(%arg8 : memref<!tpu.dma_semaphore, #tpu.memory_space<semaphore_mem>>)
      %dma_start3A_779 = arith.constant 4 : i32
      %dma_start3A_780 = arith.constant 4 : i32
      %dma_start3A_781 = arith.constant 0 : i32
      %dma_start3A_782 = arith.constant 4 : i32
      %dma_start3A_783 = arith.constant 0 : i32
      %dma_start3A_784 = arith.constant 0 : i32
      %dma_start3A_785 = tpu.memref_slice %arg6[%dma_start3A_781, %dma_start3A_782, %dma_start3A_783, %dma_start3A_784] : memref<2x8x64x64xf32, #tpu.memory_space<vmem>> -> memref<1x1x64x64xf32, #tpu.memory_space<vmem>>
      %dma_start3A_786 = tpu.memref_squeeze %dma_start3A_785 : memref<1x1x64x64xf32, #tpu.memory_space<vmem>> -> memref<64x64xf32, #tpu.memory_space<vmem>>
      %dma_start3A_787 = arith.constant 0 : i32
      %dma_start3A_788 = tpu.memref_slice %arg5[%dma_start3A_780, %add3A_706, %dma_start3A_787] : memref<8x25x64xi32, #tpu.memory_space<vmem>> -> memref<1x1x64xi32, #tpu.memory_space<vmem>>
      %dma_start3A_789 = tpu.memref_squeeze %dma_start3A_788 : memref<1x1x64xi32, #tpu.memory_space<vmem>> -> memref<64xi32, #tpu.memory_space<vmem>>
      %dma_start3A_790 = arith.constant 0 : i32
      %dma_start3A_791 = arith.constant 0 : i32
      %dma_start3A_792 = tpu.memref_slice %arg3[%dma_start3A_779, %dma_start3A_790, %dma_start3A_791] : memref<8x100000x64xf32, #tpu.memory_space<hbm>> -> memref<1x100000x64xf32, #tpu.memory_space<hbm>>
      %dma_start3A_793 = tpu.memref_squeeze %dma_start3A_792 : memref<1x100000x64xf32, #tpu.memory_space<hbm>> -> memref<100000x64xf32, #tpu.memory_space<hbm>>
      %dma_start3A_794 = arith.constant 0 : i32
      %dma_start3A_795 = arith.constant 0 : i32
      %dma_start3A_796 = tpu.memref_slice %dma_start3A_793[%dma_start3A_794, %dma_start3A_795] : memref<100000x64xf32, #tpu.memory_space<hbm>> -> memref<100000x64xf32, #tpu.memory_space<hbm>>
      tpu.enqueue_indirect_dma source(%dma_start3A_796 : memref<100000x64xf32, #tpu.memory_space<hbm>>) target(%dma_start3A_786 : memref<64x64xf32, #tpu.memory_space<vmem>>) offsets(%dma_start3A_789 : memref<64xi32, #tpu.memory_space<vmem>>) semaphore(%arg8 : memref<!tpu.dma_semaphore, #tpu.memory_space<semaphore_mem>>)
      %dma_start3A_797 = arith.constant 5 : i32
      %dma_start3A_798 = arith.constant 5 : i32
      %dma_start3A_799 = arith.constant 0 : i32
      %dma_start3A_800 = arith.constant 5 : i32
      %dma_start3A_801 = arith.constant 0 : i32
      %dma_start3A_802 = arith.constant 0 : i32
      %dma_start3A_803 = tpu.memref_slice %arg6[%dma_start3A_799, %dma_start3A_800, %dma_start3A_801, %dma_start3A_802] : memref<2x8x64x64xf32, #tpu.memory_space<vmem>> -> memref<1x1x64x64xf32, #tpu.memory_space<vmem>>
      %dma_start3A_804 = tpu.memref_squeeze %dma_start3A_803 : memref<1x1x64x64xf32, #tpu.memory_space<vmem>> -> memref<64x64xf32, #tpu.memory_space<vmem>>
      %dma_start3A_805 = arith.constant 0 : i32
      %dma_start3A_806 = tpu.memref_slice %arg5[%dma_start3A_798, %add3A_706, %dma_start3A_805] : memref<8x25x64xi32, #tpu.memory_space<vmem>> -> memref<1x1x64xi32, #tpu.memory_space<vmem>>
      %dma_start3A_807 = tpu.memref_squeeze %dma_start3A_806 : memref<1x1x64xi32, #tpu.memory_space<vmem>> -> memref<64xi32, #tpu.memory_space<vmem>>
      %dma_start3A_808 = arith.constant 0 : i32
      %dma_start3A_809 = arith.constant 0 : i32
      %dma_start3A_810 = tpu.memref_slice %arg3[%dma_start3A_797, %dma_start3A_808, %dma_start3A_809] : memref<8x100000x64xf32, #tpu.memory_space<hbm>> -> memref<1x100000x64xf32, #tpu.memory_space<hbm>>
      %dma_start3A_811 = tpu.memref_squeeze %dma_start3A_810 : memref<1x100000x64xf32, #tpu.memory_space<hbm>> -> memref<100000x64xf32, #tpu.memory_space<hbm>>
      %dma_start3A_812 = arith.constant 0 : i32
      %dma_start3A_813 = arith.constant 0 : i32
      %dma_start3A_814 = tpu.memref_slice %dma_start3A_811[%dma_start3A_812, %dma_start3A_813] : memref<100000x64xf32, #tpu.memory_space<hbm>> -> memref<100000x64xf32, #tpu.memory_space<hbm>>
      tpu.enqueue_indirect_dma source(%dma_start3A_814 : memref<100000x64xf32, #tpu.memory_space<hbm>>) target(%dma_start3A_804 : memref<64x64xf32, #tpu.memory_space<vmem>>) offsets(%dma_start3A_807 : memref<64xi32, #tpu.memory_space<vmem>>) semaphore(%arg8 : memref<!tpu.dma_semaphore, #tpu.memory_space<semaphore_mem>>)
      %dma_start3A_815 = arith.constant 6 : i32
      %dma_start3A_816 = arith.constant 6 : i32
      %dma_start3A_817 = arith.constant 0 : i32
      %dma_start3A_818 = arith.constant 6 : i32
      %dma_start3A_819 = arith.constant 0 : i32
      %dma_start3A_820 = arith.constant 0 : i32
      %dma_start3A_821 = tpu.memref_slice %arg6[%dma_start3A_817, %dma_start3A_818, %dma_start3A_819, %dma_start3A_820] : memref<2x8x64x64xf32, #tpu.memory_space<vmem>> -> memref<1x1x64x64xf32, #tpu.memory_space<vmem>>
      %dma_start3A_822 = tpu.memref_squeeze %dma_start3A_821 : memref<1x1x64x64xf32, #tpu.memory_space<vmem>> -> memref<64x64xf32, #tpu.memory_space<vmem>>
      %dma_start3A_823 = arith.constant 0 : i32
      %dma_start3A_824 = tpu.memref_slice %arg5[%dma_start3A_816, %add3A_706, %dma_start3A_823] : memref<8x25x64xi32, #tpu.memory_space<vmem>> -> memref<1x1x64xi32, #tpu.memory_space<vmem>>
      %dma_start3A_825 = tpu.memref_squeeze %dma_start3A_824 : memref<1x1x64xi32, #tpu.memory_space<vmem>> -> memref<64xi32, #tpu.memory_space<vmem>>
      %dma_start3A_826 = arith.constant 0 : i32
      %dma_start3A_827 = arith.constant 0 : i32
      %dma_start3A_828 = tpu.memref_slice %arg3[%dma_start3A_815, %dma_start3A_826, %dma_start3A_827] : memref<8x100000x64xf32, #tpu.memory_space<hbm>> -> memref<1x100000x64xf32, #tpu.memory_space<hbm>>
      %dma_start3A_829 = tpu.memref_squeeze %dma_start3A_828 : memref<1x100000x64xf32, #tpu.memory_space<hbm>> -> memref<100000x64xf32, #tpu.memory_space<hbm>>
      %dma_start3A_830 = arith.constant 0 : i32
      %dma_start3A_831 = arith.constant 0 : i32
      %dma_start3A_832 = tpu.memref_slice %dma_start3A_829[%dma_start3A_830, %dma_start3A_831] : memref<100000x64xf32, #tpu.memory_space<hbm>> -> memref<100000x64xf32, #tpu.memory_space<hbm>>
      tpu.enqueue_indirect_dma source(%dma_start3A_832 : memref<100000x64xf32, #tpu.memory_space<hbm>>) target(%dma_start3A_822 : memref<64x64xf32, #tpu.memory_space<vmem>>) offsets(%dma_start3A_825 : memref<64xi32, #tpu.memory_space<vmem>>) semaphore(%arg8 : memref<!tpu.dma_semaphore, #tpu.memory_space<semaphore_mem>>)
      %dma_start3A_833 = arith.constant 7 : i32
      %dma_start3A_834 = arith.constant 7 : i32
      %dma_start3A_835 = arith.constant 0 : i32
      %dma_start3A_836 = arith.constant 7 : i32
      %dma_start3A_837 = arith.constant 0 : i32
      %dma_start3A_838 = arith.constant 0 : i32
      %dma_start3A_839 = tpu.memref_slice %arg6[%dma_start3A_835, %dma_start3A_836, %dma_start3A_837, %dma_start3A_838] : memref<2x8x64x64xf32, #tpu.memory_space<vmem>> -> memref<1x1x64x64xf32, #tpu.memory_space<vmem>>
      %dma_start3A_840 = tpu.memref_squeeze %dma_start3A_839 : memref<1x1x64x64xf32, #tpu.memory_space<vmem>> -> memref<64x64xf32, #tpu.memory_space<vmem>>
      %dma_start3A_841 = arith.constant 0 : i32
      %dma_start3A_842 = tpu.memref_slice %arg5[%dma_start3A_834, %add3A_706, %dma_start3A_841] : memref<8x25x64xi32, #tpu.memory_space<vmem>> -> memref<1x1x64xi32, #tpu.memory_space<vmem>>
      %dma_start3A_843 = tpu.memref_squeeze %dma_start3A_842 : memref<1x1x64xi32, #tpu.memory_space<vmem>> -> memref<64xi32, #tpu.memory_space<vmem>>
      %dma_start3A_844 = arith.constant 0 : i32
      %dma_start3A_845 = arith.constant 0 : i32
      %dma_start3A_846 = tpu.memref_slice %arg3[%dma_start3A_833, %dma_start3A_844, %dma_start3A_845] : memref<8x100000x64xf32, #tpu.memory_space<hbm>> -> memref<1x100000x64xf32, #tpu.memory_space<hbm>>
      %dma_start3A_847 = tpu.memref_squeeze %dma_start3A_846 : memref<1x100000x64xf32, #tpu.memory_space<hbm>> -> memref<100000x64xf32, #tpu.memory_space<hbm>>
      %dma_start3A_848 = arith.constant 0 : i32
      %dma_start3A_849 = arith.constant 0 : i32
      %dma_start3A_850 = tpu.memref_slice %dma_start3A_847[%dma_start3A_848, %dma_start3A_849] : memref<100000x64xf32, #tpu.memory_space<hbm>> -> memref<100000x64xf32, #tpu.memory_space<hbm>>
      tpu.enqueue_indirect_dma source(%dma_start3A_850 : memref<100000x64xf32, #tpu.memory_space<hbm>>) target(%dma_start3A_840 : memref<64x64xf32, #tpu.memory_space<vmem>>) offsets(%dma_start3A_843 : memref<64xi32, #tpu.memory_space<vmem>>) semaphore(%arg8 : memref<!tpu.dma_semaphore, #tpu.memory_space<semaphore_mem>>)
      %dma_wait3A_851 = arith.constant 0 : i32
      %dma_wait3A_852 = arith.constant 0 : i32
      %dma_wait3A_853 = arith.constant 0 : i32
      %dma_wait3A_854 = arith.constant 1 : i32
      %dma_wait3A_855 = arith.constant 0 : i32
      %dma_wait3A_856 = arith.constant 0 : i32
      %dma_wait3A_857 = arith.constant 0 : i32
      %dma_wait3A_858 = tpu.memref_slice %arg6[%dma_wait3A_854, %dma_wait3A_855, %dma_wait3A_856, %dma_wait3A_857] : memref<2x8x64x64xf32, #tpu.memory_space<vmem>> -> memref<1x1x64x64xf32, #tpu.memory_space<vmem>>
      %dma_wait3A_859 = tpu.memref_squeeze %dma_wait3A_858 : memref<1x1x64x64xf32, #tpu.memory_space<vmem>> -> memref<64x64xf32, #tpu.memory_space<vmem>>
      %dma_wait3A_860 = arith.constant 0 : i32
      %dma_wait3A_861 = tpu.memref_slice %arg5[%dma_wait3A_852, %dma_wait3A_853, %dma_wait3A_860] : memref<8x25x64xi32, #tpu.memory_space<vmem>> -> memref<1x1x64xi32, #tpu.memory_space<vmem>>
      %dma_wait3A_862 = tpu.memref_squeeze %dma_wait3A_861 : memref<1x1x64xi32, #tpu.memory_space<vmem>> -> memref<64xi32, #tpu.memory_space<vmem>>
      %dma_wait3A_863 = arith.constant 0 : i32
      %dma_wait3A_864 = arith.constant 0 : i32
      %dma_wait3A_865 = tpu.memref_slice %arg3[%dma_wait3A_851, %dma_wait3A_863, %dma_wait3A_864] : memref<8x100000x64xf32, #tpu.memory_space<hbm>> -> memref<1x100000x64xf32, #tpu.memory_space<hbm>>
      %dma_wait3A_866 = tpu.memref_squeeze %dma_wait3A_865 : memref<1x100000x64xf32, #tpu.memory_space<hbm>> -> memref<100000x64xf32, #tpu.memory_space<hbm>>
      %dma_wait3A_867 = arith.constant 0 : i32
      %dma_wait3A_868 = arith.constant 0 : i32
      %dma_wait3A_869 = tpu.memref_slice %dma_wait3A_866[%dma_wait3A_867, %dma_wait3A_868] : memref<100000x64xf32, #tpu.memory_space<hbm>> -> memref<100000x64xf32, #tpu.memory_space<hbm>>
      tpu.wait_indirect_dma semaphore(%arg9 : memref<!tpu.dma_semaphore, #tpu.memory_space<semaphore_mem>>) src(%dma_wait3A_869 : memref<100000x64xf32, #tpu.memory_space<hbm>>) dst(%dma_wait3A_859 : memref<64x64xf32, #tpu.memory_space<vmem>>)
      %dma_wait3A_870 = arith.constant 1 : i32
      %dma_wait3A_871 = arith.constant 1 : i32
      %dma_wait3A_872 = arith.constant 0 : i32
      %dma_wait3A_873 = arith.constant 1 : i32
      %dma_wait3A_874 = arith.constant 1 : i32
      %dma_wait3A_875 = arith.constant 0 : i32
      %dma_wait3A_876 = arith.constant 0 : i32
      %dma_wait3A_877 = tpu.memref_slice %arg6[%dma_wait3A_873, %dma_wait3A_874, %dma_wait3A_875, %dma_wait3A_876] : memref<2x8x64x64xf32, #tpu.memory_space<vmem>> -> memref<1x1x64x64xf32, #tpu.memory_space<vmem>>
      %dma_wait3A_878 = tpu.memref_squeeze %dma_wait3A_877 : memref<1x1x64x64xf32, #tpu.memory_space<vmem>> -> memref<64x64xf32, #tpu.memory_space<vmem>>
      %dma_wait3A_879 = arith.constant 0 : i32
      %dma_wait3A_880 = tpu.memref_slice %arg5[%dma_wait3A_871, %dma_wait3A_872, %dma_wait3A_879] : memref<8x25x64xi32, #tpu.memory_space<vmem>> -> memref<1x1x64xi32, #tpu.memory_space<vmem>>
      %dma_wait3A_881 = tpu.memref_squeeze %dma_wait3A_880 : memref<1x1x64xi32, #tpu.memory_space<vmem>> -> memref<64xi32, #tpu.memory_space<vmem>>
      %dma_wait3A_882 = arith.constant 0 : i32
      %dma_wait3A_883 = arith.constant 0 : i32
      %dma_wait3A_884 = tpu.memref_slice %arg3[%dma_wait3A_870, %dma_wait3A_882, %dma_wait3A_883] : memref<8x100000x64xf32, #tpu.memory_space<hbm>> -> memref<1x100000x64xf32, #tpu.memory_space<hbm>>
      %dma_wait3A_885 = tpu.memref_squeeze %dma_wait3A_884 : memref<1x100000x64xf32, #tpu.memory_space<hbm>> -> memref<100000x64xf32, #tpu.memory_space<hbm>>
      %dma_wait3A_886 = arith.constant 0 : i32
      %dma_wait3A_887 = arith.constant 0 : i32
      %dma_wait3A_888 = tpu.memref_slice %dma_wait3A_885[%dma_wait3A_886, %dma_wait3A_887] : memref<100000x64xf32, #tpu.memory_space<hbm>> -> memref<100000x64xf32, #tpu.memory_space<hbm>>
      tpu.wait_indirect_dma semaphore(%arg9 : memref<!tpu.dma_semaphore, #tpu.memory_space<semaphore_mem>>) src(%dma_wait3A_888 : memref<100000x64xf32, #tpu.memory_space<hbm>>) dst(%dma_wait3A_878 : memref<64x64xf32, #tpu.memory_space<vmem>>)
      %dma_wait3A_889 = arith.constant 2 : i32
      %dma_wait3A_890 = arith.constant 2 : i32
      %dma_wait3A_891 = arith.constant 0 : i32
      %dma_wait3A_892 = arith.constant 1 : i32
      %dma_wait3A_893 = arith.constant 2 : i32
      %dma_wait3A_894 = arith.constant 0 : i32
      %dma_wait3A_895 = arith.constant 0 : i32
      %dma_wait3A_896 = tpu.memref_slice %arg6[%dma_wait3A_892, %dma_wait3A_893, %dma_wait3A_894, %dma_wait3A_895] : memref<2x8x64x64xf32, #tpu.memory_space<vmem>> -> memref<1x1x64x64xf32, #tpu.memory_space<vmem>>
      %dma_wait3A_897 = tpu.memref_squeeze %dma_wait3A_896 : memref<1x1x64x64xf32, #tpu.memory_space<vmem>> -> memref<64x64xf32, #tpu.memory_space<vmem>>
      %dma_wait3A_898 = arith.constant 0 : i32
      %dma_wait3A_899 = tpu.memref_slice %arg5[%dma_wait3A_890, %dma_wait3A_891, %dma_wait3A_898] : memref<8x25x64xi32, #tpu.memory_space<vmem>> -> memref<1x1x64xi32, #tpu.memory_space<vmem>>
      %dma_wait3A_900 = tpu.memref_squeeze %dma_wait3A_899 : memref<1x1x64xi32, #tpu.memory_space<vmem>> -> memref<64xi32, #tpu.memory_space<vmem>>
      %dma_wait3A_901 = arith.constant 0 : i32
      %dma_wait3A_902 = arith.constant 0 : i32
      %dma_wait3A_903 = tpu.memref_slice %arg3[%dma_wait3A_889, %dma_wait3A_901, %dma_wait3A_902] : memref<8x100000x64xf32, #tpu.memory_space<hbm>> -> memref<1x100000x64xf32, #tpu.memory_space<hbm>>
      %dma_wait3A_904 = tpu.memref_squeeze %dma_wait3A_903 : memref<1x100000x64xf32, #tpu.memory_space<hbm>> -> memref<100000x64xf32, #tpu.memory_space<hbm>>
      %dma_wait3A_905 = arith.constant 0 : i32
      %dma_wait3A_906 = arith.constant 0 : i32
      %dma_wait3A_907 = tpu.memref_slice %dma_wait3A_904[%dma_wait3A_905, %dma_wait3A_906] : memref<100000x64xf32, #tpu.memory_space<hbm>> -> memref<100000x64xf32, #tpu.memory_space<hbm>>
      tpu.wait_indirect_dma semaphore(%arg9 : memref<!tpu.dma_semaphore, #tpu.memory_space<semaphore_mem>>) src(%dma_wait3A_907 : memref<100000x64xf32, #tpu.memory_space<hbm>>) dst(%dma_wait3A_897 : memref<64x64xf32, #tpu.memory_space<vmem>>)
      %dma_wait3A_908 = arith.constant 3 : i32
      %dma_wait3A_909 = arith.constant 3 : i32
      %dma_wait3A_910 = arith.constant 0 : i32
      %dma_wait3A_911 = arith.constant 1 : i32
      %dma_wait3A_912 = arith.constant 3 : i32
      %dma_wait3A_913 = arith.constant 0 : i32
      %dma_wait3A_914 = arith.constant 0 : i32
      %dma_wait3A_915 = tpu.memref_slice %arg6[%dma_wait3A_911, %dma_wait3A_912, %dma_wait3A_913, %dma_wait3A_914] : memref<2x8x64x64xf32, #tpu.memory_space<vmem>> -> memref<1x1x64x64xf32, #tpu.memory_space<vmem>>
      %dma_wait3A_916 = tpu.memref_squeeze %dma_wait3A_915 : memref<1x1x64x64xf32, #tpu.memory_space<vmem>> -> memref<64x64xf32, #tpu.memory_space<vmem>>
      %dma_wait3A_917 = arith.constant 0 : i32
      %dma_wait3A_918 = tpu.memref_slice %arg5[%dma_wait3A_909, %dma_wait3A_910, %dma_wait3A_917] : memref<8x25x64xi32, #tpu.memory_space<vmem>> -> memref<1x1x64xi32, #tpu.memory_space<vmem>>
      %dma_wait3A_919 = tpu.memref_squeeze %dma_wait3A_918 : memref<1x1x64xi32, #tpu.memory_space<vmem>> -> memref<64xi32, #tpu.memory_space<vmem>>
      %dma_wait3A_920 = arith.constant 0 : i32
      %dma_wait3A_921 = arith.constant 0 : i32
      %dma_wait3A_922 = tpu.memref_slice %arg3[%dma_wait3A_908, %dma_wait3A_920, %dma_wait3A_921] : memref<8x100000x64xf32, #tpu.memory_space<hbm>> -> memref<1x100000x64xf32, #tpu.memory_space<hbm>>
      %dma_wait3A_923 = tpu.memref_squeeze %dma_wait3A_922 : memref<1x100000x64xf32, #tpu.memory_space<hbm>> -> memref<100000x64xf32, #tpu.memory_space<hbm>>
      %dma_wait3A_924 = arith.constant 0 : i32
      %dma_wait3A_925 = arith.constant 0 : i32
      %dma_wait3A_926 = tpu.memref_slice %dma_wait3A_923[%dma_wait3A_924, %dma_wait3A_925] : memref<100000x64xf32, #tpu.memory_space<hbm>> -> memref<100000x64xf32, #tpu.memory_space<hbm>>
      tpu.wait_indirect_dma semaphore(%arg9 : memref<!tpu.dma_semaphore, #tpu.memory_space<semaphore_mem>>) src(%dma_wait3A_926 : memref<100000x64xf32, #tpu.memory_space<hbm>>) dst(%dma_wait3A_916 : memref<64x64xf32, #tpu.memory_space<vmem>>)
      %dma_wait3A_927 = arith.constant 4 : i32
      %dma_wait3A_928 = arith.constant 4 : i32
      %dma_wait3A_929 = arith.constant 0 : i32
      %dma_wait3A_930 = arith.constant 1 : i32
      %dma_wait3A_931 = arith.constant 4 : i32
      %dma_wait3A_932 = arith.constant 0 : i32
      %dma_wait3A_933 = arith.constant 0 : i32
      %dma_wait3A_934 = tpu.memref_slice %arg6[%dma_wait3A_930, %dma_wait3A_931, %dma_wait3A_932, %dma_wait3A_933] : memref<2x8x64x64xf32, #tpu.memory_space<vmem>> -> memref<1x1x64x64xf32, #tpu.memory_space<vmem>>
      %dma_wait3A_935 = tpu.memref_squeeze %dma_wait3A_934 : memref<1x1x64x64xf32, #tpu.memory_space<vmem>> -> memref<64x64xf32, #tpu.memory_space<vmem>>
      %dma_wait3A_936 = arith.constant 0 : i32
      %dma_wait3A_937 = tpu.memref_slice %arg5[%dma_wait3A_928, %dma_wait3A_929, %dma_wait3A_936] : memref<8x25x64xi32, #tpu.memory_space<vmem>> -> memref<1x1x64xi32, #tpu.memory_space<vmem>>
      %dma_wait3A_938 = tpu.memref_squeeze %dma_wait3A_937 : memref<1x1x64xi32, #tpu.memory_space<vmem>> -> memref<64xi32, #tpu.memory_space<vmem>>
      %dma_wait3A_939 = arith.constant 0 : i32
      %dma_wait3A_940 = arith.constant 0 : i32
      %dma_wait3A_941 = tpu.memref_slice %arg3[%dma_wait3A_927, %dma_wait3A_939, %dma_wait3A_940] : memref<8x100000x64xf32, #tpu.memory_space<hbm>> -> memref<1x100000x64xf32, #tpu.memory_space<hbm>>
      %dma_wait3A_942 = tpu.memref_squeeze %dma_wait3A_941 : memref<1x100000x64xf32, #tpu.memory_space<hbm>> -> memref<100000x64xf32, #tpu.memory_space<hbm>>
      %dma_wait3A_943 = arith.constant 0 : i32
      %dma_wait3A_944 = arith.constant 0 : i32
      %dma_wait3A_945 = tpu.memref_slice %dma_wait3A_942[%dma_wait3A_943, %dma_wait3A_944] : memref<100000x64xf32, #tpu.memory_space<hbm>> -> memref<100000x64xf32, #tpu.memory_space<hbm>>
      tpu.wait_indirect_dma semaphore(%arg9 : memref<!tpu.dma_semaphore, #tpu.memory_space<semaphore_mem>>) src(%dma_wait3A_945 : memref<100000x64xf32, #tpu.memory_space<hbm>>) dst(%dma_wait3A_935 : memref<64x64xf32, #tpu.memory_space<vmem>>)
      %dma_wait3A_946 = arith.constant 5 : i32
      %dma_wait3A_947 = arith.constant 5 : i32
      %dma_wait3A_948 = arith.constant 0 : i32
      %dma_wait3A_949 = arith.constant 1 : i32
      %dma_wait3A_950 = arith.constant 5 : i32
      %dma_wait3A_951 = arith.constant 0 : i32
      %dma_wait3A_952 = arith.constant 0 : i32
      %dma_wait3A_953 = tpu.memref_slice %arg6[%dma_wait3A_949, %dma_wait3A_950, %dma_wait3A_951, %dma_wait3A_952] : memref<2x8x64x64xf32, #tpu.memory_space<vmem>> -> memref<1x1x64x64xf32, #tpu.memory_space<vmem>>
      %dma_wait3A_954 = tpu.memref_squeeze %dma_wait3A_953 : memref<1x1x64x64xf32, #tpu.memory_space<vmem>> -> memref<64x64xf32, #tpu.memory_space<vmem>>
      %dma_wait3A_955 = arith.constant 0 : i32
      %dma_wait3A_956 = tpu.memref_slice %arg5[%dma_wait3A_947, %dma_wait3A_948, %dma_wait3A_955] : memref<8x25x64xi32, #tpu.memory_space<vmem>> -> memref<1x1x64xi32, #tpu.memory_space<vmem>>
      %dma_wait3A_957 = tpu.memref_squeeze %dma_wait3A_956 : memref<1x1x64xi32, #tpu.memory_space<vmem>> -> memref<64xi32, #tpu.memory_space<vmem>>
      %dma_wait3A_958 = arith.constant 0 : i32
      %dma_wait3A_959 = arith.constant 0 : i32
      %dma_wait3A_960 = tpu.memref_slice %arg3[%dma_wait3A_946, %dma_wait3A_958, %dma_wait3A_959] : memref<8x100000x64xf32, #tpu.memory_space<hbm>> -> memref<1x100000x64xf32, #tpu.memory_space<hbm>>
      %dma_wait3A_961 = tpu.memref_squeeze %dma_wait3A_960 : memref<1x100000x64xf32, #tpu.memory_space<hbm>> -> memref<100000x64xf32, #tpu.memory_space<hbm>>
      %dma_wait3A_962 = arith.constant 0 : i32
      %dma_wait3A_963 = arith.constant 0 : i32
      %dma_wait3A_964 = tpu.memref_slice %dma_wait3A_961[%dma_wait3A_962, %dma_wait3A_963] : memref<100000x64xf32, #tpu.memory_space<hbm>> -> memref<100000x64xf32, #tpu.memory_space<hbm>>
      tpu.wait_indirect_dma semaphore(%arg9 : memref<!tpu.dma_semaphore, #tpu.memory_space<semaphore_mem>>) src(%dma_wait3A_964 : memref<100000x64xf32, #tpu.memory_space<hbm>>) dst(%dma_wait3A_954 : memref<64x64xf32, #tpu.memory_space<vmem>>)
      %dma_wait3A_965 = arith.constant 6 : i32
      %dma_wait3A_966 = arith.constant 6 : i32
      %dma_wait3A_967 = arith.constant 0 : i32
      %dma_wait3A_968 = arith.constant 1 : i32
      %dma_wait3A_969 = arith.constant 6 : i32
      %dma_wait3A_970 = arith.constant 0 : i32
      %dma_wait3A_971 = arith.constant 0 : i32
      %dma_wait3A_972 = tpu.memref_slice %arg6[%dma_wait3A_968, %dma_wait3A_969, %dma_wait3A_970, %dma_wait3A_971] : memref<2x8x64x64xf32, #tpu.memory_space<vmem>> -> memref<1x1x64x64xf32, #tpu.memory_space<vmem>>
      %dma_wait3A_973 = tpu.memref_squeeze %dma_wait3A_972 : memref<1x1x64x64xf32, #tpu.memory_space<vmem>> -> memref<64x64xf32, #tpu.memory_space<vmem>>
      %dma_wait3A_974 = arith.constant 0 : i32
      %dma_wait3A_975 = tpu.memref_slice %arg5[%dma_wait3A_966, %dma_wait3A_967, %dma_wait3A_974] : memref<8x25x64xi32, #tpu.memory_space<vmem>> -> memref<1x1x64xi32, #tpu.memory_space<vmem>>
      %dma_wait3A_976 = tpu.memref_squeeze %dma_wait3A_975 : memref<1x1x64xi32, #tpu.memory_space<vmem>> -> memref<64xi32, #tpu.memory_space<vmem>>
      %dma_wait3A_977 = arith.constant 0 : i32
      %dma_wait3A_978 = arith.constant 0 : i32
      %dma_wait3A_979 = tpu.memref_slice %arg3[%dma_wait3A_965, %dma_wait3A_977, %dma_wait3A_978] : memref<8x100000x64xf32, #tpu.memory_space<hbm>> -> memref<1x100000x64xf32, #tpu.memory_space<hbm>>
      %dma_wait3A_980 = tpu.memref_squeeze %dma_wait3A_979 : memref<1x100000x64xf32, #tpu.memory_space<hbm>> -> memref<100000x64xf32, #tpu.memory_space<hbm>>
      %dma_wait3A_981 = arith.constant 0 : i32
      %dma_wait3A_982 = arith.constant 0 : i32
      %dma_wait3A_983 = tpu.memref_slice %dma_wait3A_980[%dma_wait3A_981, %dma_wait3A_982] : memref<100000x64xf32, #tpu.memory_space<hbm>> -> memref<100000x64xf32, #tpu.memory_space<hbm>>
      tpu.wait_indirect_dma semaphore(%arg9 : memref<!tpu.dma_semaphore, #tpu.memory_space<semaphore_mem>>) src(%dma_wait3A_983 : memref<100000x64xf32, #tpu.memory_space<hbm>>) dst(%dma_wait3A_973 : memref<64x64xf32, #tpu.memory_space<vmem>>)
      %dma_wait3A_984 = arith.constant 7 : i32
      %dma_wait3A_985 = arith.constant 7 : i32
      %dma_wait3A_986 = arith.constant 0 : i32
      %dma_wait3A_987 = arith.constant 1 : i32
      %dma_wait3A_988 = arith.constant 7 : i32
      %dma_wait3A_989 = arith.constant 0 : i32
      %dma_wait3A_990 = arith.constant 0 : i32
      %dma_wait3A_991 = tpu.memref_slice %arg6[%dma_wait3A_987, %dma_wait3A_988, %dma_wait3A_989, %dma_wait3A_990] : memref<2x8x64x64xf32, #tpu.memory_space<vmem>> -> memref<1x1x64x64xf32, #tpu.memory_space<vmem>>
      %dma_wait3A_992 = tpu.memref_squeeze %dma_wait3A_991 : memref<1x1x64x64xf32, #tpu.memory_space<vmem>> -> memref<64x64xf32, #tpu.memory_space<vmem>>
      %dma_wait3A_993 = arith.constant 0 : i32
      %dma_wait3A_994 = tpu.memref_slice %arg5[%dma_wait3A_985, %dma_wait3A_986, %dma_wait3A_993] : memref<8x25x64xi32, #tpu.memory_space<vmem>> -> memref<1x1x64xi32, #tpu.memory_space<vmem>>
      %dma_wait3A_995 = tpu.memref_squeeze %dma_wait3A_994 : memref<1x1x64xi32, #tpu.memory_space<vmem>> -> memref<64xi32, #tpu.memory_space<vmem>>
      %dma_wait3A_996 = arith.constant 0 : i32
      %dma_wait3A_997 = arith.constant 0 : i32
      %dma_wait3A_998 = tpu.memref_slice %arg3[%dma_wait3A_984, %dma_wait3A_996, %dma_wait3A_997] : memref<8x100000x64xf32, #tpu.memory_space<hbm>> -> memref<1x100000x64xf32, #tpu.memory_space<hbm>>
      %dma_wait3A_999 = tpu.memref_squeeze %dma_wait3A_998 : memref<1x100000x64xf32, #tpu.memory_space<hbm>> -> memref<100000x64xf32, #tpu.memory_space<hbm>>
      %dma_wait3A_1000 = arith.constant 0 : i32
      %dma_wait3A_1001 = arith.constant 0 : i32
      %dma_wait3A_1002 = tpu.memref_slice %dma_wait3A_999[%dma_wait3A_1000, %dma_wait3A_1001] : memref<100000x64xf32, #tpu.memory_space<hbm>> -> memref<100000x64xf32, #tpu.memory_space<hbm>>
      tpu.wait_indirect_dma semaphore(%arg9 : memref<!tpu.dma_semaphore, #tpu.memory_space<semaphore_mem>>) src(%dma_wait3A_1002 : memref<100000x64xf32, #tpu.memory_space<hbm>>) dst(%dma_wait3A_992 : memref<64x64xf32, #tpu.memory_space<vmem>>)
      %gt3A_1003 = arith.constant 0 : i32
      %gt3A_1004 = arith.cmpi sgt, %scan3A_378, %gt3A_1003 : i32
      %convert_element_type3A_1005 = arith.extui %gt3A_1004 : i1 to i32
      %cond3A_1006 = arith.constant 0 : i32
      %cond3A_1007 = arith.cmpi ne, %convert_element_type3A_1005, %cond3A_1006 : i32
      scf.if %cond3A_1007 {
        %dma_wait3A_1034 = arith.constant 1 : i32
        %dma_wait3A_1035 = arith.constant 0 : i32
        %dma_wait3A_1036 = arith.constant 0 : i32
        %dma_wait3A_1037 = tpu.memref_slice %arg7[%dma_wait3A_1034, %dma_wait3A_1035, %dma_wait3A_1036] : memref<2x64x64xf32, #tpu.memory_space<vmem>> -> memref<1x64x64xf32, #tpu.memory_space<vmem>>
        %dma_wait3A_1038 = tpu.memref_squeeze %dma_wait3A_1037 : memref<1x64x64xf32, #tpu.memory_space<vmem>> -> memref<64x64xf32, #tpu.memory_space<vmem>>
        %dma_wait3A_1039 = arith.constant 0 : i32
        %dma_wait3A_1040 = arith.constant 0 : i32
        %dma_wait3A_1041 = tpu.memref_slice %arg4[%dma_wait3A_1039, %dma_wait3A_1040] : memref<51200x64xf32, #tpu.memory_space<hbm>> -> memref<64x64xf32, #tpu.memory_space<hbm>>
        %dma_wait3A_1042 = arith.constant 0 : i32
        %dma_wait3A_1043 = arith.constant 0 : i32
        %dma_wait3A_1044 = tpu.memref_slice %arg7[%dma_wait3A_1034, %dma_wait3A_1042, %dma_wait3A_1043] : memref<2x64x64xf32, #tpu.memory_space<vmem>> -> memref<1x64x64xf32, #tpu.memory_space<vmem>>
        %dma_wait3A_1045 = tpu.memref_squeeze %dma_wait3A_1044 : memref<1x64x64xf32, #tpu.memory_space<vmem>> -> memref<64x64xf32, #tpu.memory_space<vmem>>
        %dma_wait3A_1046 = arith.constant 0 : i32
        %dma_wait3A_1047 = arith.constant 0 : i32
        %dma_wait3A_1048 = tpu.memref_slice %arg4[%dma_wait3A_1046, %dma_wait3A_1047] : memref<51200x64xf32, #tpu.memory_space<hbm>> -> memref<64x64xf32, #tpu.memory_space<hbm>>
        tpu.wait_dma2 semaphore(%arg11 : memref<!tpu.dma_semaphore, #tpu.memory_space<semaphore_mem>>) src(%dma_wait3A_1048 : memref<64x64xf32, #tpu.memory_space<hbm>>) dst(%dma_wait3A_1045 : memref<64x64xf32, #tpu.memory_space<vmem>>)
      } else {
      }
      %scan3A_1008 = arith.constant 0 : i32
      %scan3A_1009 = arith.constant 0 : i32
      %scan3A_1010 = arith.constant 64 : i32
      %scan3A_1011 = arith.addi %scan3A_1009, %scan3A_1010 : i32
      %scan3A_1012 = arith.constant 1 : i32
      %scan3A_1013 = scf.for %scan3A_1034 = %scan3A_1009 to %scan3A_1011 step %scan3A_1012 iter_args(%scan3A_1035 = %scan3A_1008) -> (i32)  : i32 {
        %get3A = arith.constant 1 : i32
        %get3A_1036 = arith.constant 0 : i32
        %get3A_1037 = arith.index_cast %get3A : i32 to index
        %get3A_1038 = arith.index_cast %get3A_1036 : i32 to index
        %get3A_1039 = arith.index_cast %scan3A_1034 : i32 to index
        %get3A_1040 = arith.constant 0 : index
        %get3A_1041 = tpu.vector_load %arg6[%get3A_1037, %get3A_1038, %get3A_1039, %get3A_1040] {strides = array<i32>} : memref<2x8x64x64xf32, #tpu.memory_space<vmem>>, vector<1x1x1x16xf32>,
        %get3A_1042 = vector.shape_cast %get3A_1041 : vector<1x1x1x16xf32> to vector<16xf32>
        %get3A_1043 = arith.constant 1 : i32
        %get3A_1044 = arith.constant 1 : i32
        %get3A_1045 = arith.index_cast %get3A_1043 : i32 to index
        %get3A_1046 = arith.index_cast %get3A_1044 : i32 to index
        %get3A_1047 = arith.index_cast %scan3A_1034 : i32 to index
        %get3A_1048 = arith.constant 0 : index
        %get3A_1049 = tpu.vector_load %arg6[%get3A_1045, %get3A_1046, %get3A_1047, %get3A_1048] {strides = array<i32>} : memref<2x8x64x64xf32, #tpu.memory_space<vmem>>, vector<1x1x1x16xf32>,
        %get3A_1050 = vector.shape_cast %get3A_1049 : vector<1x1x1x16xf32> to vector<16xf32>
        %add3A_1051 = arith.addf %get3A_1042, %get3A_1050 : vector<16xf32>
        %get3A_1052 = arith.constant 1 : i32
        %get3A_1053 = arith.constant 2 : i32
        %get3A_1054 = arith.index_cast %get3A_1052 : i32 to index
        %get3A_1055 = arith.index_cast %get3A_1053 : i32 to index
        %get3A_1056 = arith.index_cast %scan3A_1034 : i32 to index
        %get3A_1057 = arith.constant 0 : index
        %get3A_1058 = tpu.vector_load %arg6[%get3A_1054, %get3A_1055, %get3A_1056, %get3A_1057] {strides = array<i32>} : memref<2x8x64x64xf32, #tpu.memory_space<vmem>>, vector<1x1x1x16xf32>,
        %get3A_1059 = vector.shape_cast %get3A_1058 : vector<1x1x1x16xf32> to vector<16xf32>
        %add3A_1060 = arith.addf %add3A_1051, %get3A_1059 : vector<16xf32>
        %get3A_1061 = arith.constant 1 : i32
        %get3A_1062 = arith.constant 3 : i32
        %get3A_1063 = arith.index_cast %get3A_1061 : i32 to index
        %get3A_1064 = arith.index_cast %get3A_1062 : i32 to index
        %get3A_1065 = arith.index_cast %scan3A_1034 : i32 to index
        %get3A_1066 = arith.constant 0 : index
        %get3A_1067 = tpu.vector_load %arg6[%get3A_1063, %get3A_1064, %get3A_1065, %get3A_1066] {strides = array<i32>} : memref<2x8x64x64xf32, #tpu.memory_space<vmem>>, vector<1x1x1x16xf32>,
        %get3A_1068 = vector.shape_cast %get3A_1067 : vector<1x1x1x16xf32> to vector<16xf32>
        %add3A_1069 = arith.addf %add3A_1060, %get3A_1068 : vector<16xf32>
        %get3A_1070 = arith.constant 1 : i32
        %get3A_1071 = arith.constant 4 : i32
        %get3A_1072 = arith.index_cast %get3A_1070 : i32 to index
        %get3A_1073 = arith.index_cast %get3A_1071 : i32 to index
        %get3A_1074 = arith.index_cast %scan3A_1034 : i32 to index
        %get3A_1075 = arith.constant 0 : index
        %get3A_1076 = tpu.vector_load %arg6[%get3A_1072, %get3A_1073, %get3A_1074, %get3A_1075] {strides = array<i32>} : memref<2x8x64x64xf32, #tpu.memory_space<vmem>>, vector<1x1x1x16xf32>,
        %get3A_1077 = vector.shape_cast %get3A_1076 : vector<1x1x1x16xf32> to vector<16xf32>
        %add3A_1078 = arith.addf %add3A_1069, %get3A_1077 : vector<16xf32>
        %get3A_1079 = arith.constant 1 : i32
        %get3A_1080 = arith.constant 5 : i32
        %get3A_1081 = arith.index_cast %get3A_1079 : i32 to index
        %get3A_1082 = arith.index_cast %get3A_1080 : i32 to index
        %get3A_1083 = arith.index_cast %scan3A_1034 : i32 to index
        %get3A_1084 = arith.constant 0 : index
        %get3A_1085 = tpu.vector_load %arg6[%get3A_1081, %get3A_1082, %get3A_1083, %get3A_1084] {strides = array<i32>} : memref<2x8x64x64xf32, #tpu.memory_space<vmem>>, vector<1x1x1x16xf32>,
        %get3A_1086 = vector.shape_cast %get3A_1085 : vector<1x1x1x16xf32> to vector<16xf32>
        %add3A_1087 = arith.addf %add3A_1078, %get3A_1086 : vector<16xf32>
        %get3A_1088 = arith.constant 1 : i32
        %get3A_1089 = arith.constant 6 : i32
        %get3A_1090 = arith.index_cast %get3A_1088 : i32 to index
        %get3A_1091 = arith.index_cast %get3A_1089 : i32 to index
        %get3A_1092 = arith.index_cast %scan3A_1034 : i32 to index
        %get3A_1093 = arith.constant 0 : index
        %get3A_1094 = tpu.vector_load %arg6[%get3A_1090, %get3A_1091, %get3A_1092, %get3A_1093] {strides = array<i32>} : memref<2x8x64x64xf32, #tpu.memory_space<vmem>>, vector<1x1x1x16xf32>,
        %get3A_1095 = vector.shape_cast %get3A_1094 : vector<1x1x1x16xf32> to vector<16xf32>
        %add3A_1096 = arith.addf %add3A_1087, %get3A_1095 : vector<16xf32>
        %get3A_1097 = arith.constant 1 : i32
        %get3A_1098 = arith.constant 7 : i32
        %get3A_1099 = arith.index_cast %get3A_1097 : i32 to index
        %get3A_1100 = arith.index_cast %get3A_1098 : i32 to index
        %get3A_1101 = arith.index_cast %scan3A_1034 : i32 to index
        %get3A_1102 = arith.constant 0 : index
        %get3A_1103 = tpu.vector_load %arg6[%get3A_1099, %get3A_1100, %get3A_1101, %get3A_1102] {strides = array<i32>} : memref<2x8x64x64xf32, #tpu.memory_space<vmem>>, vector<1x1x1x16xf32>,
        %get3A_1104 = vector.shape_cast %get3A_1103 : vector<1x1x1x16xf32> to vector<16xf32>
        %add3A_1105 = arith.addf %add3A_1096, %get3A_1104 : vector<16xf32>
        %swap3A = arith.constant 1 : i32
        %swap3A_1106 = arith.index_cast %swap3A : i32 to index
        %swap3A_1107 = arith.index_cast %scan3A_1034 : i32 to index
        %swap3A_1108 = arith.constant 0 : index
        %swap3A_1109 = tpu.vector_load %arg7[%swap3A_1106, %swap3A_1107, %swap3A_1108] {strides = array<i32>} : memref<2x64x64xf32, #tpu.memory_space<vmem>>, vector<1x1x16xf32>,
        %swap3A_1110 = vector.shape_cast %swap3A_1109 : vector<1x1x16xf32> to vector<16xf32>
        %swap3A_1111 = vector.shape_cast %add3A_1105 : vector<16xf32> to vector<1x1x16xf32>
        tpu.vector_store %arg7[%swap3A_1106, %swap3A_1107, %swap3A_1108], %swap3A_1111 {strides = array<i32>} : memref<2x64x64xf32, #tpu.memory_space<vmem>>, vector<1x1x16xf32>,
        %get3A_1112 = arith.constant 1 : i32
        %get3A_1113 = arith.constant 0 : i32
        %get3A_1114 = arith.index_cast %get3A_1112 : i32 to index
        %get3A_1115 = arith.index_cast %get3A_1113 : i32 to index
        %get3A_1116 = arith.index_cast %scan3A_1034 : i32 to index
        %get3A_1117 = arith.constant 16 : index
        %get3A_1118 = tpu.vector_load %arg6[%get3A_1114, %get3A_1115, %get3A_1116, %get3A_1117] {strides = array<i32>} : memref<2x8x64x64xf32, #tpu.memory_space<vmem>>, vector<1x1x1x16xf32>,
        %get3A_1119 = vector.shape_cast %get3A_1118 : vector<1x1x1x16xf32> to vector<16xf32>
        %get3A_1120 = arith.constant 1 : i32
        %get3A_1121 = arith.constant 1 : i32
        %get3A_1122 = arith.index_cast %get3A_1120 : i32 to index
        %get3A_1123 = arith.index_cast %get3A_1121 : i32 to index
        %get3A_1124 = arith.index_cast %scan3A_1034 : i32 to index
        %get3A_1125 = arith.constant 16 : index
        %get3A_1126 = tpu.vector_load %arg6[%get3A_1122, %get3A_1123, %get3A_1124, %get3A_1125] {strides = array<i32>} : memref<2x8x64x64xf32, #tpu.memory_space<vmem>>, vector<1x1x1x16xf32>,
        %get3A_1127 = vector.shape_cast %get3A_1126 : vector<1x1x1x16xf32> to vector<16xf32>
        %add3A_1128 = arith.addf %get3A_1119, %get3A_1127 : vector<16xf32>
        %get3A_1129 = arith.constant 1 : i32
        %get3A_1130 = arith.constant 2 : i32
        %get3A_1131 = arith.index_cast %get3A_1129 : i32 to index
        %get3A_1132 = arith.index_cast %get3A_1130 : i32 to index
        %get3A_1133 = arith.index_cast %scan3A_1034 : i32 to index
        %get3A_1134 = arith.constant 16 : index
        %get3A_1135 = tpu.vector_load %arg6[%get3A_1131, %get3A_1132, %get3A_1133, %get3A_1134] {strides = array<i32>} : memref<2x8x64x64xf32, #tpu.memory_space<vmem>>, vector<1x1x1x16xf32>,
        %get3A_1136 = vector.shape_cast %get3A_1135 : vector<1x1x1x16xf32> to vector<16xf32>
        %add3A_1137 = arith.addf %add3A_1128, %get3A_1136 : vector<16xf32>
        %get3A_1138 = arith.constant 1 : i32
        %get3A_1139 = arith.constant 3 : i32
        %get3A_1140 = arith.index_cast %get3A_1138 : i32 to index
        %get3A_1141 = arith.index_cast %get3A_1139 : i32 to index
        %get3A_1142 = arith.index_cast %scan3A_1034 : i32 to index
        %get3A_1143 = arith.constant 16 : index
        %get3A_1144 = tpu.vector_load %arg6[%get3A_1140, %get3A_1141, %get3A_1142, %get3A_1143] {strides = array<i32>} : memref<2x8x64x64xf32, #tpu.memory_space<vmem>>, vector<1x1x1x16xf32>,
        %get3A_1145 = vector.shape_cast %get3A_1144 : vector<1x1x1x16xf32> to vector<16xf32>
        %add3A_1146 = arith.addf %add3A_1137, %get3A_1145 : vector<16xf32>
        %get3A_1147 = arith.constant 1 : i32
        %get3A_1148 = arith.constant 4 : i32
        %get3A_1149 = arith.index_cast %get3A_1147 : i32 to index
        %get3A_1150 = arith.index_cast %get3A_1148 : i32 to index
        %get3A_1151 = arith.index_cast %scan3A_1034 : i32 to index
        %get3A_1152 = arith.constant 16 : index
        %get3A_1153 = tpu.vector_load %arg6[%get3A_1149, %get3A_1150, %get3A_1151, %get3A_1152] {strides = array<i32>} : memref<2x8x64x64xf32, #tpu.memory_space<vmem>>, vector<1x1x1x16xf32>,
        %get3A_1154 = vector.shape_cast %get3A_1153 : vector<1x1x1x16xf32> to vector<16xf32>
        %add3A_1155 = arith.addf %add3A_1146, %get3A_1154 : vector<16xf32>
        %get3A_1156 = arith.constant 1 : i32
        %get3A_1157 = arith.constant 5 : i32
        %get3A_1158 = arith.index_cast %get3A_1156 : i32 to index
        %get3A_1159 = arith.index_cast %get3A_1157 : i32 to index
        %get3A_1160 = arith.index_cast %scan3A_1034 : i32 to index
        %get3A_1161 = arith.constant 16 : index
        %get3A_1162 = tpu.vector_load %arg6[%get3A_1158, %get3A_1159, %get3A_1160, %get3A_1161] {strides = array<i32>} : memref<2x8x64x64xf32, #tpu.memory_space<vmem>>, vector<1x1x1x16xf32>,
        %get3A_1163 = vector.shape_cast %get3A_1162 : vector<1x1x1x16xf32> to vector<16xf32>
        %add3A_1164 = arith.addf %add3A_1155, %get3A_1163 : vector<16xf32>
        %get3A_1165 = arith.constant 1 : i32
        %get3A_1166 = arith.constant 6 : i32
        %get3A_1167 = arith.index_cast %get3A_1165 : i32 to index
        %get3A_1168 = arith.index_cast %get3A_1166 : i32 to index
        %get3A_1169 = arith.index_cast %scan3A_1034 : i32 to index
        %get3A_1170 = arith.constant 16 : index
        %get3A_1171 = tpu.vector_load %arg6[%get3A_1167, %get3A_1168, %get3A_1169, %get3A_1170] {strides = array<i32>} : memref<2x8x64x64xf32, #tpu.memory_space<vmem>>, vector<1x1x1x16xf32>,
        %get3A_1172 = vector.shape_cast %get3A_1171 : vector<1x1x1x16xf32> to vector<16xf32>
        %add3A_1173 = arith.addf %add3A_1164, %get3A_1172 : vector<16xf32>
        %get3A_1174 = arith.constant 1 : i32
        %get3A_1175 = arith.constant 7 : i32
        %get3A_1176 = arith.index_cast %get3A_1174 : i32 to index
        %get3A_1177 = arith.index_cast %get3A_1175 : i32 to index
        %get3A_1178 = arith.index_cast %scan3A_1034 : i32 to index
        %get3A_1179 = arith.constant 16 : index
        %get3A_1180 = tpu.vector_load %arg6[%get3A_1176, %get3A_1177, %get3A_1178, %get3A_1179] {strides = array<i32>} : memref<2x8x64x64xf32, #tpu.memory_space<vmem>>, vector<1x1x1x16xf32>,
        %get3A_1181 = vector.shape_cast %get3A_1180 : vector<1x1x1x16xf32> to vector<16xf32>
        %add3A_1182 = arith.addf %add3A_1173, %get3A_1181 : vector<16xf32>
        %swap3A_1183 = arith.constant 1 : i32
        %swap3A_1184 = arith.index_cast %swap3A_1183 : i32 to index
        %swap3A_1185 = arith.index_cast %scan3A_1034 : i32 to index
        %swap3A_1186 = arith.constant 16 : index
        %swap3A_1187 = tpu.vector_load %arg7[%swap3A_1184, %swap3A_1185, %swap3A_1186] {strides = array<i32>} : memref<2x64x64xf32, #tpu.memory_space<vmem>>, vector<1x1x16xf32>,
        %swap3A_1188 = vector.shape_cast %swap3A_1187 : vector<1x1x16xf32> to vector<16xf32>
        %swap3A_1189 = vector.shape_cast %add3A_1182 : vector<16xf32> to vector<1x1x16xf32>
        tpu.vector_store %arg7[%swap3A_1184, %swap3A_1185, %swap3A_1186], %swap3A_1189 {strides = array<i32>} : memref<2x64x64xf32, #tpu.memory_space<vmem>>, vector<1x1x16xf32>,
        %get3A_1190 = arith.constant 1 : i32
        %get3A_1191 = arith.constant 0 : i32
        %get3A_1192 = arith.index_cast %get3A_1190 : i32 to index
        %get3A_1193 = arith.index_cast %get3A_1191 : i32 to index
        %get3A_1194 = arith.index_cast %scan3A_1034 : i32 to index
        %get3A_1195 = arith.constant 32 : index
        %get3A_1196 = tpu.vector_load %arg6[%get3A_1192, %get3A_1193, %get3A_1194, %get3A_1195] {strides = array<i32>} : memref<2x8x64x64xf32, #tpu.memory_space<vmem>>, vector<1x1x1x16xf32>,
        %get3A_1197 = vector.shape_cast %get3A_1196 : vector<1x1x1x16xf32> to vector<16xf32>
        %get3A_1198 = arith.constant 1 : i32
        %get3A_1199 = arith.constant 1 : i32
        %get3A_1200 = arith.index_cast %get3A_1198 : i32 to index
        %get3A_1201 = arith.index_cast %get3A_1199 : i32 to index
        %get3A_1202 = arith.index_cast %scan3A_1034 : i32 to index
        %get3A_1203 = arith.constant 32 : index
        %get3A_1204 = tpu.vector_load %arg6[%get3A_1200, %get3A_1201, %get3A_1202, %get3A_1203] {strides = array<i32>} : memref<2x8x64x64xf32, #tpu.memory_space<vmem>>, vector<1x1x1x16xf32>,
        %get3A_1205 = vector.shape_cast %get3A_1204 : vector<1x1x1x16xf32> to vector<16xf32>
        %add3A_1206 = arith.addf %get3A_1197, %get3A_1205 : vector<16xf32>
        %get3A_1207 = arith.constant 1 : i32
        %get3A_1208 = arith.constant 2 : i32
        %get3A_1209 = arith.index_cast %get3A_1207 : i32 to index
        %get3A_1210 = arith.index_cast %get3A_1208 : i32 to index
        %get3A_1211 = arith.index_cast %scan3A_1034 : i32 to index
        %get3A_1212 = arith.constant 32 : index
        %get3A_1213 = tpu.vector_load %arg6[%get3A_1209, %get3A_1210, %get3A_1211, %get3A_1212] {strides = array<i32>} : memref<2x8x64x64xf32, #tpu.memory_space<vmem>>, vector<1x1x1x16xf32>,
        %get3A_1214 = vector.shape_cast %get3A_1213 : vector<1x1x1x16xf32> to vector<16xf32>
        %add3A_1215 = arith.addf %add3A_1206, %get3A_1214 : vector<16xf32>
        %get3A_1216 = arith.constant 1 : i32
        %get3A_1217 = arith.constant 3 : i32
        %get3A_1218 = arith.index_cast %get3A_1216 : i32 to index
        %get3A_1219 = arith.index_cast %get3A_1217 : i32 to index
        %get3A_1220 = arith.index_cast %scan3A_1034 : i32 to index
        %get3A_1221 = arith.constant 32 : index
        %get3A_1222 = tpu.vector_load %arg6[%get3A_1218, %get3A_1219, %get3A_1220, %get3A_1221] {strides = array<i32>} : memref<2x8x64x64xf32, #tpu.memory_space<vmem>>, vector<1x1x1x16xf32>,
        %get3A_1223 = vector.shape_cast %get3A_1222 : vector<1x1x1x16xf32> to vector<16xf32>
        %add3A_1224 = arith.addf %add3A_1215, %get3A_1223 : vector<16xf32>
        %get3A_1225 = arith.constant 1 : i32
        %get3A_1226 = arith.constant 4 : i32
        %get3A_1227 = arith.index_cast %get3A_1225 : i32 to index
        %get3A_1228 = arith.index_cast %get3A_1226 : i32 to index
        %get3A_1229 = arith.index_cast %scan3A_1034 : i32 to index
        %get3A_1230 = arith.constant 32 : index
        %get3A_1231 = tpu.vector_load %arg6[%get3A_1227, %get3A_1228, %get3A_1229, %get3A_1230] {strides = array<i32>} : memref<2x8x64x64xf32, #tpu.memory_space<vmem>>, vector<1x1x1x16xf32>,
        %get3A_1232 = vector.shape_cast %get3A_1231 : vector<1x1x1x16xf32> to vector<16xf32>
        %add3A_1233 = arith.addf %add3A_1224, %get3A_1232 : vector<16xf32>
        %get3A_1234 = arith.constant 1 : i32
        %get3A_1235 = arith.constant 5 : i32
        %get3A_1236 = arith.index_cast %get3A_1234 : i32 to index
        %get3A_1237 = arith.index_cast %get3A_1235 : i32 to index
        %get3A_1238 = arith.index_cast %scan3A_1034 : i32 to index
        %get3A_1239 = arith.constant 32 : index
        %get3A_1240 = tpu.vector_load %arg6[%get3A_1236, %get3A_1237, %get3A_1238, %get3A_1239] {strides = array<i32>} : memref<2x8x64x64xf32, #tpu.memory_space<vmem>>, vector<1x1x1x16xf32>,
        %get3A_1241 = vector.shape_cast %get3A_1240 : vector<1x1x1x16xf32> to vector<16xf32>
        %add3A_1242 = arith.addf %add3A_1233, %get3A_1241 : vector<16xf32>
        %get3A_1243 = arith.constant 1 : i32
        %get3A_1244 = arith.constant 6 : i32
        %get3A_1245 = arith.index_cast %get3A_1243 : i32 to index
        %get3A_1246 = arith.index_cast %get3A_1244 : i32 to index
        %get3A_1247 = arith.index_cast %scan3A_1034 : i32 to index
        %get3A_1248 = arith.constant 32 : index
        %get3A_1249 = tpu.vector_load %arg6[%get3A_1245, %get3A_1246, %get3A_1247, %get3A_1248] {strides = array<i32>} : memref<2x8x64x64xf32, #tpu.memory_space<vmem>>, vector<1x1x1x16xf32>,
        %get3A_1250 = vector.shape_cast %get3A_1249 : vector<1x1x1x16xf32> to vector<16xf32>
        %add3A_1251 = arith.addf %add3A_1242, %get3A_1250 : vector<16xf32>
        %get3A_1252 = arith.constant 1 : i32
        %get3A_1253 = arith.constant 7 : i32
        %get3A_1254 = arith.index_cast %get3A_1252 : i32 to index
        %get3A_1255 = arith.index_cast %get3A_1253 : i32 to index
        %get3A_1256 = arith.index_cast %scan3A_1034 : i32 to index
        %get3A_1257 = arith.constant 32 : index
        %get3A_1258 = tpu.vector_load %arg6[%get3A_1254, %get3A_1255, %get3A_1256, %get3A_1257] {strides = array<i32>} : memref<2x8x64x64xf32, #tpu.memory_space<vmem>>, vector<1x1x1x16xf32>,
        %get3A_1259 = vector.shape_cast %get3A_1258 : vector<1x1x1x16xf32> to vector<16xf32>
        %add3A_1260 = arith.addf %add3A_1251, %get3A_1259 : vector<16xf32>
        %swap3A_1261 = arith.constant 1 : i32
        %swap3A_1262 = arith.index_cast %swap3A_1261 : i32 to index
        %swap3A_1263 = arith.index_cast %scan3A_1034 : i32 to index
        %swap3A_1264 = arith.constant 32 : index
        %swap3A_1265 = tpu.vector_load %arg7[%swap3A_1262, %swap3A_1263, %swap3A_1264] {strides = array<i32>} : memref<2x64x64xf32, #tpu.memory_space<vmem>>, vector<1x1x16xf32>,
        %swap3A_1266 = vector.shape_cast %swap3A_1265 : vector<1x1x16xf32> to vector<16xf32>
        %swap3A_1267 = vector.shape_cast %add3A_1260 : vector<16xf32> to vector<1x1x16xf32>
        tpu.vector_store %arg7[%swap3A_1262, %swap3A_1263, %swap3A_1264], %swap3A_1267 {strides = array<i32>} : memref<2x64x64xf32, #tpu.memory_space<vmem>>, vector<1x1x16xf32>,
        %get3A_1268 = arith.constant 1 : i32
        %get3A_1269 = arith.constant 0 : i32
        %get3A_1270 = arith.index_cast %get3A_1268 : i32 to index
        %get3A_1271 = arith.index_cast %get3A_1269 : i32 to index
        %get3A_1272 = arith.index_cast %scan3A_1034 : i32 to index
        %get3A_1273 = arith.constant 48 : index
        %get3A_1274 = tpu.vector_load %arg6[%get3A_1270, %get3A_1271, %get3A_1272, %get3A_1273] {strides = array<i32>} : memref<2x8x64x64xf32, #tpu.memory_space<vmem>>, vector<1x1x1x16xf32>,
        %get3A_1275 = vector.shape_cast %get3A_1274 : vector<1x1x1x16xf32> to vector<16xf32>
        %get3A_1276 = arith.constant 1 : i32
        %get3A_1277 = arith.constant 1 : i32
        %get3A_1278 = arith.index_cast %get3A_1276 : i32 to index
        %get3A_1279 = arith.index_cast %get3A_1277 : i32 to index
        %get3A_1280 = arith.index_cast %scan3A_1034 : i32 to index
        %get3A_1281 = arith.constant 48 : index
        %get3A_1282 = tpu.vector_load %arg6[%get3A_1278, %get3A_1279, %get3A_1280, %get3A_1281] {strides = array<i32>} : memref<2x8x64x64xf32, #tpu.memory_space<vmem>>, vector<1x1x1x16xf32>,
        %get3A_1283 = vector.shape_cast %get3A_1282 : vector<1x1x1x16xf32> to vector<16xf32>
        %add3A_1284 = arith.addf %get3A_1275, %get3A_1283 : vector<16xf32>
        %get3A_1285 = arith.constant 1 : i32
        %get3A_1286 = arith.constant 2 : i32
        %get3A_1287 = arith.index_cast %get3A_1285 : i32 to index
        %get3A_1288 = arith.index_cast %get3A_1286 : i32 to index
        %get3A_1289 = arith.index_cast %scan3A_1034 : i32 to index
        %get3A_1290 = arith.constant 48 : index
        %get3A_1291 = tpu.vector_load %arg6[%get3A_1287, %get3A_1288, %get3A_1289, %get3A_1290] {strides = array<i32>} : memref<2x8x64x64xf32, #tpu.memory_space<vmem>>, vector<1x1x1x16xf32>,
        %get3A_1292 = vector.shape_cast %get3A_1291 : vector<1x1x1x16xf32> to vector<16xf32>
        %add3A_1293 = arith.addf %add3A_1284, %get3A_1292 : vector<16xf32>
        %get3A_1294 = arith.constant 1 : i32
        %get3A_1295 = arith.constant 3 : i32
        %get3A_1296 = arith.index_cast %get3A_1294 : i32 to index
        %get3A_1297 = arith.index_cast %get3A_1295 : i32 to index
        %get3A_1298 = arith.index_cast %scan3A_1034 : i32 to index
        %get3A_1299 = arith.constant 48 : index
        %get3A_1300 = tpu.vector_load %arg6[%get3A_1296, %get3A_1297, %get3A_1298, %get3A_1299] {strides = array<i32>} : memref<2x8x64x64xf32, #tpu.memory_space<vmem>>, vector<1x1x1x16xf32>,
        %get3A_1301 = vector.shape_cast %get3A_1300 : vector<1x1x1x16xf32> to vector<16xf32>
        %add3A_1302 = arith.addf %add3A_1293, %get3A_1301 : vector<16xf32>
        %get3A_1303 = arith.constant 1 : i32
        %get3A_1304 = arith.constant 4 : i32
        %get3A_1305 = arith.index_cast %get3A_1303 : i32 to index
        %get3A_1306 = arith.index_cast %get3A_1304 : i32 to index
        %get3A_1307 = arith.index_cast %scan3A_1034 : i32 to index
        %get3A_1308 = arith.constant 48 : index
        %get3A_1309 = tpu.vector_load %arg6[%get3A_1305, %get3A_1306, %get3A_1307, %get3A_1308] {strides = array<i32>} : memref<2x8x64x64xf32, #tpu.memory_space<vmem>>, vector<1x1x1x16xf32>,
        %get3A_1310 = vector.shape_cast %get3A_1309 : vector<1x1x1x16xf32> to vector<16xf32>
        %add3A_1311 = arith.addf %add3A_1302, %get3A_1310 : vector<16xf32>
        %get3A_1312 = arith.constant 1 : i32
        %get3A_1313 = arith.constant 5 : i32
        %get3A_1314 = arith.index_cast %get3A_1312 : i32 to index
        %get3A_1315 = arith.index_cast %get3A_1313 : i32 to index
        %get3A_1316 = arith.index_cast %scan3A_1034 : i32 to index
        %get3A_1317 = arith.constant 48 : index
        %get3A_1318 = tpu.vector_load %arg6[%get3A_1314, %get3A_1315, %get3A_1316, %get3A_1317] {strides = array<i32>} : memref<2x8x64x64xf32, #tpu.memory_space<vmem>>, vector<1x1x1x16xf32>,
        %get3A_1319 = vector.shape_cast %get3A_1318 : vector<1x1x1x16xf32> to vector<16xf32>
        %add3A_1320 = arith.addf %add3A_1311, %get3A_1319 : vector<16xf32>
        %get3A_1321 = arith.constant 1 : i32
        %get3A_1322 = arith.constant 6 : i32
        %get3A_1323 = arith.index_cast %get3A_1321 : i32 to index
        %get3A_1324 = arith.index_cast %get3A_1322 : i32 to index
        %get3A_1325 = arith.index_cast %scan3A_1034 : i32 to index
        %get3A_1326 = arith.constant 48 : index
        %get3A_1327 = tpu.vector_load %arg6[%get3A_1323, %get3A_1324, %get3A_1325, %get3A_1326] {strides = array<i32>} : memref<2x8x64x64xf32, #tpu.memory_space<vmem>>, vector<1x1x1x16xf32>,
        %get3A_1328 = vector.shape_cast %get3A_1327 : vector<1x1x1x16xf32> to vector<16xf32>
        %add3A_1329 = arith.addf %add3A_1320, %get3A_1328 : vector<16xf32>
        %get3A_1330 = arith.constant 1 : i32
        %get3A_1331 = arith.constant 7 : i32
        %get3A_1332 = arith.index_cast %get3A_1330 : i32 to index
        %get3A_1333 = arith.index_cast %get3A_1331 : i32 to index
        %get3A_1334 = arith.index_cast %scan3A_1034 : i32 to index
        %get3A_1335 = arith.constant 48 : index
        %get3A_1336 = tpu.vector_load %arg6[%get3A_1332, %get3A_1333, %get3A_1334, %get3A_1335] {strides = array<i32>} : memref<2x8x64x64xf32, #tpu.memory_space<vmem>>, vector<1x1x1x16xf32>,
        %get3A_1337 = vector.shape_cast %get3A_1336 : vector<1x1x1x16xf32> to vector<16xf32>
        %add3A_1338 = arith.addf %add3A_1329, %get3A_1337 : vector<16xf32>
        %swap3A_1339 = arith.constant 1 : i32
        %swap3A_1340 = arith.index_cast %swap3A_1339 : i32 to index
        %swap3A_1341 = arith.index_cast %scan3A_1034 : i32 to index
        %swap3A_1342 = arith.constant 48 : index
        %swap3A_1343 = tpu.vector_load %arg7[%swap3A_1340, %swap3A_1341, %swap3A_1342] {strides = array<i32>} : memref<2x64x64xf32, #tpu.memory_space<vmem>>, vector<1x1x16xf32>,
        %swap3A_1344 = vector.shape_cast %swap3A_1343 : vector<1x1x16xf32> to vector<16xf32>
        %swap3A_1345 = vector.shape_cast %add3A_1338 : vector<16xf32> to vector<1x1x16xf32>
        tpu.vector_store %arg7[%swap3A_1340, %swap3A_1341, %swap3A_1342], %swap3A_1345 {strides = array<i32>} : memref<2x64x64xf32, #tpu.memory_space<vmem>>, vector<1x1x16xf32>,
        %scan3A_1346 = arith.constant 0 : i32
        scf.yield %scan3A_1346 : i32
      }
      %scan3A_1014 = arith.constant 64 : i32
      %add3A_1015 = arith.constant 1 : i32
      %add3A_1016 = arith.addi %mul3A_381, %add3A_1015 : i32
      %mul3A_1017 = arith.constant 64 : i32
      %mul3A_1018 = arith.muli %add3A_1016, %mul3A_1017 : i32
      %add3A_1019 = arith.addi %mul3A_2, %mul3A_1018 : i32
      %dma_start3A_1020 = arith.constant 1 : i32
      %dma_start3A_1021 = arith.constant 0 : i32
      %dma_start3A_1022 = arith.constant 0 : i32
      %dma_start3A_1023 = tpu.memref_slice %arg7[%dma_start3A_1020, %dma_start3A_1021, %dma_start3A_1022] : memref<2x64x64xf32, #tpu.memory_space<vmem>> -> memref<1x64x64xf32, #tpu.memory_space<vmem>>
      %dma_start3A_1024 = tpu.memref_squeeze %dma_start3A_1023 : memref<1x64x64xf32, #tpu.memory_space<vmem>> -> memref<64x64xf32, #tpu.memory_space<vmem>>
      %dma_start3A_1025 = arith.constant 0 : i32
      %dma_start3A_1026 = tpu.memref_slice %arg4[%add3A_1019, %dma_start3A_1025] : memref<51200x64xf32, #tpu.memory_space<hbm>> -> memref<64x64xf32, #tpu.memory_space<hbm>>
      %dma_start3A_1027 = arith.constant 0 : i32
      %dma_start3A_1028 = tpu.memref_slice %arg4[%add3A_1019, %dma_start3A_1027] : memref<51200x64xf32, #tpu.memory_space<hbm>> -> memref<64x64xf32, #tpu.memory_space<hbm>>
      %dma_start3A_1029 = arith.constant 0 : i32
      %dma_start3A_1030 = arith.constant 0 : i32
      %dma_start3A_1031 = tpu.memref_slice %arg7[%dma_start3A_1020, %dma_start3A_1029, %dma_start3A_1030] : memref<2x64x64xf32, #tpu.memory_space<vmem>> -> memref<1x64x64xf32, #tpu.memory_space<vmem>>
      %dma_start3A_1032 = tpu.memref_squeeze %dma_start3A_1031 : memref<1x64x64xf32, #tpu.memory_space<vmem>> -> memref<64x64xf32, #tpu.memory_space<vmem>>
      tpu.enqueue_dma source(%dma_start3A_1032 : memref<64x64xf32, #tpu.memory_space<vmem>>) target(%dma_start3A_1028 : memref<64x64xf32, #tpu.memory_space<hbm>>) target_semaphore(%arg11 : memref<!tpu.dma_semaphore, #tpu.memory_space<semaphore_mem>>)
      %scan3A_1033 = arith.constant 0 : i32
      scf.yield %scan3A_1033 : i32
    }
    %scan3A_159 = arith.constant 12 : i32
    %dma_wait3A = arith.constant 0 : i32
    %dma_wait3A_160 = arith.constant 0 : i32
    %dma_wait3A_161 = arith.constant 0 : i32
    %dma_wait3A_162 = arith.constant 0 : i32
    %dma_wait3A_163 = arith.constant 0 : i32
    %dma_wait3A_164 = arith.constant 0 : i32
    %dma_wait3A_165 = arith.constant 0 : i32
    %dma_wait3A_166 = tpu.memref_slice %arg6[%dma_wait3A_162, %dma_wait3A_163, %dma_wait3A_164, %dma_wait3A_165] : memref<2x8x64x64xf32, #tpu.memory_space<vmem>> -> memref<1x1x64x64xf32, #tpu.memory_space<vmem>>
    %dma_wait3A_167 = tpu.memref_squeeze %dma_wait3A_166 : memref<1x1x64x64xf32, #tpu.memory_space<vmem>> -> memref<64x64xf32, #tpu.memory_space<vmem>>
    %dma_wait3A_168 = arith.constant 0 : i32
    %dma_wait3A_169 = tpu.memref_slice %arg5[%dma_wait3A_160, %dma_wait3A_161, %dma_wait3A_168] : memref<8x25x64xi32, #tpu.memory_space<vmem>> -> memref<1x1x64xi32, #tpu.memory_space<vmem>>
    %dma_wait3A_170 = tpu.memref_squeeze %dma_wait3A_169 : memref<1x1x64xi32, #tpu.memory_space<vmem>> -> memref<64xi32, #tpu.memory_space<vmem>>
    %dma_wait3A_171 = arith.constant 0 : i32
    %dma_wait3A_172 = arith.constant 0 : i32
    %dma_wait3A_173 = tpu.memref_slice %arg3[%dma_wait3A, %dma_wait3A_171, %dma_wait3A_172] : memref<8x100000x64xf32, #tpu.memory_space<hbm>> -> memref<1x100000x64xf32, #tpu.memory_space<hbm>>
    %dma_wait3A_174 = tpu.memref_squeeze %dma_wait3A_173 : memref<1x100000x64xf32, #tpu.memory_space<hbm>> -> memref<100000x64xf32, #tpu.memory_space<hbm>>
    %dma_wait3A_175 = arith.constant 0 : i32
    %dma_wait3A_176 = arith.constant 0 : i32
    %dma_wait3A_177 = tpu.memref_slice %dma_wait3A_174[%dma_wait3A_175, %dma_wait3A_176] : memref<100000x64xf32, #tpu.memory_space<hbm>> -> memref<100000x64xf32, #tpu.memory_space<hbm>>
    tpu.wait_indirect_dma semaphore(%arg8 : memref<!tpu.dma_semaphore, #tpu.memory_space<semaphore_mem>>) src(%dma_wait3A_177 : memref<100000x64xf32, #tpu.memory_space<hbm>>) dst(%dma_wait3A_167 : memref<64x64xf32, #tpu.memory_space<vmem>>)
    %dma_wait3A_178 = arith.constant 1 : i32
    %dma_wait3A_179 = arith.constant 1 : i32
    %dma_wait3A_180 = arith.constant 0 : i32
    %dma_wait3A_181 = arith.constant 0 : i32
    %dma_wait3A_182 = arith.constant 1 : i32
    %dma_wait3A_183 = arith.constant 0 : i32
    %dma_wait3A_184 = arith.constant 0 : i32
    %dma_wait3A_185 = tpu.memref_slice %arg6[%dma_wait3A_181, %dma_wait3A_182, %dma_wait3A_183, %dma_wait3A_184] : memref<2x8x64x64xf32, #tpu.memory_space<vmem>> -> memref<1x1x64x64xf32, #tpu.memory_space<vmem>>
    %dma_wait3A_186 = tpu.memref_squeeze %dma_wait3A_185 : memref<1x1x64x64xf32, #tpu.memory_space<vmem>> -> memref<64x64xf32, #tpu.memory_space<vmem>>
    %dma_wait3A_187 = arith.constant 0 : i32
    %dma_wait3A_188 = tpu.memref_slice %arg5[%dma_wait3A_179, %dma_wait3A_180, %dma_wait3A_187] : memref<8x25x64xi32, #tpu.memory_space<vmem>> -> memref<1x1x64xi32, #tpu.memory_space<vmem>>
    %dma_wait3A_189 = tpu.memref_squeeze %dma_wait3A_188 : memref<1x1x64xi32, #tpu.memory_space<vmem>> -> memref<64xi32, #tpu.memory_space<vmem>>
    %dma_wait3A_190 = arith.constant 0 : i32
    %dma_wait3A_191 = arith.constant 0 : i32
    %dma_wait3A_192 = tpu.memref_slice %arg3[%dma_wait3A_178, %dma_wait3A_190, %dma_wait3A_191] : memref<8x100000x64xf32, #tpu.memory_space<hbm>> -> memref<1x100000x64xf32, #tpu.memory_space<hbm>>
    %dma_wait3A_193 = tpu.memref_squeeze %dma_wait3A_192 : memref<1x100000x64xf32, #tpu.memory_space<hbm>> -> memref<100000x64xf32, #tpu.memory_space<hbm>>
    %dma_wait3A_194 = arith.constant 0 : i32
    %dma_wait3A_195 = arith.constant 0 : i32
    %dma_wait3A_196 = tpu.memref_slice %dma_wait3A_193[%dma_wait3A_194, %dma_wait3A_195] : memref<100000x64xf32, #tpu.memory_space<hbm>> -> memref<100000x64xf32, #tpu.memory_space<hbm>>
    tpu.wait_indirect_dma semaphore(%arg8 : memref<!tpu.dma_semaphore, #tpu.memory_space<semaphore_mem>>) src(%dma_wait3A_196 : memref<100000x64xf32, #tpu.memory_space<hbm>>) dst(%dma_wait3A_186 : memref<64x64xf32, #tpu.memory_space<vmem>>)
    %dma_wait3A_197 = arith.constant 2 : i32
    %dma_wait3A_198 = arith.constant 2 : i32
    %dma_wait3A_199 = arith.constant 0 : i32
    %dma_wait3A_200 = arith.constant 0 : i32
    %dma_wait3A_201 = arith.constant 2 : i32
    %dma_wait3A_202 = arith.constant 0 : i32
    %dma_wait3A_203 = arith.constant 0 : i32
    %dma_wait3A_204 = tpu.memref_slice %arg6[%dma_wait3A_200, %dma_wait3A_201, %dma_wait3A_202, %dma_wait3A_203] : memref<2x8x64x64xf32, #tpu.memory_space<vmem>> -> memref<1x1x64x64xf32, #tpu.memory_space<vmem>>
    %dma_wait3A_205 = tpu.memref_squeeze %dma_wait3A_204 : memref<1x1x64x64xf32, #tpu.memory_space<vmem>> -> memref<64x64xf32, #tpu.memory_space<vmem>>
    %dma_wait3A_206 = arith.constant 0 : i32
    %dma_wait3A_207 = tpu.memref_slice %arg5[%dma_wait3A_198, %dma_wait3A_199, %dma_wait3A_206] : memref<8x25x64xi32, #tpu.memory_space<vmem>> -> memref<1x1x64xi32, #tpu.memory_space<vmem>>
    %dma_wait3A_208 = tpu.memref_squeeze %dma_wait3A_207 : memref<1x1x64xi32, #tpu.memory_space<vmem>> -> memref<64xi32, #tpu.memory_space<vmem>>
    %dma_wait3A_209 = arith.constant 0 : i32
    %dma_wait3A_210 = arith.constant 0 : i32
    %dma_wait3A_211 = tpu.memref_slice %arg3[%dma_wait3A_197, %dma_wait3A_209, %dma_wait3A_210] : memref<8x100000x64xf32, #tpu.memory_space<hbm>> -> memref<1x100000x64xf32, #tpu.memory_space<hbm>>
    %dma_wait3A_212 = tpu.memref_squeeze %dma_wait3A_211 : memref<1x100000x64xf32, #tpu.memory_space<hbm>> -> memref<100000x64xf32, #tpu.memory_space<hbm>>
    %dma_wait3A_213 = arith.constant 0 : i32
    %dma_wait3A_214 = arith.constant 0 : i32
    %dma_wait3A_215 = tpu.memref_slice %dma_wait3A_212[%dma_wait3A_213, %dma_wait3A_214] : memref<100000x64xf32, #tpu.memory_space<hbm>> -> memref<100000x64xf32, #tpu.memory_space<hbm>>
    tpu.wait_indirect_dma semaphore(%arg8 : memref<!tpu.dma_semaphore, #tpu.memory_space<semaphore_mem>>) src(%dma_wait3A_215 : memref<100000x64xf32, #tpu.memory_space<hbm>>) dst(%dma_wait3A_205 : memref<64x64xf32, #tpu.memory_space<vmem>>)
    %dma_wait3A_216 = arith.constant 3 : i32
    %dma_wait3A_217 = arith.constant 3 : i32
    %dma_wait3A_218 = arith.constant 0 : i32
    %dma_wait3A_219 = arith.constant 0 : i32
    %dma_wait3A_220 = arith.constant 3 : i32
    %dma_wait3A_221 = arith.constant 0 : i32
    %dma_wait3A_222 = arith.constant 0 : i32
    %dma_wait3A_223 = tpu.memref_slice %arg6[%dma_wait3A_219, %dma_wait3A_220, %dma_wait3A_221, %dma_wait3A_222] : memref<2x8x64x64xf32, #tpu.memory_space<vmem>> -> memref<1x1x64x64xf32, #tpu.memory_space<vmem>>
    %dma_wait3A_224 = tpu.memref_squeeze %dma_wait3A_223 : memref<1x1x64x64xf32, #tpu.memory_space<vmem>> -> memref<64x64xf32, #tpu.memory_space<vmem>>
    %dma_wait3A_225 = arith.constant 0 : i32
    %dma_wait3A_226 = tpu.memref_slice %arg5[%dma_wait3A_217, %dma_wait3A_218, %dma_wait3A_225] : memref<8x25x64xi32, #tpu.memory_space<vmem>> -> memref<1x1x64xi32, #tpu.memory_space<vmem>>
    %dma_wait3A_227 = tpu.memref_squeeze %dma_wait3A_226 : memref<1x1x64xi32, #tpu.memory_space<vmem>> -> memref<64xi32, #tpu.memory_space<vmem>>
    %dma_wait3A_228 = arith.constant 0 : i32
    %dma_wait3A_229 = arith.constant 0 : i32
    %dma_wait3A_230 = tpu.memref_slice %arg3[%dma_wait3A_216, %dma_wait3A_228, %dma_wait3A_229] : memref<8x100000x64xf32, #tpu.memory_space<hbm>> -> memref<1x100000x64xf32, #tpu.memory_space<hbm>>
    %dma_wait3A_231 = tpu.memref_squeeze %dma_wait3A_230 : memref<1x100000x64xf32, #tpu.memory_space<hbm>> -> memref<100000x64xf32, #tpu.memory_space<hbm>>
    %dma_wait3A_232 = arith.constant 0 : i32
    %dma_wait3A_233 = arith.constant 0 : i32
    %dma_wait3A_234 = tpu.memref_slice %dma_wait3A_231[%dma_wait3A_232, %dma_wait3A_233] : memref<100000x64xf32, #tpu.memory_space<hbm>> -> memref<100000x64xf32, #tpu.memory_space<hbm>>
    tpu.wait_indirect_dma semaphore(%arg8 : memref<!tpu.dma_semaphore, #tpu.memory_space<semaphore_mem>>) src(%dma_wait3A_234 : memref<100000x64xf32, #tpu.memory_space<hbm>>) dst(%dma_wait3A_224 : memref<64x64xf32, #tpu.memory_space<vmem>>)
    %dma_wait3A_235 = arith.constant 4 : i32
    %dma_wait3A_236 = arith.constant 4 : i32
    %dma_wait3A_237 = arith.constant 0 : i32
    %dma_wait3A_238 = arith.constant 0 : i32
    %dma_wait3A_239 = arith.constant 4 : i32
    %dma_wait3A_240 = arith.constant 0 : i32
    %dma_wait3A_241 = arith.constant 0 : i32
    %dma_wait3A_242 = tpu.memref_slice %arg6[%dma_wait3A_238, %dma_wait3A_239, %dma_wait3A_240, %dma_wait3A_241] : memref<2x8x64x64xf32, #tpu.memory_space<vmem>> -> memref<1x1x64x64xf32, #tpu.memory_space<vmem>>
    %dma_wait3A_243 = tpu.memref_squeeze %dma_wait3A_242 : memref<1x1x64x64xf32, #tpu.memory_space<vmem>> -> memref<64x64xf32, #tpu.memory_space<vmem>>
    %dma_wait3A_244 = arith.constant 0 : i32
    %dma_wait3A_245 = tpu.memref_slice %arg5[%dma_wait3A_236, %dma_wait3A_237, %dma_wait3A_244] : memref<8x25x64xi32, #tpu.memory_space<vmem>> -> memref<1x1x64xi32, #tpu.memory_space<vmem>>
    %dma_wait3A_246 = tpu.memref_squeeze %dma_wait3A_245 : memref<1x1x64xi32, #tpu.memory_space<vmem>> -> memref<64xi32, #tpu.memory_space<vmem>>
    %dma_wait3A_247 = arith.constant 0 : i32
    %dma_wait3A_248 = arith.constant 0 : i32
    %dma_wait3A_249 = tpu.memref_slice %arg3[%dma_wait3A_235, %dma_wait3A_247, %dma_wait3A_248] : memref<8x100000x64xf32, #tpu.memory_space<hbm>> -> memref<1x100000x64xf32, #tpu.memory_space<hbm>>
    %dma_wait3A_250 = tpu.memref_squeeze %dma_wait3A_249 : memref<1x100000x64xf32, #tpu.memory_space<hbm>> -> memref<100000x64xf32, #tpu.memory_space<hbm>>
    %dma_wait3A_251 = arith.constant 0 : i32
    %dma_wait3A_252 = arith.constant 0 : i32
    %dma_wait3A_253 = tpu.memref_slice %dma_wait3A_250[%dma_wait3A_251, %dma_wait3A_252] : memref<100000x64xf32, #tpu.memory_space<hbm>> -> memref<100000x64xf32, #tpu.memory_space<hbm>>
    tpu.wait_indirect_dma semaphore(%arg8 : memref<!tpu.dma_semaphore, #tpu.memory_space<semaphore_mem>>) src(%dma_wait3A_253 : memref<100000x64xf32, #tpu.memory_space<hbm>>) dst(%dma_wait3A_243 : memref<64x64xf32, #tpu.memory_space<vmem>>)
    %dma_wait3A_254 = arith.constant 5 : i32
    %dma_wait3A_255 = arith.constant 5 : i32
    %dma_wait3A_256 = arith.constant 0 : i32
    %dma_wait3A_257 = arith.constant 0 : i32
    %dma_wait3A_258 = arith.constant 5 : i32
    %dma_wait3A_259 = arith.constant 0 : i32
    %dma_wait3A_260 = arith.constant 0 : i32
    %dma_wait3A_261 = tpu.memref_slice %arg6[%dma_wait3A_257, %dma_wait3A_258, %dma_wait3A_259, %dma_wait3A_260] : memref<2x8x64x64xf32, #tpu.memory_space<vmem>> -> memref<1x1x64x64xf32, #tpu.memory_space<vmem>>
    %dma_wait3A_262 = tpu.memref_squeeze %dma_wait3A_261 : memref<1x1x64x64xf32, #tpu.memory_space<vmem>> -> memref<64x64xf32, #tpu.memory_space<vmem>>
    %dma_wait3A_263 = arith.constant 0 : i32
    %dma_wait3A_264 = tpu.memref_slice %arg5[%dma_wait3A_255, %dma_wait3A_256, %dma_wait3A_263] : memref<8x25x64xi32, #tpu.memory_space<vmem>> -> memref<1x1x64xi32, #tpu.memory_space<vmem>>
    %dma_wait3A_265 = tpu.memref_squeeze %dma_wait3A_264 : memref<1x1x64xi32, #tpu.memory_space<vmem>> -> memref<64xi32, #tpu.memory_space<vmem>>
    %dma_wait3A_266 = arith.constant 0 : i32
    %dma_wait3A_267 = arith.constant 0 : i32
    %dma_wait3A_268 = tpu.memref_slice %arg3[%dma_wait3A_254, %dma_wait3A_266, %dma_wait3A_267] : memref<8x100000x64xf32, #tpu.memory_space<hbm>> -> memref<1x100000x64xf32, #tpu.memory_space<hbm>>
    %dma_wait3A_269 = tpu.memref_squeeze %dma_wait3A_268 : memref<1x100000x64xf32, #tpu.memory_space<hbm>> -> memref<100000x64xf32, #tpu.memory_space<hbm>>
    %dma_wait3A_270 = arith.constant 0 : i32
    %dma_wait3A_271 = arith.constant 0 : i32
    %dma_wait3A_272 = tpu.memref_slice %dma_wait3A_269[%dma_wait3A_270, %dma_wait3A_271] : memref<100000x64xf32, #tpu.memory_space<hbm>> -> memref<100000x64xf32, #tpu.memory_space<hbm>>
    tpu.wait_indirect_dma semaphore(%arg8 : memref<!tpu.dma_semaphore, #tpu.memory_space<semaphore_mem>>) src(%dma_wait3A_272 : memref<100000x64xf32, #tpu.memory_space<hbm>>) dst(%dma_wait3A_262 : memref<64x64xf32, #tpu.memory_space<vmem>>)
    %dma_wait3A_273 = arith.constant 6 : i32
    %dma_wait3A_274 = arith.constant 6 : i32
    %dma_wait3A_275 = arith.constant 0 : i32
    %dma_wait3A_276 = arith.constant 0 : i32
    %dma_wait3A_277 = arith.constant 6 : i32
    %dma_wait3A_278 = arith.constant 0 : i32
    %dma_wait3A_279 = arith.constant 0 : i32
    %dma_wait3A_280 = tpu.memref_slice %arg6[%dma_wait3A_276, %dma_wait3A_277, %dma_wait3A_278, %dma_wait3A_279] : memref<2x8x64x64xf32, #tpu.memory_space<vmem>> -> memref<1x1x64x64xf32, #tpu.memory_space<vmem>>
    %dma_wait3A_281 = tpu.memref_squeeze %dma_wait3A_280 : memref<1x1x64x64xf32, #tpu.memory_space<vmem>> -> memref<64x64xf32, #tpu.memory_space<vmem>>
    %dma_wait3A_282 = arith.constant 0 : i32
    %dma_wait3A_283 = tpu.memref_slice %arg5[%dma_wait3A_274, %dma_wait3A_275, %dma_wait3A_282] : memref<8x25x64xi32, #tpu.memory_space<vmem>> -> memref<1x1x64xi32, #tpu.memory_space<vmem>>
    %dma_wait3A_284 = tpu.memref_squeeze %dma_wait3A_283 : memref<1x1x64xi32, #tpu.memory_space<vmem>> -> memref<64xi32, #tpu.memory_space<vmem>>
    %dma_wait3A_285 = arith.constant 0 : i32
    %dma_wait3A_286 = arith.constant 0 : i32
    %dma_wait3A_287 = tpu.memref_slice %arg3[%dma_wait3A_273, %dma_wait3A_285, %dma_wait3A_286] : memref<8x100000x64xf32, #tpu.memory_space<hbm>> -> memref<1x100000x64xf32, #tpu.memory_space<hbm>>
    %dma_wait3A_288 = tpu.memref_squeeze %dma_wait3A_287 : memref<1x100000x64xf32, #tpu.memory_space<hbm>> -> memref<100000x64xf32, #tpu.memory_space<hbm>>
    %dma_wait3A_289 = arith.constant 0 : i32
    %dma_wait3A_290 = arith.constant 0 : i32
    %dma_wait3A_291 = tpu.memref_slice %dma_wait3A_288[%dma_wait3A_289, %dma_wait3A_290] : memref<100000x64xf32, #tpu.memory_space<hbm>> -> memref<100000x64xf32, #tpu.memory_space<hbm>>
    tpu.wait_indirect_dma semaphore(%arg8 : memref<!tpu.dma_semaphore, #tpu.memory_space<semaphore_mem>>) src(%dma_wait3A_291 : memref<100000x64xf32, #tpu.memory_space<hbm>>) dst(%dma_wait3A_281 : memref<64x64xf32, #tpu.memory_space<vmem>>)
    %dma_wait3A_292 = arith.constant 7 : i32
    %dma_wait3A_293 = arith.constant 7 : i32
    %dma_wait3A_294 = arith.constant 0 : i32
    %dma_wait3A_295 = arith.constant 0 : i32
    %dma_wait3A_296 = arith.constant 7 : i32
    %dma_wait3A_297 = arith.constant 0 : i32
    %dma_wait3A_298 = arith.constant 0 : i32
    %dma_wait3A_299 = tpu.memref_slice %arg6[%dma_wait3A_295, %dma_wait3A_296, %dma_wait3A_297, %dma_wait3A_298] : memref<2x8x64x64xf32, #tpu.memory_space<vmem>> -> memref<1x1x64x64xf32, #tpu.memory_space<vmem>>
    %dma_wait3A_300 = tpu.memref_squeeze %dma_wait3A_299 : memref<1x1x64x64xf32, #tpu.memory_space<vmem>> -> memref<64x64xf32, #tpu.memory_space<vmem>>
    %dma_wait3A_301 = arith.constant 0 : i32
    %dma_wait3A_302 = tpu.memref_slice %arg5[%dma_wait3A_293, %dma_wait3A_294, %dma_wait3A_301] : memref<8x25x64xi32, #tpu.memory_space<vmem>> -> memref<1x1x64xi32, #tpu.memory_space<vmem>>
    %dma_wait3A_303 = tpu.memref_squeeze %dma_wait3A_302 : memref<1x1x64xi32, #tpu.memory_space<vmem>> -> memref<64xi32, #tpu.memory_space<vmem>>
    %dma_wait3A_304 = arith.constant 0 : i32
    %dma_wait3A_305 = arith.constant 0 : i32
    %dma_wait3A_306 = tpu.memref_slice %arg3[%dma_wait3A_292, %dma_wait3A_304, %dma_wait3A_305] : memref<8x100000x64xf32, #tpu.memory_space<hbm>> -> memref<1x100000x64xf32, #tpu.memory_space<hbm>>
    %dma_wait3A_307 = tpu.memref_squeeze %dma_wait3A_306 : memref<1x100000x64xf32, #tpu.memory_space<hbm>> -> memref<100000x64xf32, #tpu.memory_space<hbm>>
    %dma_wait3A_308 = arith.constant 0 : i32
    %dma_wait3A_309 = arith.constant 0 : i32
    %dma_wait3A_310 = tpu.memref_slice %dma_wait3A_307[%dma_wait3A_308, %dma_wait3A_309] : memref<100000x64xf32, #tpu.memory_space<hbm>> -> memref<100000x64xf32, #tpu.memory_space<hbm>>
    tpu.wait_indirect_dma semaphore(%arg8 : memref<!tpu.dma_semaphore, #tpu.memory_space<semaphore_mem>>) src(%dma_wait3A_310 : memref<100000x64xf32, #tpu.memory_space<hbm>>) dst(%dma_wait3A_300 : memref<64x64xf32, #tpu.memory_space<vmem>>)
    %dma_wait3A_311 = arith.constant 0 : i32
    %dma_wait3A_312 = arith.constant 0 : i32
    %dma_wait3A_313 = arith.constant 0 : i32
    %dma_wait3A_314 = tpu.memref_slice %arg7[%dma_wait3A_311, %dma_wait3A_312, %dma_wait3A_313] : memref<2x64x64xf32, #tpu.memory_space<vmem>> -> memref<1x64x64xf32, #tpu.memory_space<vmem>>
    %dma_wait3A_315 = tpu.memref_squeeze %dma_wait3A_314 : memref<1x64x64xf32, #tpu.memory_space<vmem>> -> memref<64x64xf32, #tpu.memory_space<vmem>>
    %dma_wait3A_316 = arith.constant 0 : i32
    %dma_wait3A_317 = arith.constant 0 : i32
    %dma_wait3A_318 = tpu.memref_slice %arg4[%dma_wait3A_316, %dma_wait3A_317] : memref<51200x64xf32, #tpu.memory_space<hbm>> -> memref<64x64xf32, #tpu.memory_space<hbm>>
    %dma_wait3A_319 = arith.constant 0 : i32
    %dma_wait3A_320 = arith.constant 0 : i32
    %dma_wait3A_321 = tpu.memref_slice %arg7[%dma_wait3A_311, %dma_wait3A_319, %dma_wait3A_320] : memref<2x64x64xf32, #tpu.memory_space<vmem>> -> memref<1x64x64xf32, #tpu.memory_space<vmem>>
    %dma_wait3A_322 = tpu.memref_squeeze %dma_wait3A_321 : memref<1x64x64xf32, #tpu.memory_space<vmem>> -> memref<64x64xf32, #tpu.memory_space<vmem>>
    %dma_wait3A_323 = arith.constant 0 : i32
    %dma_wait3A_324 = arith.constant 0 : i32
    %dma_wait3A_325 = tpu.memref_slice %arg4[%dma_wait3A_323, %dma_wait3A_324] : memref<51200x64xf32, #tpu.memory_space<hbm>> -> memref<64x64xf32, #tpu.memory_space<hbm>>
    tpu.wait_dma2 semaphore(%arg10 : memref<!tpu.dma_semaphore, #tpu.memory_space<semaphore_mem>>) src(%dma_wait3A_325 : memref<64x64xf32, #tpu.memory_space<hbm>>) dst(%dma_wait3A_322 : memref<64x64xf32, #tpu.memory_space<vmem>>)
    %scan3A_326 = arith.constant 0 : i32
    %scan3A_327 = arith.constant 0 : i32
    %scan3A_328 = arith.constant 64 : i32
    %scan3A_329 = arith.addi %scan3A_327, %scan3A_328 : i32
    %scan3A_330 = arith.constant 1 : i32
    %scan3A_331 = scf.for %scan3A_378 = %scan3A_327 to %scan3A_329 step %scan3A_330 iter_args(%scan3A_379 = %scan3A_326) -> (i32)  : i32 {
      %get3A = arith.constant 0 : i32
      %get3A_380 = arith.constant 0 : i32
      %get3A_381 = arith.index_cast %get3A : i32 to index
      %get3A_382 = arith.index_cast %get3A_380 : i32 to index
      %get3A_383 = arith.index_cast %scan3A_378 : i32 to index
      %get3A_384 = arith.constant 0 : index
      %get3A_385 = tpu.vector_load %arg6[%get3A_381, %get3A_382, %get3A_383, %get3A_384] {strides = array<i32>} : memref<2x8x64x64xf32, #tpu.memory_space<vmem>>, vector<1x1x1x16xf32>,
      %get3A_386 = vector.shape_cast %get3A_385 : vector<1x1x1x16xf32> to vector<16xf32>
      %get3A_387 = arith.constant 0 : i32
      %get3A_388 = arith.constant 1 : i32
      %get3A_389 = arith.index_cast %get3A_387 : i32 to index
      %get3A_390 = arith.index_cast %get3A_388 : i32 to index
      %get3A_391 = arith.index_cast %scan3A_378 : i32 to index
      %get3A_392 = arith.constant 0 : index
      %get3A_393 = tpu.vector_load %arg6[%get3A_389, %get3A_390, %get3A_391, %get3A_392] {strides = array<i32>} : memref<2x8x64x64xf32, #tpu.memory_space<vmem>>, vector<1x1x1x16xf32>,
      %get3A_394 = vector.shape_cast %get3A_393 : vector<1x1x1x16xf32> to vector<16xf32>
      %add3A_395 = arith.addf %get3A_386, %get3A_394 : vector<16xf32>
      %get3A_396 = arith.constant 0 : i32
      %get3A_397 = arith.constant 2 : i32
      %get3A_398 = arith.index_cast %get3A_396 : i32 to index
      %get3A_399 = arith.index_cast %get3A_397 : i32 to index
      %get3A_400 = arith.index_cast %scan3A_378 : i32 to index
      %get3A_401 = arith.constant 0 : index
      %get3A_402 = tpu.vector_load %arg6[%get3A_398, %get3A_399, %get3A_400, %get3A_401] {strides = array<i32>} : memref<2x8x64x64xf32, #tpu.memory_space<vmem>>, vector<1x1x1x16xf32>,
      %get3A_403 = vector.shape_cast %get3A_402 : vector<1x1x1x16xf32> to vector<16xf32>
      %add3A_404 = arith.addf %add3A_395, %get3A_403 : vector<16xf32>
      %get3A_405 = arith.constant 0 : i32
      %get3A_406 = arith.constant 3 : i32
      %get3A_407 = arith.index_cast %get3A_405 : i32 to index
      %get3A_408 = arith.index_cast %get3A_406 : i32 to index
      %get3A_409 = arith.index_cast %scan3A_378 : i32 to index
      %get3A_410 = arith.constant 0 : index
      %get3A_411 = tpu.vector_load %arg6[%get3A_407, %get3A_408, %get3A_409, %get3A_410] {strides = array<i32>} : memref<2x8x64x64xf32, #tpu.memory_space<vmem>>, vector<1x1x1x16xf32>,
      %get3A_412 = vector.shape_cast %get3A_411 : vector<1x1x1x16xf32> to vector<16xf32>
      %add3A_413 = arith.addf %add3A_404, %get3A_412 : vector<16xf32>
      %get3A_414 = arith.constant 0 : i32
      %get3A_415 = arith.constant 4 : i32
      %get3A_416 = arith.index_cast %get3A_414 : i32 to index
      %get3A_417 = arith.index_cast %get3A_415 : i32 to index
      %get3A_418 = arith.index_cast %scan3A_378 : i32 to index
      %get3A_419 = arith.constant 0 : index
      %get3A_420 = tpu.vector_load %arg6[%get3A_416, %get3A_417, %get3A_418, %get3A_419] {strides = array<i32>} : memref<2x8x64x64xf32, #tpu.memory_space<vmem>>, vector<1x1x1x16xf32>,
      %get3A_421 = vector.shape_cast %get3A_420 : vector<1x1x1x16xf32> to vector<16xf32>
      %add3A_422 = arith.addf %add3A_413, %get3A_421 : vector<16xf32>
      %get3A_423 = arith.constant 0 : i32
      %get3A_424 = arith.constant 5 : i32
      %get3A_425 = arith.index_cast %get3A_423 : i32 to index
      %get3A_426 = arith.index_cast %get3A_424 : i32 to index
      %get3A_427 = arith.index_cast %scan3A_378 : i32 to index
      %get3A_428 = arith.constant 0 : index
      %get3A_429 = tpu.vector_load %arg6[%get3A_425, %get3A_426, %get3A_427, %get3A_428] {strides = array<i32>} : memref<2x8x64x64xf32, #tpu.memory_space<vmem>>, vector<1x1x1x16xf32>,
      %get3A_430 = vector.shape_cast %get3A_429 : vector<1x1x1x16xf32> to vector<16xf32>
      %add3A_431 = arith.addf %add3A_422, %get3A_430 : vector<16xf32>
      %get3A_432 = arith.constant 0 : i32
      %get3A_433 = arith.constant 6 : i32
      %get3A_434 = arith.index_cast %get3A_432 : i32 to index
      %get3A_435 = arith.index_cast %get3A_433 : i32 to index
      %get3A_436 = arith.index_cast %scan3A_378 : i32 to index
      %get3A_437 = arith.constant 0 : index
      %get3A_438 = tpu.vector_load %arg6[%get3A_434, %get3A_435, %get3A_436, %get3A_437] {strides = array<i32>} : memref<2x8x64x64xf32, #tpu.memory_space<vmem>>, vector<1x1x1x16xf32>,
      %get3A_439 = vector.shape_cast %get3A_438 : vector<1x1x1x16xf32> to vector<16xf32>
      %add3A_440 = arith.addf %add3A_431, %get3A_439 : vector<16xf32>
      %get3A_441 = arith.constant 0 : i32
      %get3A_442 = arith.constant 7 : i32
      %get3A_443 = arith.index_cast %get3A_441 : i32 to index
      %get3A_444 = arith.index_cast %get3A_442 : i32 to index
      %get3A_445 = arith.index_cast %scan3A_378 : i32 to index
      %get3A_446 = arith.constant 0 : index
      %get3A_447 = tpu.vector_load %arg6[%get3A_443, %get3A_444, %get3A_445, %get3A_446] {strides = array<i32>} : memref<2x8x64x64xf32, #tpu.memory_space<vmem>>, vector<1x1x1x16xf32>,
      %get3A_448 = vector.shape_cast %get3A_447 : vector<1x1x1x16xf32> to vector<16xf32>
      %add3A_449 = arith.addf %add3A_440, %get3A_448 : vector<16xf32>
      %swap3A = arith.constant 0 : i32
      %swap3A_450 = arith.index_cast %swap3A : i32 to index
      %swap3A_451 = arith.index_cast %scan3A_378 : i32 to index
      %swap3A_452 = arith.constant 0 : index
      %swap3A_453 = tpu.vector_load %arg7[%swap3A_450, %swap3A_451, %swap3A_452] {strides = array<i32>} : memref<2x64x64xf32, #tpu.memory_space<vmem>>, vector<1x1x16xf32>,
      %swap3A_454 = vector.shape_cast %swap3A_453 : vector<1x1x16xf32> to vector<16xf32>
      %swap3A_455 = vector.shape_cast %add3A_449 : vector<16xf32> to vector<1x1x16xf32>
      tpu.vector_store %arg7[%swap3A_450, %swap3A_451, %swap3A_452], %swap3A_455 {strides = array<i32>} : memref<2x64x64xf32, #tpu.memory_space<vmem>>, vector<1x1x16xf32>,
      %get3A_456 = arith.constant 0 : i32
      %get3A_457 = arith.constant 0 : i32
      %get3A_458 = arith.index_cast %get3A_456 : i32 to index
      %get3A_459 = arith.index_cast %get3A_457 : i32 to index
      %get3A_460 = arith.index_cast %scan3A_378 : i32 to index
      %get3A_461 = arith.constant 16 : index
      %get3A_462 = tpu.vector_load %arg6[%get3A_458, %get3A_459, %get3A_460, %get3A_461] {strides = array<i32>} : memref<2x8x64x64xf32, #tpu.memory_space<vmem>>, vector<1x1x1x16xf32>,
      %get3A_463 = vector.shape_cast %get3A_462 : vector<1x1x1x16xf32> to vector<16xf32>
      %get3A_464 = arith.constant 0 : i32
      %get3A_465 = arith.constant 1 : i32
      %get3A_466 = arith.index_cast %get3A_464 : i32 to index
      %get3A_467 = arith.index_cast %get3A_465 : i32 to index
      %get3A_468 = arith.index_cast %scan3A_378 : i32 to index
      %get3A_469 = arith.constant 16 : index
      %get3A_470 = tpu.vector_load %arg6[%get3A_466, %get3A_467, %get3A_468, %get3A_469] {strides = array<i32>} : memref<2x8x64x64xf32, #tpu.memory_space<vmem>>, vector<1x1x1x16xf32>,
      %get3A_471 = vector.shape_cast %get3A_470 : vector<1x1x1x16xf32> to vector<16xf32>
      %add3A_472 = arith.addf %get3A_463, %get3A_471 : vector<16xf32>
      %get3A_473 = arith.constant 0 : i32
      %get3A_474 = arith.constant 2 : i32
      %get3A_475 = arith.index_cast %get3A_473 : i32 to index
      %get3A_476 = arith.index_cast %get3A_474 : i32 to index
      %get3A_477 = arith.index_cast %scan3A_378 : i32 to index
      %get3A_478 = arith.constant 16 : index
      %get3A_479 = tpu.vector_load %arg6[%get3A_475, %get3A_476, %get3A_477, %get3A_478] {strides = array<i32>} : memref<2x8x64x64xf32, #tpu.memory_space<vmem>>, vector<1x1x1x16xf32>,
      %get3A_480 = vector.shape_cast %get3A_479 : vector<1x1x1x16xf32> to vector<16xf32>
      %add3A_481 = arith.addf %add3A_472, %get3A_480 : vector<16xf32>
      %get3A_482 = arith.constant 0 : i32
      %get3A_483 = arith.constant 3 : i32
      %get3A_484 = arith.index_cast %get3A_482 : i32 to index
      %get3A_485 = arith.index_cast %get3A_483 : i32 to index
      %get3A_486 = arith.index_cast %scan3A_378 : i32 to index
      %get3A_487 = arith.constant 16 : index
      %get3A_488 = tpu.vector_load %arg6[%get3A_484, %get3A_485, %get3A_486, %get3A_487] {strides = array<i32>} : memref<2x8x64x64xf32, #tpu.memory_space<vmem>>, vector<1x1x1x16xf32>,
      %get3A_489 = vector.shape_cast %get3A_488 : vector<1x1x1x16xf32> to vector<16xf32>
      %add3A_490 = arith.addf %add3A_481, %get3A_489 : vector<16xf32>
      %get3A_491 = arith.constant 0 : i32
      %get3A_492 = arith.constant 4 : i32
      %get3A_493 = arith.index_cast %get3A_491 : i32 to index
      %get3A_494 = arith.index_cast %get3A_492 : i32 to index
      %get3A_495 = arith.index_cast %scan3A_378 : i32 to index
      %get3A_496 = arith.constant 16 : index
      %get3A_497 = tpu.vector_load %arg6[%get3A_493, %get3A_494, %get3A_495, %get3A_496] {strides = array<i32>} : memref<2x8x64x64xf32, #tpu.memory_space<vmem>>, vector<1x1x1x16xf32>,
      %get3A_498 = vector.shape_cast %get3A_497 : vector<1x1x1x16xf32> to vector<16xf32>
      %add3A_499 = arith.addf %add3A_490, %get3A_498 : vector<16xf32>
      %get3A_500 = arith.constant 0 : i32
      %get3A_501 = arith.constant 5 : i32
      %get3A_502 = arith.index_cast %get3A_500 : i32 to index
      %get3A_503 = arith.index_cast %get3A_501 : i32 to index
      %get3A_504 = arith.index_cast %scan3A_378 : i32 to index
      %get3A_505 = arith.constant 16 : index
      %get3A_506 = tpu.vector_load %arg6[%get3A_502, %get3A_503, %get3A_504, %get3A_505] {strides = array<i32>} : memref<2x8x64x64xf32, #tpu.memory_space<vmem>>, vector<1x1x1x16xf32>,
      %get3A_507 = vector.shape_cast %get3A_506 : vector<1x1x1x16xf32> to vector<16xf32>
      %add3A_508 = arith.addf %add3A_499, %get3A_507 : vector<16xf32>
      %get3A_509 = arith.constant 0 : i32
      %get3A_510 = arith.constant 6 : i32
      %get3A_511 = arith.index_cast %get3A_509 : i32 to index
      %get3A_512 = arith.index_cast %get3A_510 : i32 to index
      %get3A_513 = arith.index_cast %scan3A_378 : i32 to index
      %get3A_514 = arith.constant 16 : index
      %get3A_515 = tpu.vector_load %arg6[%get3A_511, %get3A_512, %get3A_513, %get3A_514] {strides = array<i32>} : memref<2x8x64x64xf32, #tpu.memory_space<vmem>>, vector<1x1x1x16xf32>,
      %get3A_516 = vector.shape_cast %get3A_515 : vector<1x1x1x16xf32> to vector<16xf32>
      %add3A_517 = arith.addf %add3A_508, %get3A_516 : vector<16xf32>
      %get3A_518 = arith.constant 0 : i32
      %get3A_519 = arith.constant 7 : i32
      %get3A_520 = arith.index_cast %get3A_518 : i32 to index
      %get3A_521 = arith.index_cast %get3A_519 : i32 to index
      %get3A_522 = arith.index_cast %scan3A_378 : i32 to index
      %get3A_523 = arith.constant 16 : index
      %get3A_524 = tpu.vector_load %arg6[%get3A_520, %get3A_521, %get3A_522, %get3A_523] {strides = array<i32>} : memref<2x8x64x64xf32, #tpu.memory_space<vmem>>, vector<1x1x1x16xf32>,
      %get3A_525 = vector.shape_cast %get3A_524 : vector<1x1x1x16xf32> to vector<16xf32>
      %add3A_526 = arith.addf %add3A_517, %get3A_525 : vector<16xf32>
      %swap3A_527 = arith.constant 0 : i32
      %swap3A_528 = arith.index_cast %swap3A_527 : i32 to index
      %swap3A_529 = arith.index_cast %scan3A_378 : i32 to index
      %swap3A_530 = arith.constant 16 : index
      %swap3A_531 = tpu.vector_load %arg7[%swap3A_528, %swap3A_529, %swap3A_530] {strides = array<i32>} : memref<2x64x64xf32, #tpu.memory_space<vmem>>, vector<1x1x16xf32>,
      %swap3A_532 = vector.shape_cast %swap3A_531 : vector<1x1x16xf32> to vector<16xf32>
      %swap3A_533 = vector.shape_cast %add3A_526 : vector<16xf32> to vector<1x1x16xf32>
      tpu.vector_store %arg7[%swap3A_528, %swap3A_529, %swap3A_530], %swap3A_533 {strides = array<i32>} : memref<2x64x64xf32, #tpu.memory_space<vmem>>, vector<1x1x16xf32>,
      %get3A_534 = arith.constant 0 : i32
      %get3A_535 = arith.constant 0 : i32
      %get3A_536 = arith.index_cast %get3A_534 : i32 to index
      %get3A_537 = arith.index_cast %get3A_535 : i32 to index
      %get3A_538 = arith.index_cast %scan3A_378 : i32 to index
      %get3A_539 = arith.constant 32 : index
      %get3A_540 = tpu.vector_load %arg6[%get3A_536, %get3A_537, %get3A_538, %get3A_539] {strides = array<i32>} : memref<2x8x64x64xf32, #tpu.memory_space<vmem>>, vector<1x1x1x16xf32>,
      %get3A_541 = vector.shape_cast %get3A_540 : vector<1x1x1x16xf32> to vector<16xf32>
      %get3A_542 = arith.constant 0 : i32
      %get3A_543 = arith.constant 1 : i32
      %get3A_544 = arith.index_cast %get3A_542 : i32 to index
      %get3A_545 = arith.index_cast %get3A_543 : i32 to index
      %get3A_546 = arith.index_cast %scan3A_378 : i32 to index
      %get3A_547 = arith.constant 32 : index
      %get3A_548 = tpu.vector_load %arg6[%get3A_544, %get3A_545, %get3A_546, %get3A_547] {strides = array<i32>} : memref<2x8x64x64xf32, #tpu.memory_space<vmem>>, vector<1x1x1x16xf32>,
      %get3A_549 = vector.shape_cast %get3A_548 : vector<1x1x1x16xf32> to vector<16xf32>
      %add3A_550 = arith.addf %get3A_541, %get3A_549 : vector<16xf32>
      %get3A_551 = arith.constant 0 : i32
      %get3A_552 = arith.constant 2 : i32
      %get3A_553 = arith.index_cast %get3A_551 : i32 to index
      %get3A_554 = arith.index_cast %get3A_552 : i32 to index
      %get3A_555 = arith.index_cast %scan3A_378 : i32 to index
      %get3A_556 = arith.constant 32 : index
      %get3A_557 = tpu.vector_load %arg6[%get3A_553, %get3A_554, %get3A_555, %get3A_556] {strides = array<i32>} : memref<2x8x64x64xf32, #tpu.memory_space<vmem>>, vector<1x1x1x16xf32>,
      %get3A_558 = vector.shape_cast %get3A_557 : vector<1x1x1x16xf32> to vector<16xf32>
      %add3A_559 = arith.addf %add3A_550, %get3A_558 : vector<16xf32>
      %get3A_560 = arith.constant 0 : i32
      %get3A_561 = arith.constant 3 : i32
      %get3A_562 = arith.index_cast %get3A_560 : i32 to index
      %get3A_563 = arith.index_cast %get3A_561 : i32 to index
      %get3A_564 = arith.index_cast %scan3A_378 : i32 to index
      %get3A_565 = arith.constant 32 : index
      %get3A_566 = tpu.vector_load %arg6[%get3A_562, %get3A_563, %get3A_564, %get3A_565] {strides = array<i32>} : memref<2x8x64x64xf32, #tpu.memory_space<vmem>>, vector<1x1x1x16xf32>,
      %get3A_567 = vector.shape_cast %get3A_566 : vector<1x1x1x16xf32> to vector<16xf32>
      %add3A_568 = arith.addf %add3A_559, %get3A_567 : vector<16xf32>
      %get3A_569 = arith.constant 0 : i32
      %get3A_570 = arith.constant 4 : i32
      %get3A_571 = arith.index_cast %get3A_569 : i32 to index
      %get3A_572 = arith.index_cast %get3A_570 : i32 to index
      %get3A_573 = arith.index_cast %scan3A_378 : i32 to index
      %get3A_574 = arith.constant 32 : index
      %get3A_575 = tpu.vector_load %arg6[%get3A_571, %get3A_572, %get3A_573, %get3A_574] {strides = array<i32>} : memref<2x8x64x64xf32, #tpu.memory_space<vmem>>, vector<1x1x1x16xf32>,
      %get3A_576 = vector.shape_cast %get3A_575 : vector<1x1x1x16xf32> to vector<16xf32>
      %add3A_577 = arith.addf %add3A_568, %get3A_576 : vector<16xf32>
      %get3A_578 = arith.constant 0 : i32
      %get3A_579 = arith.constant 5 : i32
      %get3A_580 = arith.index_cast %get3A_578 : i32 to index
      %get3A_581 = arith.index_cast %get3A_579 : i32 to index
      %get3A_582 = arith.index_cast %scan3A_378 : i32 to index
      %get3A_583 = arith.constant 32 : index
      %get3A_584 = tpu.vector_load %arg6[%get3A_580, %get3A_581, %get3A_582, %get3A_583] {strides = array<i32>} : memref<2x8x64x64xf32, #tpu.memory_space<vmem>>, vector<1x1x1x16xf32>,
      %get3A_585 = vector.shape_cast %get3A_584 : vector<1x1x1x16xf32> to vector<16xf32>
      %add3A_586 = arith.addf %add3A_577, %get3A_585 : vector<16xf32>
      %get3A_587 = arith.constant 0 : i32
      %get3A_588 = arith.constant 6 : i32
      %get3A_589 = arith.index_cast %get3A_587 : i32 to index
      %get3A_590 = arith.index_cast %get3A_588 : i32 to index
      %get3A_591 = arith.index_cast %scan3A_378 : i32 to index
      %get3A_592 = arith.constant 32 : index
      %get3A_593 = tpu.vector_load %arg6[%get3A_589, %get3A_590, %get3A_591, %get3A_592] {strides = array<i32>} : memref<2x8x64x64xf32, #tpu.memory_space<vmem>>, vector<1x1x1x16xf32>,
      %get3A_594 = vector.shape_cast %get3A_593 : vector<1x1x1x16xf32> to vector<16xf32>
      %add3A_595 = arith.addf %add3A_586, %get3A_594 : vector<16xf32>
      %get3A_596 = arith.constant 0 : i32
      %get3A_597 = arith.constant 7 : i32
      %get3A_598 = arith.index_cast %get3A_596 : i32 to index
      %get3A_599 = arith.index_cast %get3A_597 : i32 to index
      %get3A_600 = arith.index_cast %scan3A_378 : i32 to index
      %get3A_601 = arith.constant 32 : index
      %get3A_602 = tpu.vector_load %arg6[%get3A_598, %get3A_599, %get3A_600, %get3A_601] {strides = array<i32>} : memref<2x8x64x64xf32, #tpu.memory_space<vmem>>, vector<1x1x1x16xf32>,
      %get3A_603 = vector.shape_cast %get3A_602 : vector<1x1x1x16xf32> to vector<16xf32>
      %add3A_604 = arith.addf %add3A_595, %get3A_603 : vector<16xf32>
      %swap3A_605 = arith.constant 0 : i32
      %swap3A_606 = arith.index_cast %swap3A_605 : i32 to index
      %swap3A_607 = arith.index_cast %scan3A_378 : i32 to index
      %swap3A_608 = arith.constant 32 : index
      %swap3A_609 = tpu.vector_load %arg7[%swap3A_606, %swap3A_607, %swap3A_608] {strides = array<i32>} : memref<2x64x64xf32, #tpu.memory_space<vmem>>, vector<1x1x16xf32>,
      %swap3A_610 = vector.shape_cast %swap3A_609 : vector<1x1x16xf32> to vector<16xf32>
      %swap3A_611 = vector.shape_cast %add3A_604 : vector<16xf32> to vector<1x1x16xf32>
      tpu.vector_store %arg7[%swap3A_606, %swap3A_607, %swap3A_608], %swap3A_611 {strides = array<i32>} : memref<2x64x64xf32, #tpu.memory_space<vmem>>, vector<1x1x16xf32>,
      %get3A_612 = arith.constant 0 : i32
      %get3A_613 = arith.constant 0 : i32
      %get3A_614 = arith.index_cast %get3A_612 : i32 to index
      %get3A_615 = arith.index_cast %get3A_613 : i32 to index
      %get3A_616 = arith.index_cast %scan3A_378 : i32 to index
      %get3A_617 = arith.constant 48 : index
      %get3A_618 = tpu.vector_load %arg6[%get3A_614, %get3A_615, %get3A_616, %get3A_617] {strides = array<i32>} : memref<2x8x64x64xf32, #tpu.memory_space<vmem>>, vector<1x1x1x16xf32>,
      %get3A_619 = vector.shape_cast %get3A_618 : vector<1x1x1x16xf32> to vector<16xf32>
      %get3A_620 = arith.constant 0 : i32
      %get3A_621 = arith.constant 1 : i32
      %get3A_622 = arith.index_cast %get3A_620 : i32 to index
      %get3A_623 = arith.index_cast %get3A_621 : i32 to index
      %get3A_624 = arith.index_cast %scan3A_378 : i32 to index
      %get3A_625 = arith.constant 48 : index
      %get3A_626 = tpu.vector_load %arg6[%get3A_622, %get3A_623, %get3A_624, %get3A_625] {strides = array<i32>} : memref<2x8x64x64xf32, #tpu.memory_space<vmem>>, vector<1x1x1x16xf32>,
      %get3A_627 = vector.shape_cast %get3A_626 : vector<1x1x1x16xf32> to vector<16xf32>
      %add3A_628 = arith.addf %get3A_619, %get3A_627 : vector<16xf32>
      %get3A_629 = arith.constant 0 : i32
      %get3A_630 = arith.constant 2 : i32
      %get3A_631 = arith.index_cast %get3A_629 : i32 to index
      %get3A_632 = arith.index_cast %get3A_630 : i32 to index
      %get3A_633 = arith.index_cast %scan3A_378 : i32 to index
      %get3A_634 = arith.constant 48 : index
      %get3A_635 = tpu.vector_load %arg6[%get3A_631, %get3A_632, %get3A_633, %get3A_634] {strides = array<i32>} : memref<2x8x64x64xf32, #tpu.memory_space<vmem>>, vector<1x1x1x16xf32>,
      %get3A_636 = vector.shape_cast %get3A_635 : vector<1x1x1x16xf32> to vector<16xf32>
      %add3A_637 = arith.addf %add3A_628, %get3A_636 : vector<16xf32>
      %get3A_638 = arith.constant 0 : i32
      %get3A_639 = arith.constant 3 : i32
      %get3A_640 = arith.index_cast %get3A_638 : i32 to index
      %get3A_641 = arith.index_cast %get3A_639 : i32 to index
      %get3A_642 = arith.index_cast %scan3A_378 : i32 to index
      %get3A_643 = arith.constant 48 : index
      %get3A_644 = tpu.vector_load %arg6[%get3A_640, %get3A_641, %get3A_642, %get3A_643] {strides = array<i32>} : memref<2x8x64x64xf32, #tpu.memory_space<vmem>>, vector<1x1x1x16xf32>,
      %get3A_645 = vector.shape_cast %get3A_644 : vector<1x1x1x16xf32> to vector<16xf32>
      %add3A_646 = arith.addf %add3A_637, %get3A_645 : vector<16xf32>
      %get3A_647 = arith.constant 0 : i32
      %get3A_648 = arith.constant 4 : i32
      %get3A_649 = arith.index_cast %get3A_647 : i32 to index
      %get3A_650 = arith.index_cast %get3A_648 : i32 to index
      %get3A_651 = arith.index_cast %scan3A_378 : i32 to index
      %get3A_652 = arith.constant 48 : index
      %get3A_653 = tpu.vector_load %arg6[%get3A_649, %get3A_650, %get3A_651, %get3A_652] {strides = array<i32>} : memref<2x8x64x64xf32, #tpu.memory_space<vmem>>, vector<1x1x1x16xf32>,
      %get3A_654 = vector.shape_cast %get3A_653 : vector<1x1x1x16xf32> to vector<16xf32>
      %add3A_655 = arith.addf %add3A_646, %get3A_654 : vector<16xf32>
      %get3A_656 = arith.constant 0 : i32
      %get3A_657 = arith.constant 5 : i32
      %get3A_658 = arith.index_cast %get3A_656 : i32 to index
      %get3A_659 = arith.index_cast %get3A_657 : i32 to index
      %get3A_660 = arith.index_cast %scan3A_378 : i32 to index
      %get3A_661 = arith.constant 48 : index
      %get3A_662 = tpu.vector_load %arg6[%get3A_658, %get3A_659, %get3A_660, %get3A_661] {strides = array<i32>} : memref<2x8x64x64xf32, #tpu.memory_space<vmem>>, vector<1x1x1x16xf32>,
      %get3A_663 = vector.shape_cast %get3A_662 : vector<1x1x1x16xf32> to vector<16xf32>
      %add3A_664 = arith.addf %add3A_655, %get3A_663 : vector<16xf32>
      %get3A_665 = arith.constant 0 : i32
      %get3A_666 = arith.constant 6 : i32
      %get3A_667 = arith.index_cast %get3A_665 : i32 to index
      %get3A_668 = arith.index_cast %get3A_666 : i32 to index
      %get3A_669 = arith.index_cast %scan3A_378 : i32 to index
      %get3A_670 = arith.constant 48 : index
      %get3A_671 = tpu.vector_load %arg6[%get3A_667, %get3A_668, %get3A_669, %get3A_670] {strides = array<i32>} : memref<2x8x64x64xf32, #tpu.memory_space<vmem>>, vector<1x1x1x16xf32>,
      %get3A_672 = vector.shape_cast %get3A_671 : vector<1x1x1x16xf32> to vector<16xf32>
      %add3A_673 = arith.addf %add3A_664, %get3A_672 : vector<16xf32>
      %get3A_674 = arith.constant 0 : i32
      %get3A_675 = arith.constant 7 : i32
      %get3A_676 = arith.index_cast %get3A_674 : i32 to index
      %get3A_677 = arith.index_cast %get3A_675 : i32 to index
      %get3A_678 = arith.index_cast %scan3A_378 : i32 to index
      %get3A_679 = arith.constant 48 : index
      %get3A_680 = tpu.vector_load %arg6[%get3A_676, %get3A_677, %get3A_678, %get3A_679] {strides = array<i32>} : memref<2x8x64x64xf32, #tpu.memory_space<vmem>>, vector<1x1x1x16xf32>,
      %get3A_681 = vector.shape_cast %get3A_680 : vector<1x1x1x16xf32> to vector<16xf32>
      %add3A_682 = arith.addf %add3A_673, %get3A_681 : vector<16xf32>
      %swap3A_683 = arith.constant 0 : i32
      %swap3A_684 = arith.index_cast %swap3A_683 : i32 to index
      %swap3A_685 = arith.index_cast %scan3A_378 : i32 to index
      %swap3A_686 = arith.constant 48 : index
      %swap3A_687 = tpu.vector_load %arg7[%swap3A_684, %swap3A_685, %swap3A_686] {strides = array<i32>} : memref<2x64x64xf32, #tpu.memory_space<vmem>>, vector<1x1x16xf32>,
      %swap3A_688 = vector.shape_cast %swap3A_687 : vector<1x1x16xf32> to vector<16xf32>
      %swap3A_689 = vector.shape_cast %add3A_682 : vector<16xf32> to vector<1x1x16xf32>
      tpu.vector_store %arg7[%swap3A_684, %swap3A_685, %swap3A_686], %swap3A_689 {strides = array<i32>} : memref<2x64x64xf32, #tpu.memory_space<vmem>>, vector<1x1x16xf32>,
      %scan3A_690 = arith.constant 0 : i32
      scf.yield %scan3A_690 : i32
    }
    %scan3A_332 = arith.constant 64 : i32
    %add3A_333 = arith.constant 1536 : i32
    %add3A_334 = arith.addi %mul3A_2, %add3A_333 : i32
    %dma_start3A_335 = arith.constant 0 : i32
    %dma_start3A_336 = arith.constant 0 : i32
    %dma_start3A_337 = arith.constant 0 : i32
    %dma_start3A_338 = tpu.memref_slice %arg7[%dma_start3A_335, %dma_start3A_336, %dma_start3A_337] : memref<2x64x64xf32, #tpu.memory_space<vmem>> -> memref<1x64x64xf32, #tpu.memory_space<vmem>>
    %dma_start3A_339 = tpu.memref_squeeze %dma_start3A_338 : memref<1x64x64xf32, #tpu.memory_space<vmem>> -> memref<64x64xf32, #tpu.memory_space<vmem>>
    %dma_start3A_340 = arith.constant 0 : i32
    %dma_start3A_341 = tpu.memref_slice %arg4[%add3A_334, %dma_start3A_340] : memref<51200x64xf32, #tpu.memory_space<hbm>> -> memref<64x64xf32, #tpu.memory_space<hbm>>
    %dma_start3A_342 = arith.constant 0 : i32
    %dma_start3A_343 = tpu.memref_slice %arg4[%add3A_334, %dma_start3A_342] : memref<51200x64xf32, #tpu.memory_space<hbm>> -> memref<64x64xf32, #tpu.memory_space<hbm>>
    %dma_start3A_344 = arith.constant 0 : i32
    %dma_start3A_345 = arith.constant 0 : i32
    %dma_start3A_346 = tpu.memref_slice %arg7[%dma_start3A_335, %dma_start3A_344, %dma_start3A_345] : memref<2x64x64xf32, #tpu.memory_space<vmem>> -> memref<1x64x64xf32, #tpu.memory_space<vmem>>
    %dma_start3A_347 = tpu.memref_squeeze %dma_start3A_346 : memref<1x64x64xf32, #tpu.memory_space<vmem>> -> memref<64x64xf32, #tpu.memory_space<vmem>>
    tpu.enqueue_dma source(%dma_start3A_347 : memref<64x64xf32, #tpu.memory_space<vmem>>) target(%dma_start3A_343 : memref<64x64xf32, #tpu.memory_space<hbm>>) target_semaphore(%arg10 : memref<!tpu.dma_semaphore, #tpu.memory_space<semaphore_mem>>)
    %dma_wait3A_348 = arith.constant 1 : i32
    %dma_wait3A_349 = arith.constant 0 : i32
    %dma_wait3A_350 = arith.constant 0 : i32
    %dma_wait3A_351 = tpu.memref_slice %arg7[%dma_wait3A_348, %dma_wait3A_349, %dma_wait3A_350] : memref<2x64x64xf32, #tpu.memory_space<vmem>> -> memref<1x64x64xf32, #tpu.memory_space<vmem>>
    %dma_wait3A_352 = tpu.memref_squeeze %dma_wait3A_351 : memref<1x64x64xf32, #tpu.memory_space<vmem>> -> memref<64x64xf32, #tpu.memory_space<vmem>>
    %dma_wait3A_353 = arith.constant 0 : i32
    %dma_wait3A_354 = arith.constant 0 : i32
    %dma_wait3A_355 = tpu.memref_slice %arg4[%dma_wait3A_353, %dma_wait3A_354] : memref<51200x64xf32, #tpu.memory_space<hbm>> -> memref<64x64xf32, #tpu.memory_space<hbm>>
    %dma_wait3A_356 = arith.constant 0 : i32
    %dma_wait3A_357 = arith.constant 0 : i32
    %dma_wait3A_358 = tpu.memref_slice %arg7[%dma_wait3A_348, %dma_wait3A_356, %dma_wait3A_357] : memref<2x64x64xf32, #tpu.memory_space<vmem>> -> memref<1x64x64xf32, #tpu.memory_space<vmem>>
    %dma_wait3A_359 = tpu.memref_squeeze %dma_wait3A_358 : memref<1x64x64xf32, #tpu.memory_space<vmem>> -> memref<64x64xf32, #tpu.memory_space<vmem>>
    %dma_wait3A_360 = arith.constant 0 : i32
    %dma_wait3A_361 = arith.constant 0 : i32
    %dma_wait3A_362 = tpu.memref_slice %arg4[%dma_wait3A_360, %dma_wait3A_361] : memref<51200x64xf32, #tpu.memory_space<hbm>> -> memref<64x64xf32, #tpu.memory_space<hbm>>
    tpu.wait_dma2 semaphore(%arg11 : memref<!tpu.dma_semaphore, #tpu.memory_space<semaphore_mem>>) src(%dma_wait3A_362 : memref<64x64xf32, #tpu.memory_space<hbm>>) dst(%dma_wait3A_359 : memref<64x64xf32, #tpu.memory_space<vmem>>)
    %dma_wait3A_363 = arith.constant 0 : i32
    %dma_wait3A_364 = arith.constant 0 : i32
    %dma_wait3A_365 = arith.constant 0 : i32
    %dma_wait3A_366 = tpu.memref_slice %arg7[%dma_wait3A_363, %dma_wait3A_364, %dma_wait3A_365] : memref<2x64x64xf32, #tpu.memory_space<vmem>> -> memref<1x64x64xf32, #tpu.memory_space<vmem>>
    %dma_wait3A_367 = tpu.memref_squeeze %dma_wait3A_366 : memref<1x64x64xf32, #tpu.memory_space<vmem>> -> memref<64x64xf32, #tpu.memory_space<vmem>>
    %dma_wait3A_368 = arith.constant 0 : i32
    %dma_wait3A_369 = arith.constant 0 : i32
    %dma_wait3A_370 = tpu.memref_slice %arg4[%dma_wait3A_368, %dma_wait3A_369] : memref<51200x64xf32, #tpu.memory_space<hbm>> -> memref<64x64xf32, #tpu.memory_space<hbm>>
    %dma_wait3A_371 = arith.constant 0 : i32
    %dma_wait3A_372 = arith.constant 0 : i32
    %dma_wait3A_373 = tpu.memref_slice %arg7[%dma_wait3A_363, %dma_wait3A_371, %dma_wait3A_372] : memref<2x64x64xf32, #tpu.memory_space<vmem>> -> memref<1x64x64xf32, #tpu.memory_space<vmem>>
    %dma_wait3A_374 = tpu.memref_squeeze %dma_wait3A_373 : memref<1x64x64xf32, #tpu.memory_space<vmem>> -> memref<64x64xf32, #tpu.memory_space<vmem>>
    %dma_wait3A_375 = arith.constant 0 : i32
    %dma_wait3A_376 = arith.constant 0 : i32
    %dma_wait3A_377 = tpu.memref_slice %arg4[%dma_wait3A_375, %dma_wait3A_376] : memref<51200x64xf32, #tpu.memory_space<hbm>> -> memref<64x64xf32, #tpu.memory_space<hbm>>
    tpu.wait_dma2 semaphore(%arg10 : memref<!tpu.dma_semaphore, #tpu.memory_space<semaphore_mem>>) src(%dma_wait3A_377 : memref<64x64xf32, #tpu.memory_space<hbm>>) dst(%dma_wait3A_374 : memref<64x64xf32, #tpu.memory_space<vmem>>)
    return
  }
}

</mosaic_0001>

<sc_bundles>
// kernel: kernel.3.cloned.1.call-start
scs
__scs_entry_jumppad:
0x0: {  	(pc) =	sbr.rel $0x88, $3  }
0x1: {  	(tag) =	ssettag $0x0;
	lr =	simm.s32 $0x1  }
0x2: {  	[smem:$0x3F9F] =	sst lr;
	_ =	strace $0xD0000000  }
0x3: {  	_ = 	snop  }
0x4: {  	_ = 	snop  }
0x5: {  	_ = 	snop  }
0x6: {  	_ = 	snop  }
0x7: {  	_ = 	snop  }
__scs_overlays_trampoline_lowered:
0x8: {  	[smem:$0x3FAE] =	sst s0  }
0x9: {  	[smem:$0x3FAF] =	sst s1  }
0xa: {  	[smem:$0x3FB0] =	sst s2  }
0xb: {  	[smem:$0x3FB1] =	sst s3  }
0xc: {  	[smem:$0x3FB2] =	sst s4  }
0xd: {  	[smem:$0x3FB3] =	sst s5  }
0xe: {  	[smem:$0x3FB4] =	sst s6  }
0xf: {  	[smem:$0x3FB5] =	sst s7  }
0x10: {  	[smem:$0x3FB6] =	sst s8  }
0x11: {  	[smem:$0x3FB7] =	sst s9;
	s0 =	simm.s32 @!p0 $0x0  }
0x12: {  	s1 =	sld [smem:$0x3F9D];
	s0 =	simm.s32 @p0 $0x1  }
0x13: {  	[smem:$0x3FB8] =	sst s0;
	s0 =	simm.s32 @!p1 $0x0  }
0x14: {  	s2 =	sld [smem:$0x3F9C];
	s0 =	simm.s32 @p1 $0x1  }
0x15: {  	[smem:$0x3FB9] =	sst s0;
	s0 =	simm.s32 @!p2 $0x0  }
0x16: {  	s3 =	sld [smem:$0x3FDB];
	s0 =	simm.s32 @p2 $0x1  }
0x17: {  	s4 =	simm.s32 $0x1BF5;
	[smem:$0x3FBB] =	sst s0  }
0x18: {  	s0 =	sld [smem:$0x3F9E];
	_ =	swait.ge [sflag:s4], $0x0  }
0x19: {  	s7 =	sld [smem:$0x3F9F]  }
0x1a: {  	s8 =	sadd.s32 $0xFFFFE003, lr  }
0x1b: {  	s9 =	sadd.s32 $0xFFFFFEF7, lr;
	s5 =	simm.s32 $0xFFFFFFFF;
	p2 =	slt.u32 s8, $0xFFFFF086  }
0x1c: {  	p1 =	slt.u32 s9, $0xF7A;
	s5 =	simm.s32 @!p2 $0x0  }
0x1d: {  	s5 =	simm.s32 @p1 $0x1;
	p0 =	seq.s32 s7, s2  }
0x1e: {  	s7 =	smul.u32 @!p0 $0xF7A, s2;
	p2 =	seq.s32 @!p0 s5, $0x0  }
0x1f: {  	s9 =	smul.u32 $0xF7A, s1;
	s8 =	simm.s32 @!p0 $0x1BF5;
	p2 =	por !p2, p0  }
0x20: {  	[sflag:s8] =	ssyncset.s32 @!p0 $0xFFFFF086;
	s6 =	sadd.s32 @!p0 s3, s7;
	s7 =	simm.s32 @!p0 $0x108  }
0x21: {  	s3 =	sadd.s32 s3, s9;
	s6 =	sadd.s32 @!p0 $0x88, s6;
	s7 =	simm.s32 @p2 $0x1082  }
0x22: {  	[simem:s7], [sflag:s8] =	dma.local @!p0 [hbm:s6], $0xF7A  }
0x23: {  	s9 =	sor.u32 $0xD0000000, s2;
	s6 =	simm.s32 $0x108;
	_ =	swait.ge @!p0 [sflag:s8], $0x0  }
0x24: {  	s3 =	sadd.s32 $0x88, s3;
	s6 =	simm.s32 @!p1 $0x1082;
	[sflag:s4] =	ssyncset.s32 $0xFFFFF086  }
0x25: {  	[simem:s6], [sflag:s4] =	dma.local [hbm:s3], $0xF7A  }
0x26: {  	[smem:$0x3F9F] =	sst s1;
	(tag) =	ssettag s2;
	_ =	strace s9  }
0x27: {  	s1 =	sld [smem:$0x3FAF]  }
0x28: {  	s2 =	sld [smem:$0x3FB0]  }
0x29: {  	s4 =	sld [smem:$0x3FB2]  }
0x2a: {  	p0 =	seq.s32 s5, $0x0;
	s5 =	sld [smem:$0x3FB3]  }
0x2b: {  	s6 =	sld [smem:$0x3FB4]  }
0x2c: {  	s7 =	sld [smem:$0x3FB5]  }
0x2d: {  	s3 =	simm.s32 $0x108;
	s8 =	sld [smem:$0x3FB6]  }
0x2e: {  	s3 =	simm.s32 @!p0 $0x1082;
	s9 =	sld [smem:$0x3FB7]  }
0x2f: {  	lr =	sadd.s32 s0, s3;
	s0 =	sld [smem:$0x3FAE]  }
0x30: {  	s3 =	sld [smem:$0x3FB1]  }
0x31: {  	[smem:$0x3FBA] =	sst s10  }
0x32: {  	s10 =	sld [smem:$0x3FB8];
	_ =	sdelay $0x3  }
0x33: {  	p0 =	seq.s32 s10, $0x1;
	s10 =	sld [smem:$0x3FBA];
	_ =	sdelay $0x3  }
0x34: {  	[smem:$0x3FBA] =	sst s10  }
0x35: {  	s10 =	sld [smem:$0x3FB9];
	_ =	sdelay $0x3  }
0x36: {  	p1 =	seq.s32 s10, $0x1;
	s10 =	sld [smem:$0x3FBA];
	_ =	sdelay $0x3  }
0x37: {  	[smem:$0x3FBA] =	sst s10  }
0x38: {  	s10 =	sld [smem:$0x3FBB]  }
0x39: {  	_ = 	snop;
	(pc) =	sbr.ind lr, $3  }
0x3a: {  	_ = 	snop  }
0x3b: {  	_ = 	snop  }
0x3c: {  	p2 =	seq.s32 s10, $0x1;
	s10 =	sld [smem:$0x3FBA]  }
0x3d: {  	_ =	shalt  }
0x3e: {  	_ =	shalt  }
0x3f: {  	_ =	shalt  }
0x40: {  	_ =	shalt  }
0x41: {  	_ =	shalt  }
0x42: {  	_ =	shalt  }
0x43: {  	_ =	shalt  }
0x44: {  	_ =	shalt  }
0x45: {  	_ =	shalt  }
0x46: {  	_ =	shalt  }
0x47: {  	_ =	shalt  }
0x48: {  	_ =	shalt  }
0x49: {  	_ =	shalt  }
0x4a: {  	_ =	shalt  }
0x4b: {  	_ =	shalt  }
0x4c: {  	_ =	shalt  }
0x4d: {  	_ =	shalt  }
0x4e: {  	_ =	shalt  }
0x4f: {  	_ =	shalt  }
0x50: {  	_ =	shalt  }
0x51: {  	_ =	shalt  }
0x52: {  	_ =	shalt  }
0x53: {  	_ =	shalt  }
0x54: {  	_ =	shalt  }
0x55: {  	_ =	shalt  }
0x56: {  	_ =	shalt  }
0x57: {  	_ =	shalt  }
0x58: {  	_ =	shalt  }
0x59: {  	_ =	shalt  }
0x5a: {  	_ =	shalt  }
0x5b: {  	_ =	shalt  }
0x5c: {  	_ =	shalt  }
0x5d: {  	_ =	shalt  }
0x5e: {  	_ =	shalt  }
0x5f: {  	_ =	shalt  }
0x60: {  	_ =	shalt  }
0x61: {  	_ =	shalt  }
0x62: {  	_ =	shalt  }
0x63: {  	_ =	shalt  }
0x64: {  	_ =	shalt  }
0x65: {  	_ =	shalt  }
0x66: {  	_ =	shalt  }
0x67: {  	_ =	shalt  }
0x68: {  	_ =	shalt  }
0x69: {  	_ =	shalt  }
0x6a: {  	_ =	shalt  }
0x6b: {  	_ =	shalt  }
0x6c: {  	_ =	shalt  }
0x6d: {  	_ =	shalt  }
0x6e: {  	_ =	shalt  }
0x6f: {  	_ =	shalt  }
0x70: {  	_ =	shalt  }
0x71: {  	_ =	shalt  }
0x72: {  	_ =	shalt  }
0x73: {  	_ =	shalt  }
0x74: {  	_ =	shalt  }
0x75: {  	_ =	shalt  }
0x76: {  	_ =	shalt  }
0x77: {  	_ =	shalt  }
0x78: {  	_ =	shalt  }
0x79: {  	_ =	shalt  }
0x7a: {  	_ =	shalt  }
0x7b: {  	_ =	shalt  }
0x7c: {  	_ =	shalt  }
0x7d: {  	_ =	shalt  }
0x7e: {  	_ =	shalt  }
0x7f: {  	_ =	shalt  }
0x80: {  	_ =	shalt  }
0x81: {  	_ =	shalt  }
0x82: {  	_ =	shalt  }
0x83: {  	_ =	shalt  }
0x84: {  	_ =	shalt  }
0x85: {  	_ =	shalt  }
0x86: {  	_ =	shalt  }
0x87: {  	_ =	shalt  }
.Lfunc_end0:
.L_simem_size_0:
called_computation_lowered:
.L_overlay_start_0:
0x88: {  	s2 =	sld [smem:$0x3FD9]  }
0x89: {  	s3 =	sld [smem:$0x3FFE];
	_ =	sdelay $0x1  }
0x8a: {  	s1 =	srdreg.scid  }
0x8b: {  	s0 =	sand.u32 $0x1, s1  }
0x8c: {  	s17 =	sshll.u32 s0, $0xA;
	s2 =	sadd.s32 s3, s2  }
0x8d: {  	s2 =	sadd.s32 s2, s17  }
0x8e: {  	[smem:$0x3FC6] =	sst s2  }
0x8f: {  	_ = 	snop  }
0x90: {  	s2 =	sld [smem:$0x3FD0];
	(tm) =	ssettm $0x1  }
0x91: {  	s18 =	sld [smem:$0x3FFB];
	_ =	sdelay $0x3  }
0x92: {  	_ =	strace s18  }
0x93: {  	s3 =	sld [smem:$0x3FFC];
	_ =	sdelay $0x3  }
0x94: {  	_ =	strace s3  }
0x95: {  	s3 =	sld [smem:$0x3FFD];
	_ =	sdelay $0x3  }
0x96: {  	_ =	strace s3  }
0x97: {  	_ =	strace $0x8FFFFFFF  }
0x98: {  	s19 =	sld [smem:$0x3FDB];
	_ =	sdelay $0x1  }
0x99: {  	s4 =	simm.s32 $_scs_section_size  }
0x9a: {  	s5 =	simm.s32 $_size__tile_overlayer_lowered;
	s6 =	simm.s32 $_tile_overlayer_lowered  }
0x9b: {  	s22 =	simm.s32 $0x1BFF;
	s21 =	sshll.u32 s6, $0x1;
	s3 =	sadd.s32 s4, s19  }
0x9c: {  	s7 =	simm.s32 $0x0;
	s20 =	sshll.u32 s5, $0x1;
	s5 =	sadd.s32 s21, s3  }
0x9d: {  	[timem:s7], [sflag:s22] =	dma.local [hbm:s5], s20  }
0x9e: {  	_ =	swait.ge [sflag:s22], s20  }
0x9f: {  	s4 =	ssub.s32 $0x0, s20;
	[sflag:s22] =	ssyncset.done $0x0  }
0xa0: {  	[sflag:s22] =	ssyncadd.s32 s4;
	_ =	sdelay $0x1  }
0xa1: {  	s23 =	simm.s32 $0x1B8B  }
0xa2: {  	_ =	swait.ge [sflag:s23], $0x1  }
0xa3: {  	[sflag:s23] =	ssyncset.done $0x0  }
0xa4: {  	s25 =	simm.s32 $0x1B8E;
	s24 =	sld [smem:$0x3FFE];
	[sflag:s23] =	ssyncadd.s32 $0xFFFFFFFF  }
0xa5: {  	s26 =	simm.s32 $execute0_lowered;
	[smem:$0x3FD2] =	sst s25  }
0xa6: {  	s5 =	sshll.u32 s26, $0x1;
	_ =	strace $0x80000046;
	[dreg:$0x1] =	wrdreg $0xFFFFFFFF  }
0xa7: {  	s28 =	simm.s32 $_size_execute0_lowered;
	s3 =	sadd.s32 s3, s5;
	[dreg:$0x0] =	wrdreg $0x0  }
0xa8: {  	s5 =	sshll.u32 s28, $0x1;
	[dreg:$0x2] =	wrdreg s3  }
0xa9: {  	[dreg:$0x3] =	wrdreg s5  }
0xaa: {  	[dreg:$0x4] =	wrdreg $0xC0  }
0xab: {  	_ =	task [dreg:s7], $0x5FFFF  }
0xac: {  	[dreg:$0x1] =	wrdreg $0xFFFFFFFF  }
0xad: {  	[dreg:$0x0] =	wrdreg $0x60  }
0xae: {  	[dreg:$0x2] =	wrdreg s24  }
0xaf: {  	[dreg:$0x3] =	wrdreg s2  }
0xb0: {  	[dreg:$0x4] =	wrdreg $0x9  }
0xb1: {  	_ =	task.clear_ibuf [dreg:s7], $0x5FFFF;
	_ =	strace $0x90000046  }
0xb2: {  	s29 =	simm.s32 $0x9;
	_ =	strace $0x80000048  }
0xb3: {  	_ =	swait.ge [sflag:s29], $0x1  }
0xb4: {  	[sflag:s29] =	ssyncadd.s32 $0xFFFFFFFF  }
0xb5: {  	_ =	strace $0x90000048  }
0xb6: {  	_ =	sfence  }
0xb7: {  	s30 =	sld [smem:$0x0];
	_ =	sdelay $0x2  }
0xb8: {  	s31 =	sshll.u32 s1, $0xD;
	s1 =	sshrl.u32 s1, $0x2  }
0xb9: {  	s3 =	sand.u32 $0x4000, s31;
	s1 =	sadd.s32 s1, s30  }
0xba: {  	s0 =	sor.u32 s3, s0;
	s1 =	sshll.u32 s1, $0x11  }
0xbb: {  	s0 =	sor.u32 s1, s0  }
0xbc: {  	s0 =	sadd.s32 $0x8F2B, s0  }
0xbd: {  	[sflag:s0] =	ssyncadd.remote.s32 $0x1  }
0xbe: {  	_ =	sfence.sel $0xFFFF  }
0xbf: {  	[dreg:$0x0] =	wrdreg $0xFFFFFFFF;
	(pc) =	sbr.abs _section_cstart, $3  }
0xc0: {  	[dreg:$0x1] =	wrdreg $0xFFFFFFFF  }
0xc1: {  	_ =	task.clear_ibuf [dreg:s7], $0x2FFFF;
	_ =	strace $0x9FFFFFFF  }
0xc2: {  	(tm) =	ssettm $0x7FFFFFFF  }
0xc3: {  	_ =	shalt  }
tec
execute0_lowered:
.L_overlay_start_1:
0x0: {  	(tag) =	ssettag $0x1  }
0x1: {  	s0 =	srdreg.scid  }
0x2: {  	s2 =	stileid.u32;
	s1 =	rddreg [dreg:$0x0];
	s18 =	simm.s32 $0x40  }
0x3: {  	s19 =	simm.s32 $0x3200;
	s21 =	simm.s32 $0x4200;
	s23 =	simm.s32 $0x5200  }
0x4: {  	s25 =	simm.s32 $0x6200;
	s28 =	simm.s32 $0x7200;
	s30 =	simm.s32 $0x8200  }
0x5: {  	s20 =	simm.s32 $0xA200;
	s16 =	simm.s32 $0x1;
	s17 =	simm.s32 $0x13200  }
0x6: {  	s22 =	simm.s32 $0x2;
	s24 =	simm.s32 $0x14200;
	s0 =	sand.u32 $0x1, s0  }
0x7: {  	s3 =	sshll.u32 s2, $0x1;
	s5 =	sadd.s32 $0xC35600, s1;
	s9 =	sadd.s32 $0xE7F500, s1  }
0x8: {  	s2 =	rddreg [dreg:$0x1];
	s10 =	sadd.s32 $0xF42A00, s1;
	s11 =	sadd.s32 $0x1005F00, s1  }
0x9: {  	s12 =	sadd.s32 $0x10C9400, s1;
	s13 =	sadd.s32 $0xDBC000, s1;
	s6 =	sor.u32 s0, s3  }
0xa: {  	s14 =	sadd.s32 $0x118C900, s1;
	s3 =	simm.s32 $0x0;
	s4 =	smul.u32 $0x640, s6  }
0xb: {  	s0 =	ssub.s32 $0x2, s0;
	[smem:$0x7FF] =	sst s3;
	s6 =	smul.u32 $0x19000, s6  }
0xc: {  	s8 =	sshrl.u32 s0, $0x1;
	_ =	strace $0x80000047;
	s7 =	sadd.s32 s4, s1  }
0xd: {  	s0 =	ssub.s32 s0, s8;
	s29 =	sshrl.u32 s6, $0x3;
	s7 =	sadd.s32 $0x600, s7  }
0xe: {  	s0 =	smax.u32 s0, $0x1;
	[dreg:$0x3] =	wrdreg s7;
	s7 =	sadd.s32 s2, s29  }
0xf: {  	s8 =	sadd.s32 $0xCF8B00, s1;
	[dreg:$0x5] =	wrdreg s0;
	s31 =	sadd.s32 $0x3000, s7  }
0x10: {  	s1 =	simm.s32 $0x9200;
	s7 =	simm.s32 $0x0;
	[dreg:$0x4] =	wrdreg s31  }
.LBB2_1:
0x11: {  	[dreg:$0x6] =	wrdreg s7  }
0x12: {  	s0 =	rddreg [dreg:$0x3];
	s26 =	simm.s32 $0x5  }
0x13: {  	[tilespmem:s3], [sflag:$0x5] =	stream.linear.gather [hbm4b:s0+s3], $0x3200, $0x38;
	[tilespmem:$0x15200] =	vst v63  }
0x14: {  	_ =	swait.ge [sflag:s26], $0x3200  }
0x15: {  	[sflag:s26] =	ssyncset.done $0x0  }
0x16: {  	[sflag:s26] =	ssyncadd.s32 $0xFFFFCE00  }
0x17: {  	[tilespmem:s19], [sflag:$0x1] =	stream.indirect.gather [hbm4b:s5+s18], $0x40, s3, s18, $0xb8;
	[tilespmem:$0x15200] =	vst v63  }
0x18: {  	s29 =	simm.s32 $0x640  }
0x19: {  	[tilespmem:s21], [sflag:$0x1] =	stream.indirect.gather [hbm4b:s8+s18], $0x40, s29, s18, $0xb8;
	[tilespmem:$0x15200] =	vst v63  }
0x1a: {  	s31 =	simm.s32 $0xC80  }
0x1b: {  	[tilespmem:s23], [sflag:$0x1] =	stream.indirect.gather [hbm4b:s13+s18], $0x40, s31, s18, $0xb8;
	[tilespmem:$0x15200] =	vst v63  }
0x1c: {  	s7 =	simm.s32 $0x12C0  }
0x1d: {  	[tilespmem:s25], [sflag:$0x1] =	stream.indirect.gather [hbm4b:s9+s18], $0x40, s7, s18, $0xb8;
	[tilespmem:$0x15200] =	vst v63  }
0x1e: {  	s15 =	simm.s32 $0x1900  }
0x1f: {  	[tilespmem:s28], [sflag:$0x1] =	stream.indirect.gather [hbm4b:s10+s18], $0x40, s15, s18, $0xb8;
	[tilespmem:$0x15200] =	vst v63  }
0x20: {  	s26 =	simm.s32 $0x1F40  }
0x21: {  	[tilespmem:s30], [sflag:$0x1] =	stream.indirect.gather [hbm4b:s11+s18], $0x40, s26, s18, $0xb8;
	[tilespmem:$0x15200] =	vst v63  }
0x22: {  	s29 =	simm.s32 $0x2580  }
0x23: {  	[tilespmem:s1], [sflag:$0x1] =	stream.indirect.gather [hbm4b:s12+s18], $0x40, s29, s18, $0xb8;
	[tilespmem:$0x15200] =	vst v63  }
0x24: {  	s31 =	simm.s32 $0x2BC0;
	s26 =	simm.s32 $0x0  }
0x25: {  	[tilespmem:s20], [sflag:$0x1] =	stream.indirect.gather [hbm4b:s14+s18], $0x40, s31, s18, $0xb8;
	[tilespmem:$0x15200] =	vst v63  }
.LBB2_2:
0x26: {  	s31 =	sshll.u32 s26, $0x7  }
0x27: {  	s0 =	simm.s32 $0xB200;
	s29 =	sor.u32 $0x40, s31  }
0x28: {  	[tilespmem:s0], [sflag:$0x2] =	stream.indirect.gather [hbm4b:s5+s18], $0x40, s29, s18, $0xb8;
	[tilespmem:$0x15200] =	vst v63  }
0x29: {  	s7 =	simm.s32 $0xC200;
	s15 =	sadd.s32 $0x680, s31  }
0x2a: {  	[tilespmem:s7], [sflag:$0x2] =	stream.indirect.gather [hbm4b:s8+s18], $0x40, s15, s18, $0xb8;
	[tilespmem:$0x15200] =	vst v63  }
0x2b: {  	s7 =	sadd.s32 $0xCC0, s31;
	s15 =	simm.s32 $0xD200  }
0x2c: {  	[tilespmem:s15], [sflag:$0x2] =	stream.indirect.gather [hbm4b:s13+s18], $0x40, s7, s18, $0xb8;
	[tilespmem:$0x15200] =	vst v63  }
0x2d: {  	s7 =	sadd.s32 $0x1300, s31;
	s15 =	simm.s32 $0xE200  }
0x2e: {  	[tilespmem:s15], [sflag:$0x2] =	stream.indirect.gather [hbm4b:s9+s18], $0x40, s7, s18, $0xb8;
	[tilespmem:$0x15200] =	vst v63  }
0x2f: {  	s7 =	sadd.s32 $0x1940, s31;
	s15 =	simm.s32 $0xF200  }
0x30: {  	[tilespmem:s15], [sflag:$0x2] =	stream.indirect.gather [hbm4b:s10+s18], $0x40, s7, s18, $0xb8;
	[tilespmem:$0x15200] =	vst v63  }
0x31: {  	s7 =	sadd.s32 $0x1F80, s31;
	s15 =	simm.s32 $0x10200  }
0x32: {  	[tilespmem:s15], [sflag:$0x2] =	stream.indirect.gather [hbm4b:s11+s18], $0x40, s7, s18, $0xb8;
	[tilespmem:$0x15200] =	vst v63  }
0x33: {  	s7 =	sadd.s32 $0x25C0, s31;
	s15 =	simm.s32 $0x11200  }
0x34: {  	[tilespmem:s15], [sflag:$0x2] =	stream.indirect.gather [hbm4b:s12+s18], $0x40, s7, s18, $0xb8;
	[tilespmem:$0x15200] =	vst v63  }
0x35: {  	s7 =	sadd.s32 $0x2C00, s31;
	s15 =	simm.s32 $0x12200  }
0x36: {  	[tilespmem:s15], [sflag:$0x2] =	stream.indirect.gather [hbm4b:s14+s18], $0x40, s7, s18, $0xb8;
	[tilespmem:$0x15200] =	vst v63  }
0x37: {  	_ =	swait.ge [sflag:s16], $0x1000  }
0x38: {  	[sflag:s16] =	ssyncset.done $0x0  }
0x39: {  	[sflag:s16] =	ssyncadd.s32 $0xFFFFF000  }
0x3a: {  	_ =	swait.ge [sflag:s16], $0x1000  }
0x3b: {  	[sflag:s16] =	ssyncset.done $0x0  }
0x3c: {  	[sflag:s16] =	ssyncadd.s32 $0xFFFFF000  }
0x3d: {  	_ =	swait.ge [sflag:s16], $0x1000  }
0x3e: {  	[sflag:s16] =	ssyncset.done $0x0  }
0x3f: {  	[sflag:s16] =	ssyncadd.s32 $0xFFFFF000  }
0x40: {  	_ =	swait.ge [sflag:s16], $0x1000  }
0x41: {  	[sflag:s16] =	ssyncset.done $0x0  }
0x42: {  	[sflag:s16] =	ssyncadd.s32 $0xFFFFF000  }
0x43: {  	_ =	swait.ge [sflag:s16], $0x1000  }
0x44: {  	[sflag:s16] =	ssyncset.done $0x0  }
0x45: {  	[sflag:s16] =	ssyncadd.s32 $0xFFFFF000  }
0x46: {  	_ =	swait.ge [sflag:s16], $0x1000  }
0x47: {  	[sflag:s16] =	ssyncset.done $0x0  }
0x48: {  	[sflag:s16] =	ssyncadd.s32 $0xFFFFF000  }
0x49: {  	_ =	swait.ge [sflag:s16], $0x1000  }
0x4a: {  	[sflag:s16] =	ssyncset.done $0x0  }
0x4b: {  	[sflag:s16] =	ssyncadd.s32 $0xFFFFF000  }
0x4c: {  	_ =	swait.ge [sflag:s16], $0x1000  }
0x4d: {  	p0 =	seq.s32 s26, $0x0;
	[sflag:s16] =	ssyncset.done $0x0  }
0x4e: {  	s0 =	simm.s32 @!p0 $0x3;
	[sflag:s16] =	ssyncadd.s32 $0xFFFFF000  }
0x4f: {  	_ =	swait.ge @!p0 [sflag:s0], $0x1000  }
0x50: {  	[sflag:s0] =	ssyncset.done @!p0 $0x0  }
0x51: {  	[sflag:s0] =	ssyncadd.s32 @!p0 $0xFFFFF000;
	s0 =	simm.s32 $0x0  }
0x52: {  	v0 =	vld [tilespmem:s0+$0x3230]  }
0x53: {  	v1 =	vld [tilespmem:s0+$0x4230]  }
0x54: {  	v2 =	vld [tilespmem:s0+$0x3200]  }
0x55: {  	v3 =	vld [tilespmem:s0+$0x5230]  }
0x56: {  	v4 =	vld [tilespmem:s0+$0x4200]  }
0x57: {  	v5 =	vld [tilespmem:s0+$0x6230]  }
0x58: {  	v6 =	vld [tilespmem:s0+$0x3210]  }
0x59: {  	v7 =	vld [tilespmem:s0+$0x4210]  }
0x5a: {  	v8 =	vld [tilespmem:s0+$0x3220]  }
0x5b: {  	v9 =	vld [tilespmem:s0+$0x4220];
	v0 =	vadd.f32 v1, v0  }
0x5c: {  	v1 =	vld [tilespmem:s0+$0x7230]  }
0x5d: {  	v10 =	vld [tilespmem:s0+$0x5200];
	v0 =	vadd.f32 v3, v0  }
0x5e: {  	v3 =	vld [tilespmem:s0+$0x8230]  }
0x5f: {  	v11 =	vld [tilespmem:s0+$0x5220];
	v0 =	vadd.f32 v5, v0  }
0x60: {  	v5 =	vld [tilespmem:s0+$0x9230]  }
0x61: {  	v12 =	vld [tilespmem:s0+$0x6210];
	v0 =	vadd.f32 v1, v0  }
0x62: {  	v1 =	vld [tilespmem:s0+$0xA230]  }
0x63: {  	v13 =	vld [tilespmem:s0+$0x7200];
	v0 =	vadd.f32 v3, v0  }
0x64: {  	v62 =	vld [tilespmem:s0+$0x8220]  }
0x65: {  	v3 =	vld [tilespmem:s0+$0x5210];
	v0 =	vadd.f32 v5, v0  }
0x66: {  	v2 =	vadd.f32 v4, v2;
	v4 =	vadd.f32 v7, v6;
	v6 =	vld [tilespmem:s0+$0x7220]  }
0x67: {  	v5 =	vld [tilespmem:s0+$0x6200];
	v0 =	vadd.f32 v1, v0  }
0x68: {  	v1 =	vld [tilespmem:s0+$0x6220]  }
0x69: {  	v7 =	vadd.f32 v9, v8;
	[tilespmem:s0+$0x13230] =	vst v0;
	v0 =	vld [tilespmem:s0+$0x7210]  }
0x6a: {  	v8 =	vld [tilespmem:s0+$0x8200];
	v2 =	vadd.f32 v10, v2;
	v3 =	vadd.f32 v3, v4  }
0x6b: {  	v7 =	vadd.f32 v11, v7;
	v4 =	vld [tilespmem:s0+$0x8210]  }
0x6c: {  	v63 =	vld [tilespmem:s0+$0x9200];
	v2 =	vadd.f32 v5, v2;
	v3 =	vadd.f32 v12, v3  }
0x6d: {  	v5 =	vadd.f32 v1, v7;
	v7 =	vld [tilespmem:s0+$0x9210]  }
0x6e: {  	v2 =	vadd.f32 v13, v2;
	v1 =	vld [tilespmem:s0+$0x9220];
	v0 =	vadd.f32 v0, v3  }
0x6f: {  	v5 =	vadd.f32 v6, v5;
	v3 =	vld [tilespmem:s0+$0xA200]  }
0x70: {  	v6 =	vadd.f32 v8, v2;
	v2 =	vld [tilespmem:s0+$0xA210];
	v8 =	vadd.f32 v4, v0  }
0x71: {  	s7 =	simm.s32 $0x40;
	v5 =	vadd.f32 v62, v5;
	v4 =	vld [tilespmem:s0+$0xA220]  }
0x72: {  	s15 =	simm.s32 $0x200;
	v6 =	vadd.f32 v63, v6;
	v0 =	vld [tilespmem:s7+$0x3230];
	v7 =	vadd.f32 v7, v8  }
.LBB2_3:
0x73: {  	p1 =	sne.s32 s15, $0x3F00;
	v8 =	vld [tilespmem:s7+$0x4230];
	v1 =	vadd.f32 v1, v5  }
0x74: {  	v5 =	vld [tilespmem:s7+$0x3200];
	v3 =	vadd.f32 v3, v6  }
0x75: {  	v6 =	vld [tilespmem:s7+$0x5230];
	v2 =	vadd.f32 v2, v7  }
0x76: {  	v7 =	vld [tilespmem:s7+$0x4200];
	[tilespmem:s0+$0x13200] =	vst v3;
	v1 =	vadd.f32 v4, v1  }
0x77: {  	v3 =	vld [tilespmem:s7+$0x6230];
	[tilespmem:s0+$0x13210] =	vst v2  }
0x78: {  	v2 =	vld [tilespmem:s7+$0x3210];
	v0 =	vadd.f32 v8, v0;
	[tilespmem:s0+$0x13220] =	vst v1;
	s0 =	smov.u32 s7  }
0x79: {  	v1 =	vld [tilespmem:s0+$0x7230]  }
0x7a: {  	v4 =	vld [tilespmem:s0+$0x4210];
	v0 =	vadd.f32 v6, v0  }
0x7b: {  	v5 =	vadd.f32 v7, v5;
	v6 =	vld [tilespmem:s0+$0x8230]  }
0x7c: {  	v7 =	vld [tilespmem:s0+$0x3220];
	v0 =	vadd.f32 v3, v0  }
0x7d: {  	v3 =	vld [tilespmem:s0+$0x9230]  }
0x7e: {  	v8 =	vld [tilespmem:s0+$0x4220];
	v0 =	vadd.f32 v1, v0  }
0x7f: {  	v1 =	vadd.f32 v4, v2;
	v2 =	vld [tilespmem:s0+$0xA230]  }
0x80: {  	v4 =	vld [tilespmem:s0+$0x5200];
	v0 =	vadd.f32 v6, v0  }
0x81: {  	v6 =	vld [tilespmem:s0+$0x5210]  }
0x82: {  	v9 =	vld [tilespmem:s0+$0x5220];
	v0 =	vadd.f32 v3, v0  }
0x83: {  	v3 =	vld [tilespmem:s0+$0x6200];
	v7 =	vadd.f32 v8, v7  }
0x84: {  	v8 =	vld [tilespmem:s0+$0x6210];
	v0 =	vadd.f32 v2, v0  }
0x85: {  	v2 =	vadd.f32 v4, v5;
	v4 =	vld [tilespmem:s0+$0x6220]  }
0x86: {  	v5 =	vld [tilespmem:s0+$0x7200];
	v1 =	vadd.f32 v6, v1;
	[tilespmem:s0+$0x13230] =	vst v0  }
0x87: {  	v0 =	vld [tilespmem:s0+$0x7210];
	v6 =	vadd.f32 v9, v7  }
0x88: {  	v2 =	vadd.f32 v3, v2;
	v3 =	vld [tilespmem:s0+$0x7220]  }
0x89: {  	v7 =	vld [tilespmem:s0+$0x8200];
	v1 =	vadd.f32 v8, v1  }
0x8a: {  	v8 =	vld [tilespmem:s0+$0x8210];
	v4 =	vadd.f32 v4, v6  }
0x8b: {  	v2 =	vadd.f32 v5, v2;
	v5 =	vld [tilespmem:s0+$0x8220]  }
0x8c: {  	v6 =	vld [tilespmem:s0+$0x9200];
	v0 =	vadd.f32 v0, v1  }
0x8d: {  	v9 =	vld [tilespmem:s0+$0x9210];
	v4 =	vadd.f32 v3, v4  }
.Ltmp0:
0x8e: {  	v7 =	vadd.f32 v7, v2;
	v1 =	vld [tilespmem:s0+$0x9220];
	(pc) =	sbr.rel @p1 .LBB2_3-.Ltmp0, $4  }
0x8f: {  	v3 =	vld [tilespmem:s0+$0xA200];
	v8 =	vadd.f32 v8, v0  }
0x90: {  	v2 =	vld [tilespmem:s0+$0xA210];
	v5 =	vadd.f32 v5, v4  }
0x91: {  	s7 =	sshra.s32 s15, $0x2;
	v6 =	vadd.f32 v6, v7;
	v4 =	vld [tilespmem:s0+$0xA220]  }
0x92: {  	s15 =	sadd.s32 $0x100, s15;
	v0 =	vld [tilespmem:s7+$0x3230];
	v7 =	vadd.f32 v9, v8  }
0x93: {  	v8 =	vld [tilespmem:s7+$0x4230]  }
0x94: {  	v9 =	vld [tilespmem:s7+$0x3200];
	v1 =	vadd.f32 v1, v5;
	v3 =	vadd.f32 v3, v6  }
0x95: {  	v10 =	vld [tilespmem:s7+$0x4200];
	v2 =	vadd.f32 v2, v7  }
0x96: {  	v6 =	vld [tilespmem:s7+$0x5230];
	[tilespmem:s0+$0x13200] =	vst v3;
	v1 =	vadd.f32 v4, v1  }
0x97: {  	v3 =	vld [tilespmem:s7+$0x6230];
	[tilespmem:s0+$0x13210] =	vst v2  }
0x98: {  	v2 =	vld [tilespmem:s7+$0x3210];
	[tilespmem:s0+$0x13220] =	vst v1  }
0x99: {  	v1 =	vld [tilespmem:s7+$0x7230]  }
0x9a: {  	v4 =	vld [tilespmem:s7+$0x4210]  }
0x9b: {  	v5 =	vld [tilespmem:s7+$0x8230]  }
0x9c: {  	v0 =	vadd.f32 v8, v0;
	v7 =	vld [tilespmem:s7+$0x4220]  }
0x9d: {  	v8 =	vld [tilespmem:s7+$0x5200]  }
0x9e: {  	v11 =	vld [tilespmem:s7+$0x5220];
	v0 =	vadd.f32 v6, v0  }
0x9f: {  	v12 =	vld [tilespmem:s7+$0x6210]  }
0xa0: {  	v13 =	vld [tilespmem:s7+$0x7200];
	v0 =	vadd.f32 v3, v0  }
0xa1: {  	v3 =	vld [tilespmem:s7+$0x9230]  }
0xa2: {  	v55 =	vld [tilespmem:s7+$0x7220];
	v0 =	vadd.f32 v1, v0  }
0xa3: {  	v1 =	vld [tilespmem:s7+$0xA230]  }
0xa4: {  	v56 =	vld [tilespmem:s7+$0x9210];
	v0 =	vadd.f32 v5, v0  }
0xa5: {  	v6 =	vld [tilespmem:s7+$0x3220]  }
0xa6: {  	v5 =	vld [tilespmem:s7+$0x5210];
	v0 =	vadd.f32 v3, v0  }
0xa7: {  	v9 =	vadd.f32 v10, v9;
	v3 =	vld [tilespmem:s7+$0x6200]  }
0xa8: {  	v2 =	vadd.f32 v4, v2;
	v4 =	vld [tilespmem:s7+$0x8200];
	v0 =	vadd.f32 v1, v0  }
0xa9: {  	v1 =	vld [tilespmem:s7+$0x6220]  }
0xaa: {  	v6 =	vadd.f32 v7, v6;
	v7 =	vadd.f32 v8, v9;
	[tilespmem:s7+$0x13230] =	vst v0;
	v0 =	vld [tilespmem:s7+$0x7210]  }
0xab: {  	v8 =	vld [tilespmem:s7+$0x8210];
	v2 =	vadd.f32 v5, v2  }
0xac: {  	v6 =	vadd.f32 v11, v6;
	v5 =	vld [tilespmem:s7+$0x8220];
	v3 =	vadd.f32 v3, v7  }
0xad: {  	v7 =	vld [tilespmem:s7+$0x9200];
	v2 =	vadd.f32 v12, v2  }
0xae: {  	v1 =	vadd.f32 v1, v6;
	v3 =	vadd.f32 v13, v3;
	v6 =	vld [tilespmem:s7+$0x9220]  }
0xaf: {  	v0 =	vadd.f32 v0, v2;
	v2 =	vld [tilespmem:s7+$0xA200]  }
0xb0: {  	v1 =	vadd.f32 v55, v1;
	v3 =	vadd.f32 v4, v3;
	v4 =	vld [tilespmem:s7+$0xA210]  }
0xb1: {  	v0 =	vadd.f32 v8, v0;
	v8 =	vld [tilespmem:s7+$0xA220]  }
0xb2: {  	v1 =	vadd.f32 v5, v1;
	v3 =	vadd.f32 v7, v3  }
0xb3: {  	v0 =	vadd.f32 v56, v0  }
0xb4: {  	v1 =	vadd.f32 v6, v1;
	v2 =	vadd.f32 v2, v3  }
0xb5: {  	s15 =	sshll.u32 s26, $0xD;
	v0 =	vadd.f32 v4, v0  }
0xb6: {  	s0 =	sadd.s32 s6, s15;
	[tilespmem:s7+$0x13200] =	vst v2;
	v1 =	vadd.f32 v8, v1  }
0xb7: {  	s0 =	sshrl.u32 s0, $0x3;
	[tilespmem:s7+$0x13210] =	vst v0  }
0xb8: {  	s0 =	sadd.s32 s2, s0;
	[tilespmem:s7+$0x13220] =	vst v1  }
0xb9: {  	[hbm4b:s0+s3] =	stream.linear.scatter [tilespmem:s17], [sflag:$0x3], $0x1000, $0x38;
	[tilespmem:$0x15200] =	vst v63  }
0xba: {  	s15 =	sadd.s32 $0x80, s31  }
0xbb: {  	[tilespmem:s19], [sflag:$0x1] =	stream.indirect.gather [hbm4b:s5+s18], $0x40, s15, s18, $0xb8;
	[tilespmem:$0x15200] =	vst v63  }
0xbc: {  	s7 =	sadd.s32 $0x6C0, s31  }
0xbd: {  	[tilespmem:s21], [sflag:$0x1] =	stream.indirect.gather [hbm4b:s8+s18], $0x40, s7, s18, $0xb8;
	[tilespmem:$0x15200] =	vst v63  }
0xbe: {  	s15 =	sadd.s32 $0xD00, s31  }
0xbf: {  	[tilespmem:s23], [sflag:$0x1] =	stream.indirect.gather [hbm4b:s13+s18], $0x40, s15, s18, $0xb8;
	[tilespmem:$0x15200] =	vst v63  }
0xc0: {  	s7 =	sadd.s32 $0x1340, s31  }
0xc1: {  	[tilespmem:s25], [sflag:$0x1] =	stream.indirect.gather [hbm4b:s9+s18], $0x40, s7, s18, $0xb8;
	[tilespmem:$0x15200] =	vst v63  }
0xc2: {  	s15 =	sadd.s32 $0x1980, s31  }
0xc3: {  	[tilespmem:s28], [sflag:$0x1] =	stream.indirect.gather [hbm4b:s10+s18], $0x40, s15, s18, $0xb8;
	[tilespmem:$0x15200] =	vst v63  }
0xc4: {  	s7 =	sadd.s32 $0x1FC0, s31  }
0xc5: {  	[tilespmem:s30], [sflag:$0x1] =	stream.indirect.gather [hbm4b:s11+s18], $0x40, s7, s18, $0xb8;
	[tilespmem:$0x15200] =	vst v63  }
0xc6: {  	s15 =	sadd.s32 $0x2600, s31  }
0xc7: {  	[tilespmem:s1], [sflag:$0x1] =	stream.indirect.gather [hbm4b:s12+s18], $0x40, s15, s18, $0xb8;
	[tilespmem:$0x15200] =	vst v63  }
0xc8: {  	s31 =	sadd.s32 $0x2C40, s31  }
0xc9: {  	[tilespmem:s20], [sflag:$0x1] =	stream.indirect.gather [hbm4b:s14+s18], $0x40, s31, s18, $0xb8;
	[tilespmem:$0x15200] =	vst v63  }
0xca: {  	_ =	swait.ge [sflag:s22], $0x1000  }
0xcb: {  	[sflag:s22] =	ssyncset.done $0x0  }
0xcc: {  	[sflag:s22] =	ssyncadd.s32 $0xFFFFF000  }
0xcd: {  	_ =	swait.ge [sflag:s22], $0x1000  }
0xce: {  	[sflag:s22] =	ssyncset.done $0x0  }
0xcf: {  	[sflag:s22] =	ssyncadd.s32 $0xFFFFF000  }
0xd0: {  	_ =	swait.ge [sflag:s22], $0x1000  }
0xd1: {  	[sflag:s22] =	ssyncset.done $0x0  }
0xd2: {  	[sflag:s22] =	ssyncadd.s32 $0xFFFFF000  }
0xd3: {  	_ =	swait.ge [sflag:s22], $0x1000  }
0xd4: {  	[sflag:s22] =	ssyncset.done $0x0  }
0xd5: {  	[sflag:s22] =	ssyncadd.s32 $0xFFFFF000  }
0xd6: {  	_ =	swait.ge [sflag:s22], $0x1000  }
0xd7: {  	[sflag:s22] =	ssyncset.done $0x0  }
0xd8: {  	[sflag:s22] =	ssyncadd.s32 $0xFFFFF000  }
0xd9: {  	_ =	swait.ge [sflag:s22], $0x1000  }
0xda: {  	[sflag:s22] =	ssyncset.done $0x0  }
0xdb: {  	[sflag:s22] =	ssyncadd.s32 $0xFFFFF000  }
0xdc: {  	_ =	swait.ge [sflag:s22], $0x1000  }
0xdd: {  	[sflag:s22] =	ssyncset.done $0x0  }
0xde: {  	[sflag:s22] =	ssyncadd.s32 $0xFFFFF000  }
0xdf: {  	_ =	swait.ge [sflag:s22], $0x1000  }
0xe0: {  	[sflag:s22] =	ssyncset.done $0x0  }
0xe1: {  	s0 =	simm.s32 @!p0 $0x4;
	[sflag:s22] =	ssyncadd.s32 $0xFFFFF000  }
0xe2: {  	_ =	swait.ge @!p0 [sflag:s0], $0x1000  }
0xe3: {  	[sflag:s0] =	ssyncset.done @!p0 $0x0  }
0xe4: {  	[sflag:s0] =	ssyncadd.s32 @!p0 $0xFFFFF000;
	s0 =	simm.s32 $0x0  }
0xe5: {  	v0 =	vld [tilespmem:s0+$0xB230]  }
0xe6: {  	v1 =	vld [tilespmem:s0+$0xC230]  }
0xe7: {  	v2 =	vld [tilespmem:s0+$0xB200]  }
0xe8: {  	v3 =	vld [tilespmem:s0+$0xD230]  }
0xe9: {  	v4 =	vld [tilespmem:s0+$0xC200]  }
0xea: {  	v5 =	vld [tilespmem:s0+$0xE230]  }
0xeb: {  	v6 =	vld [tilespmem:s0+$0xB210]  }
0xec: {  	v7 =	vld [tilespmem:s0+$0xC210]  }
0xed: {  	v8 =	vld [tilespmem:s0+$0xB220]  }
0xee: {  	v57 =	vld [tilespmem:s0+$0xC220];
	v0 =	vadd.f32 v1, v0  }
0xef: {  	v1 =	vld [tilespmem:s0+$0xF230]  }
0xf0: {  	v58 =	vld [tilespmem:s0+$0xD200];
	v0 =	vadd.f32 v3, v0  }
0xf1: {  	v3 =	vld [tilespmem:s0+$0x10230]  }
0xf2: {  	v59 =	vld [tilespmem:s0+$0xD220];
	v0 =	vadd.f32 v5, v0  }
0xf3: {  	v5 =	vld [tilespmem:s0+$0x11230]  }
0xf4: {  	v60 =	vld [tilespmem:s0+$0xE210];
	v0 =	vadd.f32 v1, v0  }
0xf5: {  	v1 =	vld [tilespmem:s0+$0x12230]  }
0xf6: {  	v61 =	vld [tilespmem:s0+$0xF200];
	v0 =	vadd.f32 v3, v0  }
0xf7: {  	v62 =	vld [tilespmem:s0+$0x10220]  }
0xf8: {  	v3 =	vld [tilespmem:s0+$0xD210];
	v0 =	vadd.f32 v5, v0  }
0xf9: {  	v2 =	vadd.f32 v4, v2;
	v4 =	vadd.f32 v7, v6;
	v6 =	vld [tilespmem:s0+$0xF220]  }
0xfa: {  	v5 =	vld [tilespmem:s0+$0xE200];
	v0 =	vadd.f32 v1, v0  }
0xfb: {  	v1 =	vld [tilespmem:s0+$0xE220]  }
0xfc: {  	v7 =	vadd.f32 v57, v8;
	[tilespmem:s0+$0x14230] =	vst v0;
	v0 =	vld [tilespmem:s0+$0xF210]  }
0xfd: {  	v8 =	vld [tilespmem:s0+$0x10200];
	v2 =	vadd.f32 v58, v2;
	v3 =	vadd.f32 v3, v4  }
0xfe: {  	v7 =	vadd.f32 v59, v7;
	v4 =	vld [tilespmem:s0+$0x10210]  }
0xff: {  	v63 =	vld [tilespmem:s0+$0x11200];
	v2 =	vadd.f32 v5, v2;
	v3 =	vadd.f32 v60, v3  }
0x100: {  	v5 =	vadd.f32 v1, v7;
	v7 =	vld [tilespmem:s0+$0x11210]  }
0x101: {  	v2 =	vadd.f32 v61, v2;
	v1 =	vld [tilespmem:s0+$0x11220];
	v0 =	vadd.f32 v0, v3  }
0x102: {  	v5 =	vadd.f32 v6, v5;
	v3 =	vld [tilespmem:s0+$0x12200]  }
0x103: {  	v6 =	vadd.f32 v8, v2;
	v2 =	vld [tilespmem:s0+$0x12210];
	v8 =	vadd.f32 v4, v0  }
0x104: {  	s7 =	simm.s32 $0x40;
	v5 =	vadd.f32 v62, v5;
	v4 =	vld [tilespmem:s0+$0x12220]  }
0x105: {  	s15 =	simm.s32 $0x200;
	v6 =	vadd.f32 v63, v6;
	v0 =	vld [tilespmem:s7+$0xB230];
	v7 =	vadd.f32 v7, v8  }
.LBB2_5:
0x106: {  	p0 =	sne.s32 s15, $0x3F00;
	v8 =	vld [tilespmem:s7+$0xC230];
	v1 =	vadd.f32 v1, v5  }
0x107: {  	v5 =	vld [tilespmem:s7+$0xB200];
	v3 =	vadd.f32 v3, v6  }
0x108: {  	v6 =	vld [tilespmem:s7+$0xD230];
	v2 =	vadd.f32 v2, v7  }
0x109: {  	v7 =	vld [tilespmem:s7+$0xC200];
	[tilespmem:s0+$0x14200] =	vst v3;
	v1 =	vadd.f32 v4, v1  }
0x10a: {  	v3 =	vld [tilespmem:s7+$0xE230];
	[tilespmem:s0+$0x14210] =	vst v2  }
0x10b: {  	v2 =	vld [tilespmem:s7+$0xB210];
	v0 =	vadd.f32 v8, v0;
	[tilespmem:s0+$0x14220] =	vst v1;
	s0 =	smov.u32 s7  }
0x10c: {  	v1 =	vld [tilespmem:s0+$0xF230]  }
0x10d: {  	v4 =	vld [tilespmem:s0+$0xC210];
	v0 =	vadd.f32 v6, v0  }
0x10e: {  	v5 =	vadd.f32 v7, v5;
	v6 =	vld [tilespmem:s0+$0x10230]  }
0x10f: {  	v7 =	vld [tilespmem:s0+$0xB220];
	v0 =	vadd.f32 v3, v0  }
0x110: {  	v3 =	vld [tilespmem:s0+$0x11230]  }
0x111: {  	v8 =	vld [tilespmem:s0+$0xC220];
	v0 =	vadd.f32 v1, v0  }
0x112: {  	v1 =	vadd.f32 v4, v2;
	v2 =	vld [tilespmem:s0+$0x12230]  }
0x113: {  	v4 =	vld [tilespmem:s0+$0xD200];
	v0 =	vadd.f32 v6, v0  }
0x114: {  	v6 =	vld [tilespmem:s0+$0xD210]  }
0x115: {  	v9 =	vld [tilespmem:s0+$0xD220];
	v0 =	vadd.f32 v3, v0  }
0x116: {  	v3 =	vld [tilespmem:s0+$0xE200];
	v7 =	vadd.f32 v8, v7  }
0x117: {  	v8 =	vld [tilespmem:s0+$0xE210];
	v0 =	vadd.f32 v2, v0  }
0x118: {  	v2 =	vadd.f32 v4, v5;
	v4 =	vld [tilespmem:s0+$0xE220]  }
0x119: {  	v5 =	vld [tilespmem:s0+$0xF200];
	v1 =	vadd.f32 v6, v1;
	[tilespmem:s0+$0x14230] =	vst v0  }
0x11a: {  	v0 =	vld [tilespmem:s0+$0xF210];
	v6 =	vadd.f32 v9, v7  }
0x11b: {  	v2 =	vadd.f32 v3, v2;
	v3 =	vld [tilespmem:s0+$0xF220]  }
0x11c: {  	v7 =	vld [tilespmem:s0+$0x10200];
	v1 =	vadd.f32 v8, v1  }
0x11d: {  	v8 =	vld [tilespmem:s0+$0x10210];
	v4 =	vadd.f32 v4, v6  }
0x11e: {  	v2 =	vadd.f32 v5, v2;
	v5 =	vld [tilespmem:s0+$0x10220]  }
0x11f: {  	v6 =	vld [tilespmem:s0+$0x11200];
	v0 =	vadd.f32 v0, v1  }
0x120: {  	v9 =	vld [tilespmem:s0+$0x11210];
	v4 =	vadd.f32 v3, v4  }
.Ltmp1:
0x121: {  	v7 =	vadd.f32 v7, v2;
	v1 =	vld [tilespmem:s0+$0x11220];
	(pc) =	sbr.rel @p0 .LBB2_5-.Ltmp1, $4  }
0x122: {  	v3 =	vld [tilespmem:s0+$0x12200];
	v8 =	vadd.f32 v8, v0  }
0x123: {  	v2 =	vld [tilespmem:s0+$0x12210];
	v5 =	vadd.f32 v5, v4  }
0x124: {  	s7 =	sshra.s32 s15, $0x2;
	v6 =	vadd.f32 v6, v7;
	v4 =	vld [tilespmem:s0+$0x12220]  }
0x125: {  	s15 =	sadd.s32 $0x100, s15;
	v0 =	vld [tilespmem:s7+$0xB230];
	v7 =	vadd.f32 v9, v8  }
0x126: {  	v8 =	vld [tilespmem:s7+$0xC230]  }
0x127: {  	v9 =	vld [tilespmem:s7+$0xB200];
	v1 =	vadd.f32 v1, v5;
	v3 =	vadd.f32 v3, v6  }
0x128: {  	v41 =	vld [tilespmem:s7+$0xD230];
	v2 =	vadd.f32 v2, v7  }
0x129: {  	v10 =	vld [tilespmem:s7+$0xC200];
	[tilespmem:s0+$0x14200] =	vst v3;
	v1 =	vadd.f32 v4, v1  }
0x12a: {  	v3 =	vld [tilespmem:s7+$0xE230];
	[tilespmem:s0+$0x14210] =	vst v2  }
0x12b: {  	v2 =	vld [tilespmem:s7+$0xB210];
	[tilespmem:s0+$0x14220] =	vst v1  }
0x12c: {  	v1 =	vld [tilespmem:s7+$0xF230]  }
0x12d: {  	v42 =	vld [tilespmem:s7+$0xC210]  }
0x12e: {  	v43 =	vld [tilespmem:s7+$0x10230]  }
0x12f: {  	v44 =	vld [tilespmem:s7+$0xB220]  }
0x130: {  	v45 =	vld [tilespmem:s7+$0x11230]  }
0x131: {  	v46 =	vld [tilespmem:s7+$0xC220]  }
0x132: {  	v47 =	vld [tilespmem:s7+$0x12230]  }
0x133: {  	v48 =	vld [tilespmem:s7+$0xD200]  }
0x134: {  	v49 =	vld [tilespmem:s7+$0xD210]  }
0x135: {  	v0 =	vadd.f32 v8, v0;
	v11 =	vld [tilespmem:s7+$0xD220]  }
0x136: {  	v50 =	vld [tilespmem:s7+$0xE200]  }
0x137: {  	v12 =	vld [tilespmem:s7+$0xE210];
	v0 =	vadd.f32 v41, v0  }
0x138: {  	v51 =	vld [tilespmem:s7+$0xE220]  }
0x139: {  	v13 =	vld [tilespmem:s7+$0xF200];
	v0 =	vadd.f32 v3, v0  }
0x13a: {  	v52 =	vld [tilespmem:s7+$0xF210]  }
0x13b: {  	v9 =	vadd.f32 v10, v9;
	v53 =	vld [tilespmem:s7+$0xF220];
	v0 =	vadd.f32 v1, v0  }
0x13c: {  	v54 =	vld [tilespmem:s7+$0x10200];
	v2 =	vadd.f32 v42, v2;
	v6 =	vadd.f32 v46, v44  }
0x13d: {  	v56 =	vld [tilespmem:s7+$0x10210];
	v55 =	vadd.f32 v48, v9;
	v0 =	vadd.f32 v43, v0  }
0x13e: {  	v57 =	vld [tilespmem:s7+$0x10220];
	v2 =	vadd.f32 v49, v2;
	v6 =	vadd.f32 v11, v6  }
0x13f: {  	v58 =	vld [tilespmem:s7+$0x11200];
	v3 =	vadd.f32 v50, v55;
	v0 =	vadd.f32 v45, v0  }
0x140: {  	v59 =	vld [tilespmem:s7+$0x11210];
	v2 =	vadd.f32 v12, v2;
	v1 =	vadd.f32 v51, v6  }
0x141: {  	v60 =	vld [tilespmem:s7+$0x11220];
	v3 =	vadd.f32 v13, v3;
	v0 =	vadd.f32 v47, v0  }
0x142: {  	v61 =	vld [tilespmem:s7+$0x12200];
	v1 =	vadd.f32 v53, v1  }
0x143: {  	v63 =	vld [tilespmem:s7+$0x12220];
	v3 =	vadd.f32 v54, v3;
	[tilespmem:s7+$0x14230] =	vst v0;
	v0 =	vadd.f32 v52, v2  }
0x144: {  	v62 =	vld [tilespmem:s7+$0x12210];
	v1 =	vadd.f32 v57, v1  }
0x145: {  	v3 =	vadd.f32 v58, v3;
	v0 =	vadd.f32 v56, v0  }
0x146: {  	s26 =	sadd.s32 $0x1, s26;
	v1 =	vadd.f32 v60, v1  }
0x147: {  	p0 =	sne.s32 s26, $0xC;
	v2 =	vadd.f32 v61, v3;
	v0 =	vadd.f32 v59, v0  }
.Ltmp2:
0x148: {  	s31 =	sadd.s32 s4, s29;
	v1 =	vadd.f32 v63, v1;
	(pc) =	sbr.rel @p0 .LBB2_2-.Ltmp2, $4  }
0x149: {  	s0 =	sshll.u32 s31, $0x3;
	[tilespmem:s7+$0x14200] =	vst v2;
	v0 =	vadd.f32 v62, v0  }
0x14a: {  	s0 =	sand.u32 $0x1FFFFE00, s0;
	[tilespmem:s7+$0x14220] =	vst v1  }
0x14b: {  	s0 =	sadd.s32 s2, s0;
	[tilespmem:s7+$0x14210] =	vst v0  }
0x14c: {  	[hbm4b:s0+s3] =	stream.linear.scatter [tilespmem:s24], [sflag:$0x4], $0x1000, $0x38;
	[tilespmem:$0x15200] =	vst v63  }
0x14d: {  	_ =	swait.ge [sflag:s16], $0x1000  }
0x14e: {  	[sflag:s16] =	ssyncset.done $0x0  }
0x14f: {  	[sflag:s16] =	ssyncadd.s32 $0xFFFFF000  }
0x150: {  	_ =	swait.ge [sflag:s16], $0x1000  }
0x151: {  	[sflag:s16] =	ssyncset.done $0x0  }
0x152: {  	[sflag:s16] =	ssyncadd.s32 $0xFFFFF000  }
0x153: {  	_ =	swait.ge [sflag:s16], $0x1000  }
0x154: {  	[sflag:s16] =	ssyncset.done $0x0  }
0x155: {  	[sflag:s16] =	ssyncadd.s32 $0xFFFFF000  }
0x156: {  	_ =	swait.ge [sflag:s16], $0x1000  }
0x157: {  	[sflag:s16] =	ssyncset.done $0x0  }
0x158: {  	[sflag:s16] =	ssyncadd.s32 $0xFFFFF000  }
0x159: {  	_ =	swait.ge [sflag:s16], $0x1000  }
0x15a: {  	[sflag:s16] =	ssyncset.done $0x0  }
0x15b: {  	[sflag:s16] =	ssyncadd.s32 $0xFFFFF000  }
0x15c: {  	_ =	swait.ge [sflag:s16], $0x1000  }
0x15d: {  	[sflag:s16] =	ssyncset.done $0x0  }
0x15e: {  	[sflag:s16] =	ssyncadd.s32 $0xFFFFF000  }
0x15f: {  	_ =	swait.ge [sflag:s16], $0x1000  }
0x160: {  	[sflag:s16] =	ssyncset.done $0x0  }
0x161: {  	[sflag:s16] =	ssyncadd.s32 $0xFFFFF000  }
0x162: {  	_ =	swait.ge [sflag:s16], $0x1000  }
0x163: {  	[sflag:s16] =	ssyncset.done $0x0  }
0x164: {  	s26 =	simm.s32 $0x3;
	[sflag:s16] =	ssyncadd.s32 $0xFFFFF000  }
0x165: {  	_ =	swait.ge [sflag:s26], $0x1000  }
0x166: {  	[sflag:s26] =	ssyncset.done $0x0  }
0x167: {  	s0 =	simm.s32 $0x0;
	[sflag:s26] =	ssyncadd.s32 $0xFFFFF000  }
0x168: {  	v0 =	vld [tilespmem:s0+$0x3230]  }
0x169: {  	v1 =	vld [tilespmem:s0+$0x4230]  }
0x16a: {  	v2 =	vld [tilespmem:s0+$0x3200]  }
0x16b: {  	v3 =	vld [tilespmem:s0+$0x5230]  }
0x16c: {  	v4 =	vld [tilespmem:s0+$0x4200]  }
0x16d: {  	v5 =	vld [tilespmem:s0+$0x6230]  }
0x16e: {  	v6 =	vld [tilespmem:s0+$0x3210]  }
0x16f: {  	v7 =	vld [tilespmem:s0+$0x4210]  }
0x170: {  	v8 =	vld [tilespmem:s0+$0x3220]  }
0x171: {  	v9 =	vld [tilespmem:s0+$0x4220];
	v0 =	vadd.f32 v1, v0  }
0x172: {  	v1 =	vld [tilespmem:s0+$0x7230]  }
0x173: {  	v10 =	vld [tilespmem:s0+$0x5200];
	v0 =	vadd.f32 v3, v0  }
0x174: {  	v3 =	vld [tilespmem:s0+$0x8230]  }
0x175: {  	v11 =	vld [tilespmem:s0+$0x5220];
	v0 =	vadd.f32 v5, v0  }
0x176: {  	v5 =	vld [tilespmem:s0+$0x9230]  }
0x177: {  	v12 =	vld [tilespmem:s0+$0x6210];
	v0 =	vadd.f32 v1, v0  }
0x178: {  	v1 =	vld [tilespmem:s0+$0xA230]  }
0x179: {  	v13 =	vld [tilespmem:s0+$0x7200];
	v0 =	vadd.f32 v3, v0  }
0x17a: {  	v62 =	vld [tilespmem:s0+$0x8220]  }
0x17b: {  	v3 =	vld [tilespmem:s0+$0x5210];
	v0 =	vadd.f32 v5, v0  }
0x17c: {  	v2 =	vadd.f32 v4, v2;
	v4 =	vadd.f32 v7, v6;
	v6 =	vld [tilespmem:s0+$0x7220]  }
0x17d: {  	v5 =	vld [tilespmem:s0+$0x6200];
	v0 =	vadd.f32 v1, v0  }
0x17e: {  	v1 =	vld [tilespmem:s0+$0x6220]  }
0x17f: {  	v7 =	vadd.f32 v9, v8;
	[tilespmem:s0+$0x13230] =	vst v0;
	v0 =	vld [tilespmem:s0+$0x7210]  }
0x180: {  	v8 =	vld [tilespmem:s0+$0x8200];
	v2 =	vadd.f32 v10, v2;
	v3 =	vadd.f32 v3, v4  }
0x181: {  	v7 =	vadd.f32 v11, v7;
	v4 =	vld [tilespmem:s0+$0x8210]  }
0x182: {  	v63 =	vld [tilespmem:s0+$0x9200];
	v2 =	vadd.f32 v5, v2;
	v3 =	vadd.f32 v12, v3  }
0x183: {  	v5 =	vadd.f32 v1, v7;
	v7 =	vld [tilespmem:s0+$0x9210]  }
0x184: {  	v2 =	vadd.f32 v13, v2;
	v1 =	vld [tilespmem:s0+$0x9220];
	v0 =	vadd.f32 v0, v3  }
0x185: {  	v5 =	vadd.f32 v6, v5;
	v3 =	vld [tilespmem:s0+$0xA200]  }
0x186: {  	v6 =	vadd.f32 v8, v2;
	v2 =	vld [tilespmem:s0+$0xA210];
	v8 =	vadd.f32 v4, v0  }
0x187: {  	s7 =	simm.s32 $0x40;
	v5 =	vadd.f32 v62, v5;
	v4 =	vld [tilespmem:s0+$0xA220]  }
0x188: {  	s15 =	simm.s32 $0x200;
	v6 =	vadd.f32 v63, v6;
	v0 =	vld [tilespmem:s7+$0x3230];
	v7 =	vadd.f32 v7, v8  }
.LBB2_8:
0x189: {  	p0 =	sne.s32 s15, $0x3F00;
	v8 =	vld [tilespmem:s7+$0x4230];
	v1 =	vadd.f32 v1, v5  }
0x18a: {  	v5 =	vld [tilespmem:s7+$0x3200];
	v3 =	vadd.f32 v3, v6  }
0x18b: {  	v6 =	vld [tilespmem:s7+$0x5230];
	v2 =	vadd.f32 v2, v7  }
0x18c: {  	v7 =	vld [tilespmem:s7+$0x4200];
	[tilespmem:s0+$0x13200] =	vst v3;
	v1 =	vadd.f32 v4, v1  }
0x18d: {  	v3 =	vld [tilespmem:s7+$0x6230];
	[tilespmem:s0+$0x13210] =	vst v2  }
0x18e: {  	v2 =	vld [tilespmem:s7+$0x3210];
	v0 =	vadd.f32 v8, v0;
	[tilespmem:s0+$0x13220] =	vst v1;
	s0 =	smov.u32 s7  }
0x18f: {  	v1 =	vld [tilespmem:s0+$0x7230]  }
0x190: {  	v4 =	vld [tilespmem:s0+$0x4210];
	v0 =	vadd.f32 v6, v0  }
0x191: {  	v5 =	vadd.f32 v7, v5;
	v6 =	vld [tilespmem:s0+$0x8230]  }
0x192: {  	v7 =	vld [tilespmem:s0+$0x3220];
	v0 =	vadd.f32 v3, v0  }
0x193: {  	v3 =	vld [tilespmem:s0+$0x9230]  }
0x194: {  	v8 =	vld [tilespmem:s0+$0x4220];
	v0 =	vadd.f32 v1, v0  }
0x195: {  	v1 =	vadd.f32 v4, v2;
	v2 =	vld [tilespmem:s0+$0xA230]  }
0x196: {  	v4 =	vld [tilespmem:s0+$0x5200];
	v0 =	vadd.f32 v6, v0  }
0x197: {  	v6 =	vld [tilespmem:s0+$0x5210]  }
0x198: {  	v9 =	vld [tilespmem:s0+$0x5220];
	v0 =	vadd.f32 v3, v0  }
0x199: {  	v3 =	vld [tilespmem:s0+$0x6200];
	v7 =	vadd.f32 v8, v7  }
0x19a: {  	v8 =	vld [tilespmem:s0+$0x6210];
	v0 =	vadd.f32 v2, v0  }
0x19b: {  	v2 =	vadd.f32 v4, v5;
	v4 =	vld [tilespmem:s0+$0x6220]  }
0x19c: {  	v5 =	vld [tilespmem:s0+$0x7200];
	v1 =	vadd.f32 v6, v1;
	[tilespmem:s0+$0x13230] =	vst v0  }
0x19d: {  	v0 =	vld [tilespmem:s0+$0x7210];
	v6 =	vadd.f32 v9, v7  }
0x19e: {  	v2 =	vadd.f32 v3, v2;
	v3 =	vld [tilespmem:s0+$0x7220]  }
0x19f: {  	v7 =	vld [tilespmem:s0+$0x8200];
	v1 =	vadd.f32 v8, v1  }
0x1a0: {  	v8 =	vld [tilespmem:s0+$0x8210];
	v4 =	vadd.f32 v4, v6  }
0x1a1: {  	v2 =	vadd.f32 v5, v2;
	v5 =	vld [tilespmem:s0+$0x8220]  }
0x1a2: {  	v6 =	vld [tilespmem:s0+$0x9200];
	v0 =	vadd.f32 v0, v1  }
0x1a3: {  	v9 =	vld [tilespmem:s0+$0x9210];
	v4 =	vadd.f32 v3, v4  }
.Ltmp3:
0x1a4: {  	v7 =	vadd.f32 v7, v2;
	v1 =	vld [tilespmem:s0+$0x9220];
	(pc) =	sbr.rel @p0 .LBB2_8-.Ltmp3, $4  }
0x1a5: {  	v3 =	vld [tilespmem:s0+$0xA200];
	v8 =	vadd.f32 v8, v0  }
0x1a6: {  	v2 =	vld [tilespmem:s0+$0xA210];
	v5 =	vadd.f32 v5, v4  }
0x1a7: {  	s7 =	sshra.s32 s15, $0x2;
	v6 =	vadd.f32 v6, v7;
	v4 =	vld [tilespmem:s0+$0xA220]  }
0x1a8: {  	s15 =	sadd.s32 $0x100, s15;
	v0 =	vld [tilespmem:s7+$0x3230];
	v7 =	vadd.f32 v9, v8  }
0x1a9: {  	v8 =	vld [tilespmem:s7+$0x4230]  }
0x1aa: {  	v9 =	vld [tilespmem:s7+$0x3200];
	v1 =	vadd.f32 v1, v5;
	v3 =	vadd.f32 v3, v6  }
0x1ab: {  	v41 =	vld [tilespmem:s7+$0x5230];
	v2 =	vadd.f32 v2, v7  }
0x1ac: {  	v10 =	vld [tilespmem:s7+$0x4200];
	[tilespmem:s0+$0x13200] =	vst v3;
	v1 =	vadd.f32 v4, v1  }
0x1ad: {  	v3 =	vld [tilespmem:s7+$0x6230];
	[tilespmem:s0+$0x13210] =	vst v2  }
0x1ae: {  	v2 =	vld [tilespmem:s7+$0x3210];
	[tilespmem:s0+$0x13220] =	vst v1  }
0x1af: {  	v1 =	vld [tilespmem:s7+$0x7230]  }
0x1b0: {  	v42 =	vld [tilespmem:s7+$0x4210]  }
0x1b1: {  	v43 =	vld [tilespmem:s7+$0x8230]  }
0x1b2: {  	v44 =	vld [tilespmem:s7+$0x3220]  }
0x1b3: {  	v45 =	vld [tilespmem:s7+$0x9230]  }
0x1b4: {  	v46 =	vld [tilespmem:s7+$0x4220]  }
0x1b5: {  	v47 =	vld [tilespmem:s7+$0xA230]  }
0x1b6: {  	v48 =	vld [tilespmem:s7+$0x5200]  }
0x1b7: {  	v49 =	vld [tilespmem:s7+$0x5210]  }
0x1b8: {  	v0 =	vadd.f32 v8, v0;
	v11 =	vld [tilespmem:s7+$0x5220]  }
0x1b9: {  	v50 =	vld [tilespmem:s7+$0x6200]  }
0x1ba: {  	v12 =	vld [tilespmem:s7+$0x6210];
	v0 =	vadd.f32 v41, v0  }
0x1bb: {  	v51 =	vld [tilespmem:s7+$0x6220]  }
0x1bc: {  	v13 =	vld [tilespmem:s7+$0x7200];
	v0 =	vadd.f32 v3, v0  }
0x1bd: {  	v52 =	vld [tilespmem:s7+$0x7210]  }
0x1be: {  	v9 =	vadd.f32 v10, v9;
	v53 =	vld [tilespmem:s7+$0x7220];
	v0 =	vadd.f32 v1, v0  }
0x1bf: {  	v54 =	vld [tilespmem:s7+$0x8200];
	v2 =	vadd.f32 v42, v2;
	v6 =	vadd.f32 v46, v44  }
0x1c0: {  	v56 =	vld [tilespmem:s7+$0x8210];
	v55 =	vadd.f32 v48, v9;
	v0 =	vadd.f32 v43, v0  }
0x1c1: {  	v57 =	vld [tilespmem:s7+$0x8220];
	v2 =	vadd.f32 v49, v2;
	v6 =	vadd.f32 v11, v6  }
0x1c2: {  	v58 =	vld [tilespmem:s7+$0x9200];
	v3 =	vadd.f32 v50, v55;
	v0 =	vadd.f32 v45, v0  }
0x1c3: {  	v59 =	vld [tilespmem:s7+$0x9210];
	v2 =	vadd.f32 v12, v2;
	v1 =	vadd.f32 v51, v6  }
0x1c4: {  	v60 =	vld [tilespmem:s7+$0x9220];
	v3 =	vadd.f32 v13, v3;
	v0 =	vadd.f32 v47, v0  }
0x1c5: {  	v61 =	vld [tilespmem:s7+$0xA200];
	v1 =	vadd.f32 v53, v1  }
0x1c6: {  	v63 =	vld [tilespmem:s7+$0xA220];
	v3 =	vadd.f32 v54, v3;
	[tilespmem:s7+$0x13230] =	vst v0;
	v0 =	vadd.f32 v52, v2  }
0x1c7: {  	v62 =	vld [tilespmem:s7+$0xA210];
	v1 =	vadd.f32 v57, v1  }
0x1c8: {  	v3 =	vadd.f32 v58, v3;
	v0 =	vadd.f32 v56, v0  }
0x1c9: {  	v1 =	vadd.f32 v60, v1  }
0x1ca: {  	v2 =	vadd.f32 v61, v3;
	v0 =	vadd.f32 v59, v0  }
0x1cb: {  	v1 =	vadd.f32 v63, v1  }
0x1cc: {  	[tilespmem:s7+$0x13200] =	vst v2;
	v0 =	vadd.f32 v62, v0  }
0x1cd: {  	[tilespmem:s7+$0x13220] =	vst v1  }
0x1ce: {  	s15 =	simm.s32 $0x4;
	[tilespmem:s7+$0x13210] =	vst v0;
	s7 =	rddreg [dreg:$0x4]  }
0x1cf: {  	[hbm4b:s7+s3] =	stream.linear.scatter [tilespmem:s17], [sflag:$0x3], $0x1000, $0x38;
	[tilespmem:$0x15200] =	vst v63  }
0x1d0: {  	_ =	swait.ge [sflag:s15], $0x1000  }
0x1d1: {  	[sflag:s15] =	ssyncset.done $0x0  }
0x1d2: {  	[sflag:s15] =	ssyncadd.s32 $0xFFFFF000  }
0x1d3: {  	_ =	swait.ge [sflag:s26], $0x1000  }
0x1d4: {  	s29 =	rddreg [dreg:$0x6]  }
0x1d5: {  	s31 =	rddreg [dreg:$0x5];
	s7 =	sadd.s32 $0x1, s29  }
0x1d6: {  	p0 =	sne.s32 s7, s31  }
.Ltmp4:
0x1d7: {  	_ = 	snop;
	(pc) =	sbr.rel @p0 .LBB2_1-.Ltmp4, $3  }
0x1d8: {  	_ =	sdelay $0x1  }
0x1d9: {  	[sflag:s26] =	ssyncset.done $0x0  }
0x1da: {  	[sflag:s26] =	ssyncadd.s32 $0xFFFFF000  }
0x1db: {  	_ =	sfence.sel $0x180000  }
0x1dc: {  	[bflag:$0x0] =	sbarrier.arrive $0xFFFF  }
0x1dd: {  	_ =	strace $0x90000047  }
0x1de: {  	s0 =	stileid.u32;
	[bflag:$0x2] =	sbarrier.arrive $0xFFFF  }
0x1df: {  	p0 =	sne.s32 s0, $0x0;
	s0 =	rddreg [dreg:$0x2]  }
0x1e0: {  	s0 =	sadd.s32 @!p0 $0x100000, s0  }
0x1e1: {  	[sflag:s0] =	ssyncadd.tile.s32 @!p0 $0x1;
	_ =	shalt  }
.Lfunc_end2:
_tile_overlayer_lowered:
.L_overlay_start_2:
0x1e2: {  	(tag) =	ssettag $0x2  }
0x1e3: {  	s0 =	rddreg [dreg:$0x0];
	s2 =	stileid.u32  }
0x1e4: {  	s1 =	rddreg [dreg:$0x1];
	p0 =	sne.s32 s2, $0x0  }
0x1e5: {  	s3 =	rddreg [dreg:$0x2];
	[bflag:$0x3] =	sbarrier.arrive $0xFFFF;
	s2 =	simm.s32 @!p0 $0x1C05  }
0x1e6: {  	[timem:s3], [sflag:s2] =	dma.local @!p0 [hbm:s0], s1  }
0x1e7: {  	s0 =	simm.s32 @!p0 $0x5  }
0x1e8: {  	_ =	swait.ge @!p0 [sflag:s0], s1  }
0x1e9: {  	s1 =	ssub.s32 @!p0 $0x0, s1;
	[sflag:s0] =	ssyncset.done @!p0 $0x0  }
0x1ea: {  	[sflag:s0] =	ssyncadd.s32 @!p0 s1  }
0x1eb: {  	[bflag:$0x3] =	sbarrier.arrive $0xFFFF  }
0x1ec: {  	_ =	shalt  }

</sc_bundles>
